<compile_context>
chip_gen: v7x
topology: tpu7x:2x2x1
jax: 0.10.2.dev20260603
libtpu: 0.0.44.dev20260713+nightly
codegen_flags: <defaults>
</compile_context>

<pallas_src>
import functools

import jax
import jax.numpy as jnp
from jax import lax
from jax.experimental import pallas as pl
from jax.experimental.pallas import tpu as pltpu
from jax.experimental.pallas import tpu_sc as plsc

N = 10000
NP = 10240
E = 320000
D_IN = 128
D_HID = 128
D_OUT = 64
EPS = 1e-5

NC = 2
NS = 16
NW = NC * NS
EC = 125
EP = 320000
RW = EP // (NW * EC)
GR = 40
RPT = NP // NS


def _seg_sum_kernel(d, with_cnt):
    mesh = plsc.VectorSubcoreMesh(
        core_axis_name="c", subcore_axis_name="s", num_cores=NC, num_subcores=NS)

    out_type = [jax.ShapeDtypeStruct((NC, NP, d), jnp.float32)]
    scratch = [
        pltpu.VMEM_SHARED((NP, d), jnp.float32),
        pltpu.VMEM((GR, EC), jnp.int32),
        pltpu.VMEM((GR, EC), jnp.int32),
        pltpu.VMEM((EC, d), jnp.float32),
        pltpu.VMEM((EC, d), jnp.float32),
        pltpu.SemaphoreType.DMA,
        pltpu.SemaphoreType.DMA,
        pltpu.SemaphoreType.DMA,
        pltpu.SemaphoreType.DMA,
    ]
    if with_cnt:
        out_type.append(jax.ShapeDtypeStruct((NC, NP), jnp.float32))
        scratch += [
            pltpu.VMEM_SHARED((NP,), jnp.float32),
            pltpu.VMEM((128,), jnp.float32),
        ]

    def body(y_hbm, src_hbm, dst_hbm, *rest):
        if with_cnt:
            (out_hbm, cnt_hbm, acc, srcv, dstv, rows, rows1, sem, sem1,
             ssem, ssem1, accc, onesv) = rest
        else:
            (out_hbm, acc, srcv, dstv, rows, rows1, sem, sem1,
             ssem, ssem1) = rest
        cid = lax.axis_index("c")
        sid = lax.axis_index("s")
        wid = cid * NS + sid

        zero16 = jnp.zeros((16,), jnp.float32)

        def _zrow(i, _):
            for j in range(d // 16):
                rows[i, pl.ds(j * 16, 16)] = zero16
            return 0

        ZC = 80
        with jax.named_scope("sc_init"):
            lax.fori_loop(0, EC, _zrow, 0)
            for k in range(RPT // ZC):
                pltpu.sync_copy(rows.at[pl.ds(0, ZC)],
                                acc.at[pl.ds(sid * RPT + k * ZC, ZC)])

        if with_cnt:
            for j in range(8):
                onesv[pl.ds(j * 16, 16)] = zero16
            for k in range(RPT // ZC):
                pltpu.sync_copy(onesv.at[pl.ds(0, ZC)],
                                accc.at[pl.ds(sid * RPT + k * ZC, ZC)])
            one16 = jnp.ones((16,), jnp.float32)
            for j in range(8):
                onesv[pl.ds(j * 16, 16)] = one16

        plsc.subcore_barrier()

        npair = GR // 2

        def _group(g, _):
            base = wid * RW + g * GR
            pltpu.sync_copy(src_hbm.at[pl.ds(base, GR)], srcv)
            pltpu.sync_copy(dst_hbm.at[pl.ds(base, GR)], dstv)
            pltpu.async_copy(y_hbm.at[srcv.at[0]], rows, sem)

            def _pair(p, _):
                j0 = 2 * p
                pltpu.make_async_copy(y_hbm.at[srcv.at[j0]], rows, sem).wait()

                @pl.when(p > 0)
                def _():
                    pltpu.make_async_copy(
                        rows1, acc.at[dstv.at[j0 - 1]], ssem1).wait()

                pltpu.async_copy(y_hbm.at[srcv.at[j0 + 1]], rows1, sem1)
                pltpu.async_copy(rows, acc.at[dstv.at[j0]], ssem, add=True)
                if with_cnt:
                    pltpu.sync_copy(onesv.at[pl.ds(0, EC)],
                                    accc.at[dstv.at[j0]], add=True)
                pltpu.make_async_copy(
                    y_hbm.at[srcv.at[j0 + 1]], rows1, sem1).wait()
                pltpu.make_async_copy(rows, acc.at[dstv.at[j0]], ssem).wait()

                @pl.when(p < npair - 1)
                def _():
                    pltpu.async_copy(y_hbm.at[srcv.at[j0 + 2]], rows, sem)

                pltpu.async_copy(rows1, acc.at[dstv.at[j0 + 1]], ssem1,
                                 add=True)
                if with_cnt:
                    pltpu.sync_copy(onesv.at[pl.ds(0, EC)],
                                    accc.at[dstv.at[j0 + 1]], add=True)
                return 0

            lax.fori_loop(0, npair, _pair, 0)
            pltpu.make_async_copy(
                rows1, acc.at[dstv.at[GR - 1]], ssem1).wait()
            return 0

        with jax.named_scope("sc_edge_loop"):
            lax.fori_loop(0, RW // GR, _group, 0)

        with jax.named_scope("sc_wb"):
            plsc.subcore_barrier()
            pltpu.sync_copy(acc.at[pl.ds(sid * RPT, RPT)],
                            out_hbm.at[cid, pl.ds(sid * RPT, RPT)])
            if with_cnt:
                pltpu.sync_copy(accc.at[pl.ds(sid * RPT, RPT)],
                                cnt_hbm.at[cid, pl.ds(sid * RPT, RPT)])

    return pl.kernel(body, out_type=out_type, mesh=mesh, scratch_types=scratch)


_seg_sum_cnt_128 = _seg_sum_kernel(D_HID, True)
_seg_sum_128 = _seg_sum_kernel(D_HID, False)

_BR = 1000
_GRID = N // _BR


def _mm_body(x_ref, w_ref, o_ref):
    o_ref[...] = jnp.dot(x_ref[...], w_ref[...], preferred_element_type=jnp.float32)


def _tc_matmul(x, w):
    n, k = x.shape
    m = w.shape[1]
    return pl.pallas_call(
        _mm_body,
        grid=(_GRID,),
        in_specs=[pl.BlockSpec((_BR, k), lambda i: (i, 0)),
                  pl.BlockSpec((k, m), lambda i: (0, 0))],
        out_specs=pl.BlockSpec((_BR, m), lambda i: (i, 0)),
        out_shape=jax.ShapeDtypeStruct((n, m), jnp.float32),
    )(x, w)


def _make_comb_body(with_y):
    def _comb_body(s_ref, c_ref, h_ref, wr_ref, b_ref, g_ref, be_ref, rm_ref,
                   rv_ref, *rest):
        rc = 1.0 / jnp.maximum(c_ref[0] + c_ref[1], 1.0)
        agg = (s_ref[0] + s_ref[1]) * rc
        h = agg + jnp.dot(h_ref[...], wr_ref[...],
                          preferred_element_type=jnp.float32) + b_ref[...]
        scale = g_ref[...] * lax.rsqrt(rv_ref[...] + EPS)
        h = (h - rm_ref[...]) * scale + be_ref[...]
        h = jnp.maximum(h, 0.0)
        if with_y:
            wn_ref, h_out, y_out = rest
            h_out[...] = h
            y_out[...] = jnp.dot(h, wn_ref[...],
                                 preferred_element_type=jnp.float32)
        else:
            h_out, = rest
            h_out[...] = h
    return _comb_body


def _tc_combine(s, c, h, wr, b, g, be, rm, rv, wn=None):
    d = s.shape[2]
    vec = lambda: pl.BlockSpec((1, d), lambda i: (0, 0))
    in_specs = [pl.BlockSpec((NC, _BR, d), lambda i: (0, i, 0)),
                pl.BlockSpec((NC, _BR, 1), lambda i: (0, i, 0)),
                pl.BlockSpec((_BR, d), lambda i: (i, 0)),
                pl.BlockSpec((d, d), lambda i: (0, 0)),
                vec(), vec(), vec(), vec(), vec()]
    out_specs = [pl.BlockSpec((_BR, d), lambda i: (i, 0))]
    out_shape = [jax.ShapeDtypeStruct((N, d), jnp.float32)]
    args = (s, c, h, wr, b.reshape(1, d), g.reshape(1, d), be.reshape(1, d),
            rm.reshape(1, d), rv.reshape(1, d))
    if wn is not None:
        dn = wn.shape[1]
        in_specs.append(pl.BlockSpec((d, dn), lambda i: (0, 0)))
        out_specs = [pl.BlockSpec((_BR, d), lambda i: (i, 0)),
                     pl.BlockSpec((_BR, dn), lambda i: (i, 0))]
        out_shape = [jax.ShapeDtypeStruct((N, d), jnp.float32),
                     jax.ShapeDtypeStruct((N, dn), jnp.float32)]
        args = args + (wn,)
    return pl.pallas_call(
        _make_comb_body(wn is not None),
        grid=(_GRID,),
        in_specs=in_specs,
        out_specs=out_specs,
        out_shape=out_shape,
    )(*args)


def _fin_body(s_ref, c_ref, h_ref, wl_ref, wr_ref, b_ref, o_out):
    rc = 1.0 / jnp.maximum(c_ref[0] + c_ref[1], 1.0)
    agg = (s_ref[0] + s_ref[1]) * rc
    o = (jnp.dot(agg, wl_ref[...], preferred_element_type=jnp.float32)
         + jnp.dot(h_ref[...], wr_ref[...], preferred_element_type=jnp.float32)
         + b_ref[...])
    m = jnp.max(o, axis=1, keepdims=True)
    e = jnp.exp(o - m)
    o_out[...] = (o - m) - jnp.log(jnp.sum(e, axis=1, keepdims=True))


def _tc_final(s, c, h, wl, wr, b):
    d = h.shape[1]
    dn = wr.shape[1]
    return pl.pallas_call(
        _fin_body,
        grid=(_GRID,),
        in_specs=[pl.BlockSpec((NC, _BR, d), lambda i: (0, i, 0)),
                  pl.BlockSpec((NC, _BR, 1), lambda i: (0, i, 0)),
                  pl.BlockSpec((_BR, d), lambda i: (i, 0)),
                  pl.BlockSpec((d, dn), lambda i: (0, 0)),
                  pl.BlockSpec((d, dn), lambda i: (0, 0)),
                  pl.BlockSpec((1, dn), lambda i: (0, 0))],
        out_specs=pl.BlockSpec((_BR, dn), lambda i: (i, 0)),
        out_shape=jax.ShapeDtypeStruct((N, dn), jnp.float32),
    )(s, c, h, wl, wr, b.reshape(1, dn))


def kernel(x, edge_index, W0l, b0l, W0r, g0, be0, rm0, rv0,
           W1l, b1l, W1r, g1, be1, rm1, rv1, W2l, b2l, W2r):
    src = edge_index[0].reshape(EP // EC, EC)
    dst = edge_index[1].reshape(EP // EC, EC)

    y0 = _tc_matmul(x, W0l)
    s0, cnt = _seg_sum_cnt_128(y0, src, dst)
    cnt = cnt.reshape(NC, NP, 1)
    h1, y1 = _tc_combine(s0, cnt, x, W0r, b0l, g0, be0, rm0, rv0, W1l)
    s1, = _seg_sum_128(y1, src, dst)
    h2, = _tc_combine(s1, cnt, h1, W1r, b1l, g1, be1, rm1, rv1)
    s2, = _seg_sum_128(h2, src, dst)
    return _tc_final(s2, cnt, h2, W2l, W2r, b2l)

# --- scband reference (transcript-rebuilt; emitter-appended) ---
"""Pipeline reference for scband-graph-sage-59880434041043 (READ-ONLY COPY).

The authoritative reference and input builder live on the scoring server;
editing this copy changes nothing except your own understanding.
"""

import jax, jax.numpy as jnp
import numpy as np

N_NODES = 10000
N_EDGES = 320000
D_IN = 128
D_HID = 128
D_OUT = 64
EPS = 1e-5


def setup_inputs(seed: int = 0) -> dict:
    key = jax.random.key(seed)
    ks = jax.random.split(key, 16)
    x = jax.random.normal(ks[0], (N_NODES, D_IN), dtype=jnp.float32)
    edge_index = jax.random.randint(ks[1], (2, N_EDGES), 0, N_NODES, dtype=jnp.int64 if jax.config.jax_enable_x64 else jnp.int32).astype(jnp.int32)
    def glorot(k, fan_in, fan_out):
        lim = float(np.sqrt(6.0 / (fan_in + fan_out)))
        return jax.random.uniform(k, (fan_in, fan_out), dtype=jnp.float32, minval=-lim, maxval=lim)
    inp = {
        "x": x,
        "edge_index": edge_index,
        # conv0: SAGEConv(128 -> 128)
        "W0l": glorot(ks[2], D_IN, D_HID),
        "b0l": jnp.zeros((D_HID,), jnp.float32),
        "W0r": glorot(ks[3], D_IN, D_HID),
        "g0": jnp.ones((D_HID,), jnp.float32),
        "be0": jnp.zeros((D_HID,), jnp.float32),
        "rm0": jnp.zeros((D_HID,), jnp.float32),
        "rv0": jnp.ones((D_HID,), jnp.float32),
        # conv1: SAGEConv(128 -> 128)
        "W1l": glorot(ks[4], D_HID, D_HID),
        "b1l": jnp.zeros((D_HID,), jnp.float32),
        "W1r": glorot(ks[5], D_HID, D_HID),
        "g1": jnp.ones((D_HID,), jnp.float32),
        "be1": jnp.zeros((D_HID,), jnp.float32),
        "rm1": jnp.zeros((D_HID,), jnp.float32),
        "rv1": jnp.ones((D_HID,), jnp.float32),
        # conv2: SAGEConv(128 -> 64)
        "W2l": glorot(ks[6], D_HID, D_OUT),
        "b2l": jnp.zeros((D_OUT,), jnp.float32),
        "W2r": glorot(ks[7], D_HID, D_OUT),
    }
    return inp


def _sage_conv(x, edge_index, Wl, bl, Wr):
    # PyG SAGEConv with aggr='mean': out = lin_l(mean_j x_j) + lin_r(x_i)
    src = edge_index[0]
    dst = edge_index[1]
    msg = jnp.take(x, src, axis=0)
    agg = jax.ops.segment_sum(msg, dst, num_segments=N_NODES)
    cnt = jax.ops.segment_sum(jnp.ones((msg.shape[0],), jnp.float32), dst, num_segments=N_NODES)
    agg = agg / jnp.clip(cnt, 1.0, None)[:, None]
    return agg @ Wl + bl + x @ Wr


def _bn_eval(h, gamma, beta, rm, rv):
    return (h - rm) / jnp.sqrt(rv + EPS) * gamma + beta


def reference(x, edge_index, W0l, b0l, W0r, g0, be0, rm0, rv0,
              W1l, b1l, W1r, g1, be1, rm1, rv1, W2l, b2l, W2r):
    h = _sage_conv(x, edge_index, W0l, b0l, W0r)
    h = _bn_eval(h, g0, be0, rm0, rv0)
    h = jax.nn.relu(h)
    # dropout is identity in eval mode
    h = _sage_conv(h, edge_index, W1l, b1l, W1r)
    h = _bn_eval(h, g1, be1, rm1, rv1)
    h = jax.nn.relu(h)
    h = _sage_conv(h, edge_index, W2l, b2l, W2r)
    return jax.nn.log_softmax(h, axis=1)

if __name__ == "__main__":
    import jax
    _d = setup_inputs()
    print(jax.jit(kernel)(*tuple(_d.values())))

</pallas_src>

<mosaic_0001>
#map = affine_map<(d0, d1) -> (0, 0)>
#map1 = affine_map<(d0, d1) -> (0, 0, 0)>
module attributes {stable_mosaic.version = 14 : i64} {
  func.func @body(%arg0: i32, %arg1: i32, %arg2: memref<10000x128xf32, #tpu.memory_space<hbm>>, %arg3: memref<2560x125xi32, #tpu.memory_space<hbm>>, %arg4: memref<2560x125xi32, #tpu.memory_space<hbm>>, %arg5: memref<2x10240x128xf32, #tpu.memory_space<hbm>>, %arg6: memref<10240x128xf32, #tpu.memory_space<vmem_shared>>, %arg7: memref<40x125xi32, #tpu.memory_space<vmem>>, %arg8: memref<40x125xi32, #tpu.memory_space<vmem>>, %arg9: memref<125x128xf32, #tpu.memory_space<vmem>>, %arg10: memref<125x128xf32, #tpu.memory_space<vmem>>, %arg11: memref<!tpu.dma_semaphore, #tpu.memory_space<semaphore_mem>>, %arg12: memref<!tpu.dma_semaphore, #tpu.memory_space<semaphore_mem>>, %arg13: memref<!tpu.dma_semaphore, #tpu.memory_space<semaphore_mem>>, %arg14: memref<!tpu.dma_semaphore, #tpu.memory_space<semaphore_mem>>) attributes {dimension_semantics = [#tpu.dimension_semantics<core_parallel>, #tpu.dimension_semantics<subcore_parallel>], iteration_bounds = array<i64: 2, 16>, scalar_prefetch = 0 : i64, scratch_operands = 9 : i64, tpu.core_type = #tpu.core_type<sc_vector_subcore>, window_params = [{transform_indices = #map}, {transform_indices = #map}, {transform_indices = #map}, {transform_indices = #map1}]} {
    %mul3A = arith.constant 16 : i32
    %mul3A_0 = arith.muli %arg0, %mul3A : i32
    %add3A = arith.addi %mul3A_0, %arg1 : i32
    %broadcast_in_dim3A = arith.constant 0.000000e+00 : f32
    %broadcast_in_dim3A_1 = vector.broadcast %broadcast_in_dim3A : f32 to vector<16xf32>
    "tpu.trace_start"() <{level = 10 : i32, message = "sc_init"}> : () -> ()
    %scan3A = arith.constant 0 : i32
    %scan3A_2 = arith.constant 0 : i32
    %scan3A_3 = arith.constant 125 : i32
    %scan3A_4 = arith.addi %scan3A_2, %scan3A_3 : i32
    %scan3A_5 = arith.constant 1 : i32
    %scan3A_6 = scf.for %scan3A_52 = %scan3A_2 to %scan3A_4 step %scan3A_5 iter_args(%scan3A_53 = %scan3A) -> (i32)  : i32 {
      %swap3A = arith.index_cast %scan3A_52 : i32 to index
      %swap3A_54 = arith.constant 0 : index
      %swap3A_55 = tpu.vector_load %arg9[%swap3A, %swap3A_54] {strides = array<i32>} : memref<125x128xf32, #tpu.memory_space<vmem>>, vector<1x16xf32>,
      %swap3A_56 = vector.shape_cast %swap3A_55 : vector<1x16xf32> to vector<16xf32>
      %swap3A_57 = vector.shape_cast %broadcast_in_dim3A_1 : vector<16xf32> to vector<1x16xf32>
      tpu.vector_store %arg9[%swap3A, %swap3A_54], %swap3A_57 {strides = array<i32>} : memref<125x128xf32, #tpu.memory_space<vmem>>, vector<1x16xf32>,
      %swap3A_58 = arith.index_cast %scan3A_52 : i32 to index
      %swap3A_59 = arith.constant 16 : index
      %swap3A_60 = tpu.vector_load %arg9[%swap3A_58, %swap3A_59] {strides = array<i32>} : memref<125x128xf32, #tpu.memory_space<vmem>>, vector<1x16xf32>,
      %swap3A_61 = vector.shape_cast %swap3A_60 : vector<1x16xf32> to vector<16xf32>
      %swap3A_62 = vector.shape_cast %broadcast_in_dim3A_1 : vector<16xf32> to vector<1x16xf32>
      tpu.vector_store %arg9[%swap3A_58, %swap3A_59], %swap3A_62 {strides = array<i32>} : memref<125x128xf32, #tpu.memory_space<vmem>>, vector<1x16xf32>,
      %swap3A_63 = arith.index_cast %scan3A_52 : i32 to index
      %swap3A_64 = arith.constant 32 : index
      %swap3A_65 = tpu.vector_load %arg9[%swap3A_63, %swap3A_64] {strides = array<i32>} : memref<125x128xf32, #tpu.memory_space<vmem>>, vector<1x16xf32>,
      %swap3A_66 = vector.shape_cast %swap3A_65 : vector<1x16xf32> to vector<16xf32>
      %swap3A_67 = vector.shape_cast %broadcast_in_dim3A_1 : vector<16xf32> to vector<1x16xf32>
      tpu.vector_store %arg9[%swap3A_63, %swap3A_64], %swap3A_67 {strides = array<i32>} : memref<125x128xf32, #tpu.memory_space<vmem>>, vector<1x16xf32>,
      %swap3A_68 = arith.index_cast %scan3A_52 : i32 to index
      %swap3A_69 = arith.constant 48 : index
      %swap3A_70 = tpu.vector_load %arg9[%swap3A_68, %swap3A_69] {strides = array<i32>} : memref<125x128xf32, #tpu.memory_space<vmem>>, vector<1x16xf32>,
      %swap3A_71 = vector.shape_cast %swap3A_70 : vector<1x16xf32> to vector<16xf32>
      %swap3A_72 = vector.shape_cast %broadcast_in_dim3A_1 : vector<16xf32> to vector<1x16xf32>
      tpu.vector_store %arg9[%swap3A_68, %swap3A_69], %swap3A_72 {strides = array<i32>} : memref<125x128xf32, #tpu.memory_space<vmem>>, vector<1x16xf32>,
      %swap3A_73 = arith.index_cast %scan3A_52 : i32 to index
      %swap3A_74 = arith.constant 64 : index
      %swap3A_75 = tpu.vector_load %arg9[%swap3A_73, %swap3A_74] {strides = array<i32>} : memref<125x128xf32, #tpu.memory_space<vmem>>, vector<1x16xf32>,
      %swap3A_76 = vector.shape_cast %swap3A_75 : vector<1x16xf32> to vector<16xf32>
      %swap3A_77 = vector.shape_cast %broadcast_in_dim3A_1 : vector<16xf32> to vector<1x16xf32>
      tpu.vector_store %arg9[%swap3A_73, %swap3A_74], %swap3A_77 {strides = array<i32>} : memref<125x128xf32, #tpu.memory_space<vmem>>, vector<1x16xf32>,
      %swap3A_78 = arith.index_cast %scan3A_52 : i32 to index
      %swap3A_79 = arith.constant 80 : index
      %swap3A_80 = tpu.vector_load %arg9[%swap3A_78, %swap3A_79] {strides = array<i32>} : memref<125x128xf32, #tpu.memory_space<vmem>>, vector<1x16xf32>,
      %swap3A_81 = vector.shape_cast %swap3A_80 : vector<1x16xf32> to vector<16xf32>
      %swap3A_82 = vector.shape_cast %broadcast_in_dim3A_1 : vector<16xf32> to vector<1x16xf32>
      tpu.vector_store %arg9[%swap3A_78, %swap3A_79], %swap3A_82 {strides = array<i32>} : memref<125x128xf32, #tpu.memory_space<vmem>>, vector<1x16xf32>,
      %swap3A_83 = arith.index_cast %scan3A_52 : i32 to index
      %swap3A_84 = arith.constant 96 : index
      %swap3A_85 = tpu.vector_load %arg9[%swap3A_83, %swap3A_84] {strides = array<i32>} : memref<125x128xf32, #tpu.memory_space<vmem>>, vector<1x16xf32>,
      %swap3A_86 = vector.shape_cast %swap3A_85 : vector<1x16xf32> to vector<16xf32>
      %swap3A_87 = vector.shape_cast %broadcast_in_dim3A_1 : vector<16xf32> to vector<1x16xf32>
      tpu.vector_store %arg9[%swap3A_83, %swap3A_84], %swap3A_87 {strides = array<i32>} : memref<125x128xf32, #tpu.memory_space<vmem>>, vector<1x16xf32>,
      %swap3A_88 = arith.index_cast %scan3A_52 : i32 to index
      %swap3A_89 = arith.constant 112 : index
      %swap3A_90 = tpu.vector_load %arg9[%swap3A_88, %swap3A_89] {strides = array<i32>} : memref<125x128xf32, #tpu.memory_space<vmem>>, vector<1x16xf32>,
      %swap3A_91 = vector.shape_cast %swap3A_90 : vector<1x16xf32> to vector<16xf32>
      %swap3A_92 = vector.shape_cast %broadcast_in_dim3A_1 : vector<16xf32> to vector<1x16xf32>
      tpu.vector_store %arg9[%swap3A_88, %swap3A_89], %swap3A_92 {strides = array<i32>} : memref<125x128xf32, #tpu.memory_space<vmem>>, vector<1x16xf32>,
      %scan3A_93 = arith.constant 0 : i32
      scf.yield %scan3A_93 : i32
    }
    %scan3A_7 = arith.constant 125 : i32
    %mul3A_8 = arith.constant 640 : i32
    %mul3A_9 = arith.muli %arg1, %mul3A_8 : i32
    %add3A_10 = arith.constant 0 : i32
    %add3A_11 = arith.addi %mul3A_9, %add3A_10 : i32
    "tpu.region"() ({
      %run_scoped3A = tpu.sem_alloc : memref<!tpu.dma_semaphore, #tpu.memory_space<semaphore_mem>>
      %dma_start3A = arith.constant 0 : i32
      %dma_start3A_52 = arith.constant 0 : i32
      %dma_start3A_53 = tpu.memref_slice %arg9[%dma_start3A, %dma_start3A_52] : memref<125x128xf32, #tpu.memory_space<vmem>> -> memref<80x128xf32, #tpu.memory_space<vmem>>
      %dma_start3A_54 = arith.constant 0 : i32
      %dma_start3A_55 = tpu.memref_slice %arg6[%add3A_11, %dma_start3A_54] : memref<10240x128xf32, #tpu.memory_space<vmem_shared>> -> memref<80x128xf32, #tpu.memory_space<vmem_shared>>
      %dma_start3A_56 = arith.constant 0 : i32
      %dma_start3A_57 = tpu.memref_slice %arg6[%add3A_11, %dma_start3A_56] : memref<10240x128xf32, #tpu.memory_space<vmem_shared>> -> memref<80x128xf32, #tpu.memory_space<vmem_shared>>
      %dma_start3A_58 = arith.constant 0 : i32
      %dma_start3A_59 = arith.constant 0 : i32
      %dma_start3A_60 = tpu.memref_slice %arg9[%dma_start3A_58, %dma_start3A_59] : memref<125x128xf32, #tpu.memory_space<vmem>> -> memref<80x128xf32, #tpu.memory_space<vmem>>
      tpu.enqueue_dma source(%dma_start3A_60 : memref<80x128xf32, #tpu.memory_space<vmem>>) target(%dma_start3A_57 : memref<80x128xf32, #tpu.memory_space<vmem_shared>>) target_semaphore(%run_scoped3A : memref<!tpu.dma_semaphore, #tpu.memory_space<semaphore_mem>>)
      %dma_wait3A = arith.constant 0 : i32
      %dma_wait3A_61 = arith.constant 0 : i32
      %dma_wait3A_62 = tpu.memref_slice %arg9[%dma_wait3A, %dma_wait3A_61] : memref<125x128xf32, #tpu.memory_space<vmem>> -> memref<80x128xf32, #tpu.memory_space<vmem>>
      %dma_wait3A_63 = arith.constant 0 : i32
      %dma_wait3A_64 = tpu.memref_slice %arg6[%add3A_11, %dma_wait3A_63] : memref<10240x128xf32, #tpu.memory_space<vmem_shared>> -> memref<80x128xf32, #tpu.memory_space<vmem_shared>>
      %dma_wait3A_65 = arith.constant 0 : i32
      %dma_wait3A_66 = tpu.memref_slice %arg6[%add3A_11, %dma_wait3A_65] : memref<10240x128xf32, #tpu.memory_space<vmem_shared>> -> memref<80x128xf32, #tpu.memory_space<vmem_shared>>
      %dma_wait3A_67 = arith.constant 0 : i32
      %dma_wait3A_68 = arith.constant 0 : i32
      %dma_wait3A_69 = tpu.memref_slice %arg9[%dma_wait3A_67, %dma_wait3A_68] : memref<125x128xf32, #tpu.memory_space<vmem>> -> memref<80x128xf32, #tpu.memory_space<vmem>>
      tpu.wait_dma2 semaphore(%run_scoped3A : memref<!tpu.dma_semaphore, #tpu.memory_space<semaphore_mem>>) src(%dma_wait3A_69 : memref<80x128xf32, #tpu.memory_space<vmem>>) dst(%dma_wait3A_66 : memref<80x128xf32, #tpu.memory_space<vmem_shared>>)
      tpu.yield
    }) : () -> ()
    %mul3A_12 = arith.constant 640 : i32
    %mul3A_13 = arith.muli %arg1, %mul3A_12 : i32
    %add3A_14 = arith.constant 80 : i32
    %add3A_15 = arith.addi %mul3A_13, %add3A_14 : i32
    "tpu.region"() ({
      %run_scoped3A = tpu.sem_alloc : memref<!tpu.dma_semaphore, #tpu.memory_space<semaphore_mem>>
      %dma_start3A = arith.constant 0 : i32
      %dma_start3A_52 = arith.constant 0 : i32
      %dma_start3A_53 = tpu.memref_slice %arg9[%dma_start3A, %dma_start3A_52] : memref<125x128xf32, #tpu.memory_space<vmem>> -> memref<80x128xf32, #tpu.memory_space<vmem>>
      %dma_start3A_54 = arith.constant 0 : i32
      %dma_start3A_55 = tpu.memref_slice %arg6[%add3A_15, %dma_start3A_54] : memref<10240x128xf32, #tpu.memory_space<vmem_shared>> -> memref<80x128xf32, #tpu.memory_space<vmem_shared>>
      %dma_start3A_56 = arith.constant 0 : i32
      %dma_start3A_57 = tpu.memref_slice %arg6[%add3A_15, %dma_start3A_56] : memref<10240x128xf32, #tpu.memory_space<vmem_shared>> -> memref<80x128xf32, #tpu.memory_space<vmem_shared>>
      %dma_start3A_58 = arith.constant 0 : i32
      %dma_start3A_59 = arith.constant 0 : i32
      %dma_start3A_60 = tpu.memref_slice %arg9[%dma_start3A_58, %dma_start3A_59] : memref<125x128xf32, #tpu.memory_space<vmem>> -> memref<80x128xf32, #tpu.memory_space<vmem>>
      tpu.enqueue_dma source(%dma_start3A_60 : memref<80x128xf32, #tpu.memory_space<vmem>>) target(%dma_start3A_57 : memref<80x128xf32, #tpu.memory_space<vmem_shared>>) target_semaphore(%run_scoped3A : memref<!tpu.dma_semaphore, #tpu.memory_space<semaphore_mem>>)
      %dma_wait3A = arith.constant 0 : i32
      %dma_wait3A_61 = arith.constant 0 : i32
      %dma_wait3A_62 = tpu.memref_slice %arg9[%dma_wait3A, %dma_wait3A_61] : memref<125x128xf32, #tpu.memory_space<vmem>> -> memref<80x128xf32, #tpu.memory_space<vmem>>
      %dma_wait3A_63 = arith.constant 0 : i32
      %dma_wait3A_64 = tpu.memref_slice %arg6[%add3A_15, %dma_wait3A_63] : memref<10240x128xf32, #tpu.memory_space<vmem_shared>> -> memref<80x128xf32, #tpu.memory_space<vmem_shared>>
      %dma_wait3A_65 = arith.constant 0 : i32
      %dma_wait3A_66 = tpu.memref_slice %arg6[%add3A_15, %dma_wait3A_65] : memref<10240x128xf32, #tpu.memory_space<vmem_shared>> -> memref<80x128xf32, #tpu.memory_space<vmem_shared>>
      %dma_wait3A_67 = arith.constant 0 : i32
      %dma_wait3A_68 = arith.constant 0 : i32
      %dma_wait3A_69 = tpu.memref_slice %arg9[%dma_wait3A_67, %dma_wait3A_68] : memref<125x128xf32, #tpu.memory_space<vmem>> -> memref<80x128xf32, #tpu.memory_space<vmem>>
      tpu.wait_dma2 semaphore(%run_scoped3A : memref<!tpu.dma_semaphore, #tpu.memory_space<semaphore_mem>>) src(%dma_wait3A_69 : memref<80x128xf32, #tpu.memory_space<vmem>>) dst(%dma_wait3A_66 : memref<80x128xf32, #tpu.memory_space<vmem_shared>>)
      tpu.yield
    }) : () -> ()
    %mul3A_16 = arith.constant 640 : i32
    %mul3A_17 = arith.muli %arg1, %mul3A_16 : i32
    %add3A_18 = arith.constant 160 : i32
    %add3A_19 = arith.addi %mul3A_17, %add3A_18 : i32
    "tpu.region"() ({
      %run_scoped3A = tpu.sem_alloc : memref<!tpu.dma_semaphore, #tpu.memory_space<semaphore_mem>>
      %dma_start3A = arith.constant 0 : i32
      %dma_start3A_52 = arith.constant 0 : i32
      %dma_start3A_53 = tpu.memref_slice %arg9[%dma_start3A, %dma_start3A_52] : memref<125x128xf32, #tpu.memory_space<vmem>> -> memref<80x128xf32, #tpu.memory_space<vmem>>
      %dma_start3A_54 = arith.constant 0 : i32
      %dma_start3A_55 = tpu.memref_slice %arg6[%add3A_19, %dma_start3A_54] : memref<10240x128xf32, #tpu.memory_space<vmem_shared>> -> memref<80x128xf32, #tpu.memory_space<vmem_shared>>
      %dma_start3A_56 = arith.constant 0 : i32
      %dma_start3A_57 = tpu.memref_slice %arg6[%add3A_19, %dma_start3A_56] : memref<10240x128xf32, #tpu.memory_space<vmem_shared>> -> memref<80x128xf32, #tpu.memory_space<vmem_shared>>
      %dma_start3A_58 = arith.constant 0 : i32
      %dma_start3A_59 = arith.constant 0 : i32
      %dma_start3A_60 = tpu.memref_slice %arg9[%dma_start3A_58, %dma_start3A_59] : memref<125x128xf32, #tpu.memory_space<vmem>> -> memref<80x128xf32, #tpu.memory_space<vmem>>
      tpu.enqueue_dma source(%dma_start3A_60 : memref<80x128xf32, #tpu.memory_space<vmem>>) target(%dma_start3A_57 : memref<80x128xf32, #tpu.memory_space<vmem_shared>>) target_semaphore(%run_scoped3A : memref<!tpu.dma_semaphore, #tpu.memory_space<semaphore_mem>>)
      %dma_wait3A = arith.constant 0 : i32
      %dma_wait3A_61 = arith.constant 0 : i32
      %dma_wait3A_62 = tpu.memref_slice %arg9[%dma_wait3A, %dma_wait3A_61] : memref<125x128xf32, #tpu.memory_space<vmem>> -> memref<80x128xf32, #tpu.memory_space<vmem>>
      %dma_wait3A_63 = arith.constant 0 : i32
      %dma_wait3A_64 = tpu.memref_slice %arg6[%add3A_19, %dma_wait3A_63] : memref<10240x128xf32, #tpu.memory_space<vmem_shared>> -> memref<80x128xf32, #tpu.memory_space<vmem_shared>>
      %dma_wait3A_65 = arith.constant 0 : i32
      %dma_wait3A_66 = tpu.memref_slice %arg6[%add3A_19, %dma_wait3A_65] : memref<10240x128xf32, #tpu.memory_space<vmem_shared>> -> memref<80x128xf32, #tpu.memory_space<vmem_shared>>
      %dma_wait3A_67 = arith.constant 0 : i32
      %dma_wait3A_68 = arith.constant 0 : i32
      %dma_wait3A_69 = tpu.memref_slice %arg9[%dma_wait3A_67, %dma_wait3A_68] : memref<125x128xf32, #tpu.memory_space<vmem>> -> memref<80x128xf32, #tpu.memory_space<vmem>>
      tpu.wait_dma2 semaphore(%run_scoped3A : memref<!tpu.dma_semaphore, #tpu.memory_space<semaphore_mem>>) src(%dma_wait3A_69 : memref<80x128xf32, #tpu.memory_space<vmem>>) dst(%dma_wait3A_66 : memref<80x128xf32, #tpu.memory_space<vmem_shared>>)
      tpu.yield
    }) : () -> ()
    %mul3A_20 = arith.constant 640 : i32
    %mul3A_21 = arith.muli %arg1, %mul3A_20 : i32
    %add3A_22 = arith.constant 240 : i32
    %add3A_23 = arith.addi %mul3A_21, %add3A_22 : i32
    "tpu.region"() ({
      %run_scoped3A = tpu.sem_alloc : memref<!tpu.dma_semaphore, #tpu.memory_space<semaphore_mem>>
      %dma_start3A = arith.constant 0 : i32
      %dma_start3A_52 = arith.constant 0 : i32
      %dma_start3A_53 = tpu.memref_slice %arg9[%dma_start3A, %dma_start3A_52] : memref<125x128xf32, #tpu.memory_space<vmem>> -> memref<80x128xf32, #tpu.memory_space<vmem>>
      %dma_start3A_54 = arith.constant 0 : i32
      %dma_start3A_55 = tpu.memref_slice %arg6[%add3A_23, %dma_start3A_54] : memref<10240x128xf32, #tpu.memory_space<vmem_shared>> -> memref<80x128xf32, #tpu.memory_space<vmem_shared>>
      %dma_start3A_56 = arith.constant 0 : i32
      %dma_start3A_57 = tpu.memref_slice %arg6[%add3A_23, %dma_start3A_56] : memref<10240x128xf32, #tpu.memory_space<vmem_shared>> -> memref<80x128xf32, #tpu.memory_space<vmem_shared>>
      %dma_start3A_58 = arith.constant 0 : i32
      %dma_start3A_59 = arith.constant 0 : i32
      %dma_start3A_60 = tpu.memref_slice %arg9[%dma_start3A_58, %dma_start3A_59] : memref<125x128xf32, #tpu.memory_space<vmem>> -> memref<80x128xf32, #tpu.memory_space<vmem>>
      tpu.enqueue_dma source(%dma_start3A_60 : memref<80x128xf32, #tpu.memory_space<vmem>>) target(%dma_start3A_57 : memref<80x128xf32, #tpu.memory_space<vmem_shared>>) target_semaphore(%run_scoped3A : memref<!tpu.dma_semaphore, #tpu.memory_space<semaphore_mem>>)
      %dma_wait3A = arith.constant 0 : i32
      %dma_wait3A_61 = arith.constant 0 : i32
      %dma_wait3A_62 = tpu.memref_slice %arg9[%dma_wait3A, %dma_wait3A_61] : memref<125x128xf32, #tpu.memory_space<vmem>> -> memref<80x128xf32, #tpu.memory_space<vmem>>
      %dma_wait3A_63 = arith.constant 0 : i32
      %dma_wait3A_64 = tpu.memref_slice %arg6[%add3A_23, %dma_wait3A_63] : memref<10240x128xf32, #tpu.memory_space<vmem_shared>> -> memref<80x128xf32, #tpu.memory_space<vmem_shared>>
      %dma_wait3A_65 = arith.constant 0 : i32
      %dma_wait3A_66 = tpu.memref_slice %arg6[%add3A_23, %dma_wait3A_65] : memref<10240x128xf32, #tpu.memory_space<vmem_shared>> -> memref<80x128xf32, #tpu.memory_space<vmem_shared>>
      %dma_wait3A_67 = arith.constant 0 : i32
      %dma_wait3A_68 = arith.constant 0 : i32
      %dma_wait3A_69 = tpu.memref_slice %arg9[%dma_wait3A_67, %dma_wait3A_68] : memref<125x128xf32, #tpu.memory_space<vmem>> -> memref<80x128xf32, #tpu.memory_space<vmem>>
      tpu.wait_dma2 semaphore(%run_scoped3A : memref<!tpu.dma_semaphore, #tpu.memory_space<semaphore_mem>>) src(%dma_wait3A_69 : memref<80x128xf32, #tpu.memory_space<vmem>>) dst(%dma_wait3A_66 : memref<80x128xf32, #tpu.memory_space<vmem_shared>>)
      tpu.yield
    }) : () -> ()
    %mul3A_24 = arith.constant 640 : i32
    %mul3A_25 = arith.muli %arg1, %mul3A_24 : i32
    %add3A_26 = arith.constant 320 : i32
    %add3A_27 = arith.addi %mul3A_25, %add3A_26 : i32
    "tpu.region"() ({
      %run_scoped3A = tpu.sem_alloc : memref<!tpu.dma_semaphore, #tpu.memory_space<semaphore_mem>>
      %dma_start3A = arith.constant 0 : i32
      %dma_start3A_52 = arith.constant 0 : i32
      %dma_start3A_53 = tpu.memref_slice %arg9[%dma_start3A, %dma_start3A_52] : memref<125x128xf32, #tpu.memory_space<vmem>> -> memref<80x128xf32, #tpu.memory_space<vmem>>
      %dma_start3A_54 = arith.constant 0 : i32
      %dma_start3A_55 = tpu.memref_slice %arg6[%add3A_27, %dma_start3A_54] : memref<10240x128xf32, #tpu.memory_space<vmem_shared>> -> memref<80x128xf32, #tpu.memory_space<vmem_shared>>
      %dma_start3A_56 = arith.constant 0 : i32
      %dma_start3A_57 = tpu.memref_slice %arg6[%add3A_27, %dma_start3A_56] : memref<10240x128xf32, #tpu.memory_space<vmem_shared>> -> memref<80x128xf32, #tpu.memory_space<vmem_shared>>
      %dma_start3A_58 = arith.constant 0 : i32
      %dma_start3A_59 = arith.constant 0 : i32
      %dma_start3A_60 = tpu.memref_slice %arg9[%dma_start3A_58, %dma_start3A_59] : memref<125x128xf32, #tpu.memory_space<vmem>> -> memref<80x128xf32, #tpu.memory_space<vmem>>
      tpu.enqueue_dma source(%dma_start3A_60 : memref<80x128xf32, #tpu.memory_space<vmem>>) target(%dma_start3A_57 : memref<80x128xf32, #tpu.memory_space<vmem_shared>>) target_semaphore(%run_scoped3A : memref<!tpu.dma_semaphore, #tpu.memory_space<semaphore_mem>>)
      %dma_wait3A = arith.constant 0 : i32
      %dma_wait3A_61 = arith.constant 0 : i32
      %dma_wait3A_62 = tpu.memref_slice %arg9[%dma_wait3A, %dma_wait3A_61] : memref<125x128xf32, #tpu.memory_space<vmem>> -> memref<80x128xf32, #tpu.memory_space<vmem>>
      %dma_wait3A_63 = arith.constant 0 : i32
      %dma_wait3A_64 = tpu.memref_slice %arg6[%add3A_27, %dma_wait3A_63] : memref<10240x128xf32, #tpu.memory_space<vmem_shared>> -> memref<80x128xf32, #tpu.memory_space<vmem_shared>>
      %dma_wait3A_65 = arith.constant 0 : i32
      %dma_wait3A_66 = tpu.memref_slice %arg6[%add3A_27, %dma_wait3A_65] : memref<10240x128xf32, #tpu.memory_space<vmem_shared>> -> memref<80x128xf32, #tpu.memory_space<vmem_shared>>
      %dma_wait3A_67 = arith.constant 0 : i32
      %dma_wait3A_68 = arith.constant 0 : i32
      %dma_wait3A_69 = tpu.memref_slice %arg9[%dma_wait3A_67, %dma_wait3A_68] : memref<125x128xf32, #tpu.memory_space<vmem>> -> memref<80x128xf32, #tpu.memory_space<vmem>>
      tpu.wait_dma2 semaphore(%run_scoped3A : memref<!tpu.dma_semaphore, #tpu.memory_space<semaphore_mem>>) src(%dma_wait3A_69 : memref<80x128xf32, #tpu.memory_space<vmem>>) dst(%dma_wait3A_66 : memref<80x128xf32, #tpu.memory_space<vmem_shared>>)
      tpu.yield
    }) : () -> ()
    %mul3A_28 = arith.constant 640 : i32
    %mul3A_29 = arith.muli %arg1, %mul3A_28 : i32
    %add3A_30 = arith.constant 400 : i32
    %add3A_31 = arith.addi %mul3A_29, %add3A_30 : i32
    "tpu.region"() ({
      %run_scoped3A = tpu.sem_alloc : memref<!tpu.dma_semaphore, #tpu.memory_space<semaphore_mem>>
      %dma_start3A = arith.constant 0 : i32
      %dma_start3A_52 = arith.constant 0 : i32
      %dma_start3A_53 = tpu.memref_slice %arg9[%dma_start3A, %dma_start3A_52] : memref<125x128xf32, #tpu.memory_space<vmem>> -> memref<80x128xf32, #tpu.memory_space<vmem>>
      %dma_start3A_54 = arith.constant 0 : i32
      %dma_start3A_55 = tpu.memref_slice %arg6[%add3A_31, %dma_start3A_54] : memref<10240x128xf32, #tpu.memory_space<vmem_shared>> -> memref<80x128xf32, #tpu.memory_space<vmem_shared>>
      %dma_start3A_56 = arith.constant 0 : i32
      %dma_start3A_57 = tpu.memref_slice %arg6[%add3A_31, %dma_start3A_56] : memref<10240x128xf32, #tpu.memory_space<vmem_shared>> -> memref<80x128xf32, #tpu.memory_space<vmem_shared>>
      %dma_start3A_58 = arith.constant 0 : i32
      %dma_start3A_59 = arith.constant 0 : i32
      %dma_start3A_60 = tpu.memref_slice %arg9[%dma_start3A_58, %dma_start3A_59] : memref<125x128xf32, #tpu.memory_space<vmem>> -> memref<80x128xf32, #tpu.memory_space<vmem>>
      tpu.enqueue_dma source(%dma_start3A_60 : memref<80x128xf32, #tpu.memory_space<vmem>>) target(%dma_start3A_57 : memref<80x128xf32, #tpu.memory_space<vmem_shared>>) target_semaphore(%run_scoped3A : memref<!tpu.dma_semaphore, #tpu.memory_space<semaphore_mem>>)
      %dma_wait3A = arith.constant 0 : i32
      %dma_wait3A_61 = arith.constant 0 : i32
      %dma_wait3A_62 = tpu.memref_slice %arg9[%dma_wait3A, %dma_wait3A_61] : memref<125x128xf32, #tpu.memory_space<vmem>> -> memref<80x128xf32, #tpu.memory_space<vmem>>
      %dma_wait3A_63 = arith.constant 0 : i32
      %dma_wait3A_64 = tpu.memref_slice %arg6[%add3A_31, %dma_wait3A_63] : memref<10240x128xf32, #tpu.memory_space<vmem_shared>> -> memref<80x128xf32, #tpu.memory_space<vmem_shared>>
      %dma_wait3A_65 = arith.constant 0 : i32
      %dma_wait3A_66 = tpu.memref_slice %arg6[%add3A_31, %dma_wait3A_65] : memref<10240x128xf32, #tpu.memory_space<vmem_shared>> -> memref<80x128xf32, #tpu.memory_space<vmem_shared>>
      %dma_wait3A_67 = arith.constant 0 : i32
      %dma_wait3A_68 = arith.constant 0 : i32
      %dma_wait3A_69 = tpu.memref_slice %arg9[%dma_wait3A_67, %dma_wait3A_68] : memref<125x128xf32, #tpu.memory_space<vmem>> -> memref<80x128xf32, #tpu.memory_space<vmem>>
      tpu.wait_dma2 semaphore(%run_scoped3A : memref<!tpu.dma_semaphore, #tpu.memory_space<semaphore_mem>>) src(%dma_wait3A_69 : memref<80x128xf32, #tpu.memory_space<vmem>>) dst(%dma_wait3A_66 : memref<80x128xf32, #tpu.memory_space<vmem_shared>>)
      tpu.yield
    }) : () -> ()
    %mul3A_32 = arith.constant 640 : i32
    %mul3A_33 = arith.muli %arg1, %mul3A_32 : i32
    %add3A_34 = arith.constant 480 : i32
    %add3A_35 = arith.addi %mul3A_33, %add3A_34 : i32
    "tpu.region"() ({
      %run_scoped3A = tpu.sem_alloc : memref<!tpu.dma_semaphore, #tpu.memory_space<semaphore_mem>>
      %dma_start3A = arith.constant 0 : i32
      %dma_start3A_52 = arith.constant 0 : i32
      %dma_start3A_53 = tpu.memref_slice %arg9[%dma_start3A, %dma_start3A_52] : memref<125x128xf32, #tpu.memory_space<vmem>> -> memref<80x128xf32, #tpu.memory_space<vmem>>
      %dma_start3A_54 = arith.constant 0 : i32
      %dma_start3A_55 = tpu.memref_slice %arg6[%add3A_35, %dma_start3A_54] : memref<10240x128xf32, #tpu.memory_space<vmem_shared>> -> memref<80x128xf32, #tpu.memory_space<vmem_shared>>
      %dma_start3A_56 = arith.constant 0 : i32
      %dma_start3A_57 = tpu.memref_slice %arg6[%add3A_35, %dma_start3A_56] : memref<10240x128xf32, #tpu.memory_space<vmem_shared>> -> memref<80x128xf32, #tpu.memory_space<vmem_shared>>
      %dma_start3A_58 = arith.constant 0 : i32
      %dma_start3A_59 = arith.constant 0 : i32
      %dma_start3A_60 = tpu.memref_slice %arg9[%dma_start3A_58, %dma_start3A_59] : memref<125x128xf32, #tpu.memory_space<vmem>> -> memref<80x128xf32, #tpu.memory_space<vmem>>
      tpu.enqueue_dma source(%dma_start3A_60 : memref<80x128xf32, #tpu.memory_space<vmem>>) target(%dma_start3A_57 : memref<80x128xf32, #tpu.memory_space<vmem_shared>>) target_semaphore(%run_scoped3A : memref<!tpu.dma_semaphore, #tpu.memory_space<semaphore_mem>>)
      %dma_wait3A = arith.constant 0 : i32
      %dma_wait3A_61 = arith.constant 0 : i32
      %dma_wait3A_62 = tpu.memref_slice %arg9[%dma_wait3A, %dma_wait3A_61] : memref<125x128xf32, #tpu.memory_space<vmem>> -> memref<80x128xf32, #tpu.memory_space<vmem>>
      %dma_wait3A_63 = arith.constant 0 : i32
      %dma_wait3A_64 = tpu.memref_slice %arg6[%add3A_35, %dma_wait3A_63] : memref<10240x128xf32, #tpu.memory_space<vmem_shared>> -> memref<80x128xf32, #tpu.memory_space<vmem_shared>>
      %dma_wait3A_65 = arith.constant 0 : i32
      %dma_wait3A_66 = tpu.memref_slice %arg6[%add3A_35, %dma_wait3A_65] : memref<10240x128xf32, #tpu.memory_space<vmem_shared>> -> memref<80x128xf32, #tpu.memory_space<vmem_shared>>
      %dma_wait3A_67 = arith.constant 0 : i32
      %dma_wait3A_68 = arith.constant 0 : i32
      %dma_wait3A_69 = tpu.memref_slice %arg9[%dma_wait3A_67, %dma_wait3A_68] : memref<125x128xf32, #tpu.memory_space<vmem>> -> memref<80x128xf32, #tpu.memory_space<vmem>>
      tpu.wait_dma2 semaphore(%run_scoped3A : memref<!tpu.dma_semaphore, #tpu.memory_space<semaphore_mem>>) src(%dma_wait3A_69 : memref<80x128xf32, #tpu.memory_space<vmem>>) dst(%dma_wait3A_66 : memref<80x128xf32, #tpu.memory_space<vmem_shared>>)
      tpu.yield
    }) : () -> ()
    %mul3A_36 = arith.constant 640 : i32
    %mul3A_37 = arith.muli %arg1, %mul3A_36 : i32
    %add3A_38 = arith.constant 560 : i32
    %add3A_39 = arith.addi %mul3A_37, %add3A_38 : i32
    "tpu.region"() ({
      %run_scoped3A = tpu.sem_alloc : memref<!tpu.dma_semaphore, #tpu.memory_space<semaphore_mem>>
      %dma_start3A = arith.constant 0 : i32
      %dma_start3A_52 = arith.constant 0 : i32
      %dma_start3A_53 = tpu.memref_slice %arg9[%dma_start3A, %dma_start3A_52] : memref<125x128xf32, #tpu.memory_space<vmem>> -> memref<80x128xf32, #tpu.memory_space<vmem>>
      %dma_start3A_54 = arith.constant 0 : i32
      %dma_start3A_55 = tpu.memref_slice %arg6[%add3A_39, %dma_start3A_54] : memref<10240x128xf32, #tpu.memory_space<vmem_shared>> -> memref<80x128xf32, #tpu.memory_space<vmem_shared>>
      %dma_start3A_56 = arith.constant 0 : i32
      %dma_start3A_57 = tpu.memref_slice %arg6[%add3A_39, %dma_start3A_56] : memref<10240x128xf32, #tpu.memory_space<vmem_shared>> -> memref<80x128xf32, #tpu.memory_space<vmem_shared>>
      %dma_start3A_58 = arith.constant 0 : i32
      %dma_start3A_59 = arith.constant 0 : i32
      %dma_start3A_60 = tpu.memref_slice %arg9[%dma_start3A_58, %dma_start3A_59] : memref<125x128xf32, #tpu.memory_space<vmem>> -> memref<80x128xf32, #tpu.memory_space<vmem>>
      tpu.enqueue_dma source(%dma_start3A_60 : memref<80x128xf32, #tpu.memory_space<vmem>>) target(%dma_start3A_57 : memref<80x128xf32, #tpu.memory_space<vmem_shared>>) target_semaphore(%run_scoped3A : memref<!tpu.dma_semaphore, #tpu.memory_space<semaphore_mem>>)
      %dma_wait3A = arith.constant 0 : i32
      %dma_wait3A_61 = arith.constant 0 : i32
      %dma_wait3A_62 = tpu.memref_slice %arg9[%dma_wait3A, %dma_wait3A_61] : memref<125x128xf32, #tpu.memory_space<vmem>> -> memref<80x128xf32, #tpu.memory_space<vmem>>
      %dma_wait3A_63 = arith.constant 0 : i32
      %dma_wait3A_64 = tpu.memref_slice %arg6[%add3A_39, %dma_wait3A_63] : memref<10240x128xf32, #tpu.memory_space<vmem_shared>> -> memref<80x128xf32, #tpu.memory_space<vmem_shared>>
      %dma_wait3A_65 = arith.constant 0 : i32
      %dma_wait3A_66 = tpu.memref_slice %arg6[%add3A_39, %dma_wait3A_65] : memref<10240x128xf32, #tpu.memory_space<vmem_shared>> -> memref<80x128xf32, #tpu.memory_space<vmem_shared>>
      %dma_wait3A_67 = arith.constant 0 : i32
      %dma_wait3A_68 = arith.constant 0 : i32
      %dma_wait3A_69 = tpu.memref_slice %arg9[%dma_wait3A_67, %dma_wait3A_68] : memref<125x128xf32, #tpu.memory_space<vmem>> -> memref<80x128xf32, #tpu.memory_space<vmem>>
      tpu.wait_dma2 semaphore(%run_scoped3A : memref<!tpu.dma_semaphore, #tpu.memory_space<semaphore_mem>>) src(%dma_wait3A_69 : memref<80x128xf32, #tpu.memory_space<vmem>>) dst(%dma_wait3A_66 : memref<80x128xf32, #tpu.memory_space<vmem_shared>>)
      tpu.yield
    }) : () -> ()
    "tpu.trace_stop"() : () -> ()
    %barrier3A = arith.constant 0 : index
    tpu.barrier barrier_id(%barrier3A)
    "tpu.trace_start"() <{level = 10 : i32, message = "sc_edge_loop"}> : () -> ()
    %scan3A_40 = arith.constant 0 : i32
    %scan3A_41 = arith.constant 0 : i32
    %scan3A_42 = arith.constant 2 : i32
    %scan3A_43 = arith.addi %scan3A_41, %scan3A_42 : i32
    %scan3A_44 = arith.constant 1 : i32
    %scan3A_45 = scf.for %scan3A_52 = %scan3A_41 to %scan3A_43 step %scan3A_44 iter_args(%scan3A_53 = %scan3A_40) -> (i32)  : i32 {
      %mul3A_54 = arith.constant 80 : i32
      %mul3A_55 = arith.muli %add3A, %mul3A_54 : i32
      %mul3A_56 = arith.constant 40 : i32
      %mul3A_57 = arith.muli %scan3A_52, %mul3A_56 : i32
      %add3A_58 = arith.addi %mul3A_55, %mul3A_57 : i32
      "tpu.region"() ({
        %run_scoped3A = tpu.sem_alloc : memref<!tpu.dma_semaphore, #tpu.memory_space<semaphore_mem>>
        %dma_start3A_79 = arith.constant 0 : i32
        %dma_start3A_80 = tpu.memref_slice %arg3[%add3A_58, %dma_start3A_79] : memref<2560x125xi32, #tpu.memory_space<hbm>> -> memref<40x125xi32, #tpu.memory_space<hbm>>
        %dma_start3A_81 = arith.constant 0 : i32
        %dma_start3A_82 = tpu.memref_slice %arg3[%add3A_58, %dma_start3A_81] : memref<2560x125xi32, #tpu.memory_space<hbm>> -> memref<40x125xi32, #tpu.memory_space<hbm>>
        tpu.enqueue_dma source(%dma_start3A_82 : memref<40x125xi32, #tpu.memory_space<hbm>>) target(%arg7 : memref<40x125xi32, #tpu.memory_space<vmem>>) target_semaphore(%run_scoped3A : memref<!tpu.dma_semaphore, #tpu.memory_space<semaphore_mem>>)
        %dma_wait3A_83 = arith.constant 0 : i32
        %dma_wait3A_84 = tpu.memref_slice %arg3[%add3A_58, %dma_wait3A_83] : memref<2560x125xi32, #tpu.memory_space<hbm>> -> memref<40x125xi32, #tpu.memory_space<hbm>>
        %dma_wait3A_85 = arith.constant 0 : i32
        %dma_wait3A_86 = tpu.memref_slice %arg3[%add3A_58, %dma_wait3A_85] : memref<2560x125xi32, #tpu.memory_space<hbm>> -> memref<40x125xi32, #tpu.memory_space<hbm>>
        tpu.wait_dma2 semaphore(%run_scoped3A : memref<!tpu.dma_semaphore, #tpu.memory_space<semaphore_mem>>) src(%dma_wait3A_86 : memref<40x125xi32, #tpu.memory_space<hbm>>) dst(%arg7 : memref<40x125xi32, #tpu.memory_space<vmem>>)
        tpu.yield
      }) : () -> ()
      "tpu.region"() ({
        %run_scoped3A = tpu.sem_alloc : memref<!tpu.dma_semaphore, #tpu.memory_space<semaphore_mem>>
        %dma_start3A_79 = arith.constant 0 : i32
        %dma_start3A_80 = tpu.memref_slice %arg4[%add3A_58, %dma_start3A_79] : memref<2560x125xi32, #tpu.memory_space<hbm>> -> memref<40x125xi32, #tpu.memory_space<hbm>>
        %dma_start3A_81 = arith.constant 0 : i32
        %dma_start3A_82 = tpu.memref_slice %arg4[%add3A_58, %dma_start3A_81] : memref<2560x125xi32, #tpu.memory_space<hbm>> -> memref<40x125xi32, #tpu.memory_space<hbm>>
        tpu.enqueue_dma source(%dma_start3A_82 : memref<40x125xi32, #tpu.memory_space<hbm>>) target(%arg8 : memref<40x125xi32, #tpu.memory_space<vmem>>) target_semaphore(%run_scoped3A : memref<!tpu.dma_semaphore, #tpu.memory_space<semaphore_mem>>)
        %dma_wait3A_83 = arith.constant 0 : i32
        %dma_wait3A_84 = tpu.memref_slice %arg4[%add3A_58, %dma_wait3A_83] : memref<2560x125xi32, #tpu.memory_space<hbm>> -> memref<40x125xi32, #tpu.memory_space<hbm>>
        %dma_wait3A_85 = arith.constant 0 : i32
        %dma_wait3A_86 = tpu.memref_slice %arg4[%add3A_58, %dma_wait3A_85] : memref<2560x125xi32, #tpu.memory_space<hbm>> -> memref<40x125xi32, #tpu.memory_space<hbm>>
        tpu.wait_dma2 semaphore(%run_scoped3A : memref<!tpu.dma_semaphore, #tpu.memory_space<semaphore_mem>>) src(%dma_wait3A_86 : memref<40x125xi32, #tpu.memory_space<hbm>>) dst(%arg8 : memref<40x125xi32, #tpu.memory_space<vmem>>)
        tpu.yield
      }) : () -> ()
      %dma_start3A = arith.constant 0 : i32
      %dma_start3A_59 = arith.constant 0 : i32
      %dma_start3A_60 = tpu.memref_slice %arg7[%dma_start3A, %dma_start3A_59] : memref<40x125xi32, #tpu.memory_space<vmem>> -> memref<1x125xi32, #tpu.memory_space<vmem>>
      %dma_start3A_61 = tpu.memref_squeeze %dma_start3A_60 : memref<1x125xi32, #tpu.memory_space<vmem>> -> memref<125xi32, #tpu.memory_space<vmem>>
      %dma_start3A_62 = arith.constant 0 : i32
      %dma_start3A_63 = arith.constant 0 : i32
      %dma_start3A_64 = tpu.memref_slice %arg2[%dma_start3A_62, %dma_start3A_63] : memref<10000x128xf32, #tpu.memory_space<hbm>> -> memref<10000x128xf32, #tpu.memory_space<hbm>>
      tpu.enqueue_indirect_dma source(%dma_start3A_64 : memref<10000x128xf32, #tpu.memory_space<hbm>>) target(%arg9 : memref<125x128xf32, #tpu.memory_space<vmem>>) offsets(%dma_start3A_61 : memref<125xi32, #tpu.memory_space<vmem>>) semaphore(%arg11 : memref<!tpu.dma_semaphore, #tpu.memory_space<semaphore_mem>>)
      %scan3A_65 = arith.constant 0 : i32
      %scan3A_66 = arith.constant 0 : i32
      %scan3A_67 = arith.constant 20 : i32
      %scan3A_68 = arith.addi %scan3A_66, %scan3A_67 : i32
      %scan3A_69 = arith.constant 1 : i32
      %scan3A_70 = scf.for %scan3A_79 = %scan3A_66 to %scan3A_68 step %scan3A_69 iter_args(%scan3A_80 = %scan3A_65) -> (i32)  : i32 {
        %mul3A_81 = arith.constant 2 : i32
        %mul3A_82 = arith.muli %mul3A_81, %scan3A_79 : i32
        %dma_wait3A_83 = arith.constant 0 : i32
        %dma_wait3A_84 = tpu.memref_slice %arg7[%mul3A_82, %dma_wait3A_83] : memref<40x125xi32, #tpu.memory_space<vmem>> -> memref<1x125xi32, #tpu.memory_space<vmem>>
        %dma_wait3A_85 = tpu.memref_squeeze %dma_wait3A_84 : memref<1x125xi32, #tpu.memory_space<vmem>> -> memref<125xi32, #tpu.memory_space<vmem>>
        %dma_wait3A_86 = arith.constant 0 : i32
        %dma_wait3A_87 = arith.constant 0 : i32
        %dma_wait3A_88 = tpu.memref_slice %arg2[%dma_wait3A_86, %dma_wait3A_87] : memref<10000x128xf32, #tpu.memory_space<hbm>> -> memref<10000x128xf32, #tpu.memory_space<hbm>>
        tpu.wait_indirect_dma semaphore(%arg11 : memref<!tpu.dma_semaphore, #tpu.memory_space<semaphore_mem>>) src(%dma_wait3A_88 : memref<10000x128xf32, #tpu.memory_space<hbm>>) dst(%arg9 : memref<125x128xf32, #tpu.memory_space<vmem>>)
        %gt3A = arith.constant 0 : i32
        %gt3A_89 = arith.cmpi sgt, %scan3A_79, %gt3A : i32
        %convert_element_type3A = arith.extui %gt3A_89 : i1 to i32
        %cond3A = arith.constant 0 : i32
        %cond3A_90 = arith.cmpi ne, %convert_element_type3A, %cond3A : i32
        scf.if %cond3A_90 {
          %sub3A = arith.constant 1 : i32
          %sub3A_132 = arith.subi %mul3A_82, %sub3A : i32
          %dma_wait3A_133 = arith.constant 0 : i32
          %dma_wait3A_134 = tpu.memref_slice %arg8[%sub3A_132, %dma_wait3A_133] : memref<40x125xi32, #tpu.memory_space<vmem>> -> memref<1x125xi32, #tpu.memory_space<vmem>>
          %dma_wait3A_135 = tpu.memref_squeeze %dma_wait3A_134 : memref<1x125xi32, #tpu.memory_space<vmem>> -> memref<125xi32, #tpu.memory_space<vmem>>
          %dma_wait3A_136 = arith.constant 0 : i32
          %dma_wait3A_137 = arith.constant 0 : i32
          %dma_wait3A_138 = tpu.memref_slice %arg6[%dma_wait3A_136, %dma_wait3A_137] : memref<10240x128xf32, #tpu.memory_space<vmem_shared>> -> memref<10240x128xf32, #tpu.memory_space<vmem_shared>>
          tpu.wait_indirect_dma semaphore(%arg14 : memref<!tpu.dma_semaphore, #tpu.memory_space<semaphore_mem>>) src(%arg10 : memref<125x128xf32, #tpu.memory_space<vmem>>) dst(%dma_wait3A_138 : memref<10240x128xf32, #tpu.memory_space<vmem_shared>>)
        } else {
        }
        %add3A_91 = arith.constant 1 : i32
        %add3A_92 = arith.addi %mul3A_82, %add3A_91 : i32
        %dma_start3A_93 = arith.constant 0 : i32
        %dma_start3A_94 = tpu.memref_slice %arg7[%add3A_92, %dma_start3A_93] : memref<40x125xi32, #tpu.memory_space<vmem>> -> memref<1x125xi32, #tpu.memory_space<vmem>>
        %dma_start3A_95 = tpu.memref_squeeze %dma_start3A_94 : memref<1x125xi32, #tpu.memory_space<vmem>> -> memref<125xi32, #tpu.memory_space<vmem>>
        %dma_start3A_96 = arith.constant 0 : i32
        %dma_start3A_97 = arith.constant 0 : i32
        %dma_start3A_98 = tpu.memref_slice %arg2[%dma_start3A_96, %dma_start3A_97] : memref<10000x128xf32, #tpu.memory_space<hbm>> -> memref<10000x128xf32, #tpu.memory_space<hbm>>
        tpu.enqueue_indirect_dma source(%dma_start3A_98 : memref<10000x128xf32, #tpu.memory_space<hbm>>) target(%arg10 : memref<125x128xf32, #tpu.memory_space<vmem>>) offsets(%dma_start3A_95 : memref<125xi32, #tpu.memory_space<vmem>>) semaphore(%arg12 : memref<!tpu.dma_semaphore, #tpu.memory_space<semaphore_mem>>)
        %dma_start3A_99 = arith.constant 0 : i32
        %dma_start3A_100 = tpu.memref_slice %arg8[%mul3A_82, %dma_start3A_99] : memref<40x125xi32, #tpu.memory_space<vmem>> -> memref<1x125xi32, #tpu.memory_space<vmem>>
        %dma_start3A_101 = tpu.memref_squeeze %dma_start3A_100 : memref<1x125xi32, #tpu.memory_space<vmem>> -> memref<125xi32, #tpu.memory_space<vmem>>
        %dma_start3A_102 = arith.constant 0 : i32
        %dma_start3A_103 = arith.constant 0 : i32
        %dma_start3A_104 = tpu.memref_slice %arg6[%dma_start3A_102, %dma_start3A_103] : memref<10240x128xf32, #tpu.memory_space<vmem_shared>> -> memref<10240x128xf32, #tpu.memory_space<vmem_shared>>
        tpu.enqueue_indirect_dma source(%arg9 : memref<125x128xf32, #tpu.memory_space<vmem>>) target(%dma_start3A_104 : memref<10240x128xf32, #tpu.memory_space<vmem_shared>>) offsets(%dma_start3A_101 : memref<125xi32, #tpu.memory_space<vmem>>) semaphore(%arg13 : memref<!tpu.dma_semaphore, #tpu.memory_space<semaphore_mem>>) {add = true}
        %add3A_105 = arith.constant 1 : i32
        %add3A_106 = arith.addi %mul3A_82, %add3A_105 : i32
        %dma_wait3A_107 = arith.constant 0 : i32
        %dma_wait3A_108 = tpu.memref_slice %arg7[%add3A_106, %dma_wait3A_107] : memref<40x125xi32, #tpu.memory_space<vmem>> -> memref<1x125xi32, #tpu.memory_space<vmem>>
        %dma_wait3A_109 = tpu.memref_squeeze %dma_wait3A_108 : memref<1x125xi32, #tpu.memory_space<vmem>> -> memref<125xi32, #tpu.memory_space<vmem>>
        %dma_wait3A_110 = arith.constant 0 : i32
        %dma_wait3A_111 = arith.constant 0 : i32
        %dma_wait3A_112 = tpu.memref_slice %arg2[%dma_wait3A_110, %dma_wait3A_111] : memref<10000x128xf32, #tpu.memory_space<hbm>> -> memref<10000x128xf32, #tpu.memory_space<hbm>>
        tpu.wait_indirect_dma semaphore(%arg12 : memref<!tpu.dma_semaphore, #tpu.memory_space<semaphore_mem>>) src(%dma_wait3A_112 : memref<10000x128xf32, #tpu.memory_space<hbm>>) dst(%arg10 : memref<125x128xf32, #tpu.memory_space<vmem>>)
        %dma_wait3A_113 = arith.constant 0 : i32
        %dma_wait3A_114 = tpu.memref_slice %arg8[%mul3A_82, %dma_wait3A_113] : memref<40x125xi32, #tpu.memory_space<vmem>> -> memref<1x125xi32, #tpu.memory_space<vmem>>
        %dma_wait3A_115 = tpu.memref_squeeze %dma_wait3A_114 : memref<1x125xi32, #tpu.memory_space<vmem>> -> memref<125xi32, #tpu.memory_space<vmem>>
        %dma_wait3A_116 = arith.constant 0 : i32
        %dma_wait3A_117 = arith.constant 0 : i32
        %dma_wait3A_118 = tpu.memref_slice %arg6[%dma_wait3A_116, %dma_wait3A_117] : memref<10240x128xf32, #tpu.memory_space<vmem_shared>> -> memref<10240x128xf32, #tpu.memory_space<vmem_shared>>
        tpu.wait_indirect_dma semaphore(%arg13 : memref<!tpu.dma_semaphore, #tpu.memory_space<semaphore_mem>>) src(%arg9 : memref<125x128xf32, #tpu.memory_space<vmem>>) dst(%dma_wait3A_118 : memref<10240x128xf32, #tpu.memory_space<vmem_shared>>)
        %lt3A = arith.constant 19 : i32
        %lt3A_119 = arith.cmpi slt, %scan3A_79, %lt3A : i32
        %convert_element_type3A_120 = arith.extui %lt3A_119 : i1 to i32
        %cond3A_121 = arith.constant 0 : i32
        %cond3A_122 = arith.cmpi ne, %convert_element_type3A_120, %cond3A_121 : i32
        scf.if %cond3A_122 {
          %add3A_132 = arith.constant 2 : i32
          %add3A_133 = arith.addi %mul3A_82, %add3A_132 : i32
          %dma_start3A_134 = arith.constant 0 : i32
          %dma_start3A_135 = tpu.memref_slice %arg7[%add3A_133, %dma_start3A_134] : memref<40x125xi32, #tpu.memory_space<vmem>> -> memref<1x125xi32, #tpu.memory_space<vmem>>
          %dma_start3A_136 = tpu.memref_squeeze %dma_start3A_135 : memref<1x125xi32, #tpu.memory_space<vmem>> -> memref<125xi32, #tpu.memory_space<vmem>>
          %dma_start3A_137 = arith.constant 0 : i32
          %dma_start3A_138 = arith.constant 0 : i32
          %dma_start3A_139 = tpu.memref_slice %arg2[%dma_start3A_137, %dma_start3A_138] : memref<10000x128xf32, #tpu.memory_space<hbm>> -> memref<10000x128xf32, #tpu.memory_space<hbm>>
          tpu.enqueue_indirect_dma source(%dma_start3A_139 : memref<10000x128xf32, #tpu.memory_space<hbm>>) target(%arg9 : memref<125x128xf32, #tpu.memory_space<vmem>>) offsets(%dma_start3A_136 : memref<125xi32, #tpu.memory_space<vmem>>) semaphore(%arg11 : memref<!tpu.dma_semaphore, #tpu.memory_space<semaphore_mem>>)
        } else {
        }
        %add3A_123 = arith.constant 1 : i32
        %add3A_124 = arith.addi %mul3A_82, %add3A_123 : i32
        %dma_start3A_125 = arith.constant 0 : i32
        %dma_start3A_126 = tpu.memref_slice %arg8[%add3A_124, %dma_start3A_125] : memref<40x125xi32, #tpu.memory_space<vmem>> -> memref<1x125xi32, #tpu.memory_space<vmem>>
        %dma_start3A_127 = tpu.memref_squeeze %dma_start3A_126 : memref<1x125xi32, #tpu.memory_space<vmem>> -> memref<125xi32, #tpu.memory_space<vmem>>
        %dma_start3A_128 = arith.constant 0 : i32
        %dma_start3A_129 = arith.constant 0 : i32
        %dma_start3A_130 = tpu.memref_slice %arg6[%dma_start3A_128, %dma_start3A_129] : memref<10240x128xf32, #tpu.memory_space<vmem_shared>> -> memref<10240x128xf32, #tpu.memory_space<vmem_shared>>
        tpu.enqueue_indirect_dma source(%arg10 : memref<125x128xf32, #tpu.memory_space<vmem>>) target(%dma_start3A_130 : memref<10240x128xf32, #tpu.memory_space<vmem_shared>>) offsets(%dma_start3A_127 : memref<125xi32, #tpu.memory_space<vmem>>) semaphore(%arg14 : memref<!tpu.dma_semaphore, #tpu.memory_space<semaphore_mem>>) {add = true}
        %scan3A_131 = arith.constant 0 : i32
        scf.yield %scan3A_131 : i32
      }
      %scan3A_71 = arith.constant 20 : i32
      %dma_wait3A = arith.constant 39 : i32
      %dma_wait3A_72 = arith.constant 0 : i32
      %dma_wait3A_73 = tpu.memref_slice %arg8[%dma_wait3A, %dma_wait3A_72] : memref<40x125xi32, #tpu.memory_space<vmem>> -> memref<1x125xi32, #tpu.memory_space<vmem>>
      %dma_wait3A_74 = tpu.memref_squeeze %dma_wait3A_73 : memref<1x125xi32, #tpu.memory_space<vmem>> -> memref<125xi32, #tpu.memory_space<vmem>>
      %dma_wait3A_75 = arith.constant 0 : i32
      %dma_wait3A_76 = arith.constant 0 : i32
      %dma_wait3A_77 = tpu.memref_slice %arg6[%dma_wait3A_75, %dma_wait3A_76] : memref<10240x128xf32, #tpu.memory_space<vmem_shared>> -> memref<10240x128xf32, #tpu.memory_space<vmem_shared>>
      tpu.wait_indirect_dma semaphore(%arg14 : memref<!tpu.dma_semaphore, #tpu.memory_space<semaphore_mem>>) src(%arg10 : memref<125x128xf32, #tpu.memory_space<vmem>>) dst(%dma_wait3A_77 : memref<10240x128xf32, #tpu.memory_space<vmem_shared>>)
      %scan3A_78 = arith.constant 0 : i32
      scf.yield %scan3A_78 : i32
    }
    %scan3A_46 = arith.constant 2 : i32
    "tpu.trace_stop"() : () -> ()
    "tpu.trace_start"() <{level = 10 : i32, message = "sc_wb"}> : () -> ()
    %barrier3A_47 = arith.constant 0 : index
    tpu.barrier barrier_id(%barrier3A_47)
    %mul3A_48 = arith.constant 640 : i32
    %mul3A_49 = arith.muli %arg1, %mul3A_48 : i32
    %mul3A_50 = arith.constant 640 : i32
    %mul3A_51 = arith.muli %arg1, %mul3A_50 : i32
    "tpu.region"() ({
      %run_scoped3A = tpu.sem_alloc : memref<!tpu.dma_semaphore, #tpu.memory_space<semaphore_mem>>
      %dma_start3A = arith.constant 0 : i32
      %dma_start3A_52 = tpu.memref_slice %arg5[%arg0, %mul3A_51, %dma_start3A] : memref<2x10240x128xf32, #tpu.memory_space<hbm>> -> memref<1x640x128xf32, #tpu.memory_space<hbm>>
      %dma_start3A_53 = tpu.memref_squeeze %dma_start3A_52 : memref<1x640x128xf32, #tpu.memory_space<hbm>> -> memref<640x128xf32, #tpu.memory_space<hbm>>
      %dma_start3A_54 = arith.constant 0 : i32
      %dma_start3A_55 = tpu.memref_slice %arg6[%mul3A_49, %dma_start3A_54] : memref<10240x128xf32, #tpu.memory_space<vmem_shared>> -> memref<640x128xf32, #tpu.memory_space<vmem_shared>>
      tpu.enqueue_dma source(%dma_start3A_55 : memref<640x128xf32, #tpu.memory_space<vmem_shared>>) target(%dma_start3A_53 : memref<640x128xf32, #tpu.memory_space<hbm>>) target_semaphore(%run_scoped3A : memref<!tpu.dma_semaphore, #tpu.memory_space<semaphore_mem>>)
      %dma_wait3A = arith.constant 0 : i32
      %dma_wait3A_56 = tpu.memref_slice %arg5[%arg0, %mul3A_51, %dma_wait3A] : memref<2x10240x128xf32, #tpu.memory_space<hbm>> -> memref<1x640x128xf32, #tpu.memory_space<hbm>>
      %dma_wait3A_57 = tpu.memref_squeeze %dma_wait3A_56 : memref<1x640x128xf32, #tpu.memory_space<hbm>> -> memref<640x128xf32, #tpu.memory_space<hbm>>
      %dma_wait3A_58 = arith.constant 0 : i32
      %dma_wait3A_59 = tpu.memref_slice %arg6[%mul3A_49, %dma_wait3A_58] : memref<10240x128xf32, #tpu.memory_space<vmem_shared>> -> memref<640x128xf32, #tpu.memory_space<vmem_shared>>
      tpu.wait_dma2 semaphore(%run_scoped3A : memref<!tpu.dma_semaphore, #tpu.memory_space<semaphore_mem>>) src(%dma_wait3A_59 : memref<640x128xf32, #tpu.memory_space<vmem_shared>>) dst(%dma_wait3A_57 : memref<640x128xf32, #tpu.memory_space<hbm>>)
      tpu.yield
    }) : () -> ()
    "tpu.trace_stop"() : () -> ()
    return
  }
}

#map = affine_map<(d0, d1) -> (0, 0)>
#map1 = affine_map<(d0, d1) -> (0, 0, 0)>
module attributes {stable_mosaic.version = 14 : i64} {
  func.func @body(%arg0: i32, %arg1: i32, %arg2: memref<10000x128xf32, #tpu.memory_space<hbm>>, %arg3: memref<2560x125xi32, #tpu.memory_space<hbm>>, %arg4: memref<2560x125xi32, #tpu.memory_space<hbm>>, %arg5: memref<2x10240x128xf32, #tpu.memory_space<hbm>>, %arg6: memref<2x10240xf32, #tpu.memory_space<hbm>>, %arg7: memref<10240x128xf32, #tpu.memory_space<vmem_shared>>, %arg8: memref<40x125xi32, #tpu.memory_space<vmem>>, %arg9: memref<40x125xi32, #tpu.memory_space<vmem>>, %arg10: memref<125x128xf32, #tpu.memory_space<vmem>>, %arg11: memref<125x128xf32, #tpu.memory_space<vmem>>, %arg12: memref<!tpu.dma_semaphore, #tpu.memory_space<semaphore_mem>>, %arg13: memref<!tpu.dma_semaphore, #tpu.memory_space<semaphore_mem>>, %arg14: memref<!tpu.dma_semaphore, #tpu.memory_space<semaphore_mem>>, %arg15: memref<!tpu.dma_semaphore, #tpu.memory_space<semaphore_mem>>, %arg16: memref<10240xf32, #tpu.memory_space<vmem_shared>>, %arg17: memref<128xf32, #tpu.memory_space<vmem>>) attributes {dimension_semantics = [#tpu.dimension_semantics<core_parallel>, #tpu.dimension_semantics<subcore_parallel>], iteration_bounds = array<i64: 2, 16>, scalar_prefetch = 0 : i64, scratch_operands = 11 : i64, tpu.core_type = #tpu.core_type<sc_vector_subcore>, window_params = [{transform_indices = #map}, {transform_indices = #map}, {transform_indices = #map}, {transform_indices = #map1}, {transform_indices = #map}]} {
    %mul3A = arith.constant 16 : i32
    %mul3A_0 = arith.muli %arg0, %mul3A : i32
    %add3A = arith.addi %mul3A_0, %arg1 : i32
    %broadcast_in_dim3A = arith.constant 0.000000e+00 : f32
    %broadcast_in_dim3A_1 = vector.broadcast %broadcast_in_dim3A : f32 to vector<16xf32>
    "tpu.trace_start"() <{level = 10 : i32, message = "sc_init"}> : () -> ()
    %scan3A = arith.constant 0 : i32
    %scan3A_2 = arith.constant 0 : i32
    %scan3A_3 = arith.constant 125 : i32
    %scan3A_4 = arith.addi %scan3A_2, %scan3A_3 : i32
    %scan3A_5 = arith.constant 1 : i32
    %scan3A_6 = scf.for %scan3A_153 = %scan3A_2 to %scan3A_4 step %scan3A_5 iter_args(%scan3A_154 = %scan3A) -> (i32)  : i32 {
      %swap3A_155 = arith.index_cast %scan3A_153 : i32 to index
      %swap3A_156 = arith.constant 0 : index
      %swap3A_157 = tpu.vector_load %arg10[%swap3A_155, %swap3A_156] {strides = array<i32>} : memref<125x128xf32, #tpu.memory_space<vmem>>, vector<1x16xf32>,
      %swap3A_158 = vector.shape_cast %swap3A_157 : vector<1x16xf32> to vector<16xf32>
      %swap3A_159 = vector.shape_cast %broadcast_in_dim3A_1 : vector<16xf32> to vector<1x16xf32>
      tpu.vector_store %arg10[%swap3A_155, %swap3A_156], %swap3A_159 {strides = array<i32>} : memref<125x128xf32, #tpu.memory_space<vmem>>, vector<1x16xf32>,
      %swap3A_160 = arith.index_cast %scan3A_153 : i32 to index
      %swap3A_161 = arith.constant 16 : index
      %swap3A_162 = tpu.vector_load %arg10[%swap3A_160, %swap3A_161] {strides = array<i32>} : memref<125x128xf32, #tpu.memory_space<vmem>>, vector<1x16xf32>,
      %swap3A_163 = vector.shape_cast %swap3A_162 : vector<1x16xf32> to vector<16xf32>
      %swap3A_164 = vector.shape_cast %broadcast_in_dim3A_1 : vector<16xf32> to vector<1x16xf32>
      tpu.vector_store %arg10[%swap3A_160, %swap3A_161], %swap3A_164 {strides = array<i32>} : memref<125x128xf32, #tpu.memory_space<vmem>>, vector<1x16xf32>,
      %swap3A_165 = arith.index_cast %scan3A_153 : i32 to index
      %swap3A_166 = arith.constant 32 : index
      %swap3A_167 = tpu.vector_load %arg10[%swap3A_165, %swap3A_166] {strides = array<i32>} : memref<125x128xf32, #tpu.memory_space<vmem>>, vector<1x16xf32>,
      %swap3A_168 = vector.shape_cast %swap3A_167 : vector<1x16xf32> to vector<16xf32>
      %swap3A_169 = vector.shape_cast %broadcast_in_dim3A_1 : vector<16xf32> to vector<1x16xf32>
      tpu.vector_store %arg10[%swap3A_165, %swap3A_166], %swap3A_169 {strides = array<i32>} : memref<125x128xf32, #tpu.memory_space<vmem>>, vector<1x16xf32>,
      %swap3A_170 = arith.index_cast %scan3A_153 : i32 to index
      %swap3A_171 = arith.constant 48 : index
      %swap3A_172 = tpu.vector_load %arg10[%swap3A_170, %swap3A_171] {strides = array<i32>} : memref<125x128xf32, #tpu.memory_space<vmem>>, vector<1x16xf32>,
      %swap3A_173 = vector.shape_cast %swap3A_172 : vector<1x16xf32> to vector<16xf32>
      %swap3A_174 = vector.shape_cast %broadcast_in_dim3A_1 : vector<16xf32> to vector<1x16xf32>
      tpu.vector_store %arg10[%swap3A_170, %swap3A_171], %swap3A_174 {strides = array<i32>} : memref<125x128xf32, #tpu.memory_space<vmem>>, vector<1x16xf32>,
      %swap3A_175 = arith.index_cast %scan3A_153 : i32 to index
      %swap3A_176 = arith.constant 64 : index
      %swap3A_177 = tpu.vector_load %arg10[%swap3A_175, %swap3A_176] {strides = array<i32>} : memref<125x128xf32, #tpu.memory_space<vmem>>, vector<1x16xf32>,
      %swap3A_178 = vector.shape_cast %swap3A_177 : vector<1x16xf32> to vector<16xf32>
      %swap3A_179 = vector.shape_cast %broadcast_in_dim3A_1 : vector<16xf32> to vector<1x16xf32>
      tpu.vector_store %arg10[%swap3A_175, %swap3A_176], %swap3A_179 {strides = array<i32>} : memref<125x128xf32, #tpu.memory_space<vmem>>, vector<1x16xf32>,
      %swap3A_180 = arith.index_cast %scan3A_153 : i32 to index
      %swap3A_181 = arith.constant 80 : index
      %swap3A_182 = tpu.vector_load %arg10[%swap3A_180, %swap3A_181] {strides = array<i32>} : memref<125x128xf32, #tpu.memory_space<vmem>>, vector<1x16xf32>,
      %swap3A_183 = vector.shape_cast %swap3A_182 : vector<1x16xf32> to vector<16xf32>
      %swap3A_184 = vector.shape_cast %broadcast_in_dim3A_1 : vector<16xf32> to vector<1x16xf32>
      tpu.vector_store %arg10[%swap3A_180, %swap3A_181], %swap3A_184 {strides = array<i32>} : memref<125x128xf32, #tpu.memory_space<vmem>>, vector<1x16xf32>,
      %swap3A_185 = arith.index_cast %scan3A_153 : i32 to index
      %swap3A_186 = arith.constant 96 : index
      %swap3A_187 = tpu.vector_load %arg10[%swap3A_185, %swap3A_186] {strides = array<i32>} : memref<125x128xf32, #tpu.memory_space<vmem>>, vector<1x16xf32>,
      %swap3A_188 = vector.shape_cast %swap3A_187 : vector<1x16xf32> to vector<16xf32>
      %swap3A_189 = vector.shape_cast %broadcast_in_dim3A_1 : vector<16xf32> to vector<1x16xf32>
      tpu.vector_store %arg10[%swap3A_185, %swap3A_186], %swap3A_189 {strides = array<i32>} : memref<125x128xf32, #tpu.memory_space<vmem>>, vector<1x16xf32>,
      %swap3A_190 = arith.index_cast %scan3A_153 : i32 to index
      %swap3A_191 = arith.constant 112 : index
      %swap3A_192 = tpu.vector_load %arg10[%swap3A_190, %swap3A_191] {strides = array<i32>} : memref<125x128xf32, #tpu.memory_space<vmem>>, vector<1x16xf32>,
      %swap3A_193 = vector.shape_cast %swap3A_192 : vector<1x16xf32> to vector<16xf32>
      %swap3A_194 = vector.shape_cast %broadcast_in_dim3A_1 : vector<16xf32> to vector<1x16xf32>
      tpu.vector_store %arg10[%swap3A_190, %swap3A_191], %swap3A_194 {strides = array<i32>} : memref<125x128xf32, #tpu.memory_space<vmem>>, vector<1x16xf32>,
      %scan3A_195 = arith.constant 0 : i32
      scf.yield %scan3A_195 : i32
    }
    %scan3A_7 = arith.constant 125 : i32
    %mul3A_8 = arith.constant 640 : i32
    %mul3A_9 = arith.muli %arg1, %mul3A_8 : i32
    %add3A_10 = arith.constant 0 : i32
    %add3A_11 = arith.addi %mul3A_9, %add3A_10 : i32
    "tpu.region"() ({
      %run_scoped3A = tpu.sem_alloc : memref<!tpu.dma_semaphore, #tpu.memory_space<semaphore_mem>>
      %dma_start3A = arith.constant 0 : i32
      %dma_start3A_153 = arith.constant 0 : i32
      %dma_start3A_154 = tpu.memref_slice %arg10[%dma_start3A, %dma_start3A_153] : memref<125x128xf32, #tpu.memory_space<vmem>> -> memref<80x128xf32, #tpu.memory_space<vmem>>
      %dma_start3A_155 = arith.constant 0 : i32
      %dma_start3A_156 = tpu.memref_slice %arg7[%add3A_11, %dma_start3A_155] : memref<10240x128xf32, #tpu.memory_space<vmem_shared>> -> memref<80x128xf32, #tpu.memory_space<vmem_shared>>
      %dma_start3A_157 = arith.constant 0 : i32
      %dma_start3A_158 = tpu.memref_slice %arg7[%add3A_11, %dma_start3A_157] : memref<10240x128xf32, #tpu.memory_space<vmem_shared>> -> memref<80x128xf32, #tpu.memory_space<vmem_shared>>
      %dma_start3A_159 = arith.constant 0 : i32
      %dma_start3A_160 = arith.constant 0 : i32
      %dma_start3A_161 = tpu.memref_slice %arg10[%dma_start3A_159, %dma_start3A_160] : memref<125x128xf32, #tpu.memory_space<vmem>> -> memref<80x128xf32, #tpu.memory_space<vmem>>
      tpu.enqueue_dma source(%dma_start3A_161 : memref<80x128xf32, #tpu.memory_space<vmem>>) target(%dma_start3A_158 : memref<80x128xf32, #tpu.memory_space<vmem_shared>>) target_semaphore(%run_scoped3A : memref<!tpu.dma_semaphore, #tpu.memory_space<semaphore_mem>>)
      %dma_wait3A = arith.constant 0 : i32
      %dma_wait3A_162 = arith.constant 0 : i32
      %dma_wait3A_163 = tpu.memref_slice %arg10[%dma_wait3A, %dma_wait3A_162] : memref<125x128xf32, #tpu.memory_space<vmem>> -> memref<80x128xf32, #tpu.memory_space<vmem>>
      %dma_wait3A_164 = arith.constant 0 : i32
      %dma_wait3A_165 = tpu.memref_slice %arg7[%add3A_11, %dma_wait3A_164] : memref<10240x128xf32, #tpu.memory_space<vmem_shared>> -> memref<80x128xf32, #tpu.memory_space<vmem_shared>>
      %dma_wait3A_166 = arith.constant 0 : i32
      %dma_wait3A_167 = tpu.memref_slice %arg7[%add3A_11, %dma_wait3A_166] : memref<10240x128xf32, #tpu.memory_space<vmem_shared>> -> memref<80x128xf32, #tpu.memory_space<vmem_shared>>
      %dma_wait3A_168 = arith.constant 0 : i32
      %dma_wait3A_169 = arith.constant 0 : i32
      %dma_wait3A_170 = tpu.memref_slice %arg10[%dma_wait3A_168, %dma_wait3A_169] : memref<125x128xf32, #tpu.memory_space<vmem>> -> memref<80x128xf32, #tpu.memory_space<vmem>>
      tpu.wait_dma2 semaphore(%run_scoped3A : memref<!tpu.dma_semaphore, #tpu.memory_space<semaphore_mem>>) src(%dma_wait3A_170 : memref<80x128xf32, #tpu.memory_space<vmem>>) dst(%dma_wait3A_167 : memref<80x128xf32, #tpu.memory_space<vmem_shared>>)
      tpu.yield
    }) : () -> ()
    %mul3A_12 = arith.constant 640 : i32
    %mul3A_13 = arith.muli %arg1, %mul3A_12 : i32
    %add3A_14 = arith.constant 80 : i32
    %add3A_15 = arith.addi %mul3A_13, %add3A_14 : i32
    "tpu.region"() ({
      %run_scoped3A = tpu.sem_alloc : memref<!tpu.dma_semaphore, #tpu.memory_space<semaphore_mem>>
      %dma_start3A = arith.constant 0 : i32
      %dma_start3A_153 = arith.constant 0 : i32
      %dma_start3A_154 = tpu.memref_slice %arg10[%dma_start3A, %dma_start3A_153] : memref<125x128xf32, #tpu.memory_space<vmem>> -> memref<80x128xf32, #tpu.memory_space<vmem>>
      %dma_start3A_155 = arith.constant 0 : i32
      %dma_start3A_156 = tpu.memref_slice %arg7[%add3A_15, %dma_start3A_155] : memref<10240x128xf32, #tpu.memory_space<vmem_shared>> -> memref<80x128xf32, #tpu.memory_space<vmem_shared>>
      %dma_start3A_157 = arith.constant 0 : i32
      %dma_start3A_158 = tpu.memref_slice %arg7[%add3A_15, %dma_start3A_157] : memref<10240x128xf32, #tpu.memory_space<vmem_shared>> -> memref<80x128xf32, #tpu.memory_space<vmem_shared>>
      %dma_start3A_159 = arith.constant 0 : i32
      %dma_start3A_160 = arith.constant 0 : i32
      %dma_start3A_161 = tpu.memref_slice %arg10[%dma_start3A_159, %dma_start3A_160] : memref<125x128xf32, #tpu.memory_space<vmem>> -> memref<80x128xf32, #tpu.memory_space<vmem>>
      tpu.enqueue_dma source(%dma_start3A_161 : memref<80x128xf32, #tpu.memory_space<vmem>>) target(%dma_start3A_158 : memref<80x128xf32, #tpu.memory_space<vmem_shared>>) target_semaphore(%run_scoped3A : memref<!tpu.dma_semaphore, #tpu.memory_space<semaphore_mem>>)
      %dma_wait3A = arith.constant 0 : i32
      %dma_wait3A_162 = arith.constant 0 : i32
      %dma_wait3A_163 = tpu.memref_slice %arg10[%dma_wait3A, %dma_wait3A_162] : memref<125x128xf32, #tpu.memory_space<vmem>> -> memref<80x128xf32, #tpu.memory_space<vmem>>
      %dma_wait3A_164 = arith.constant 0 : i32
      %dma_wait3A_165 = tpu.memref_slice %arg7[%add3A_15, %dma_wait3A_164] : memref<10240x128xf32, #tpu.memory_space<vmem_shared>> -> memref<80x128xf32, #tpu.memory_space<vmem_shared>>
      %dma_wait3A_166 = arith.constant 0 : i32
      %dma_wait3A_167 = tpu.memref_slice %arg7[%add3A_15, %dma_wait3A_166] : memref<10240x128xf32, #tpu.memory_space<vmem_shared>> -> memref<80x128xf32, #tpu.memory_space<vmem_shared>>
      %dma_wait3A_168 = arith.constant 0 : i32
      %dma_wait3A_169 = arith.constant 0 : i32
      %dma_wait3A_170 = tpu.memref_slice %arg10[%dma_wait3A_168, %dma_wait3A_169] : memref<125x128xf32, #tpu.memory_space<vmem>> -> memref<80x128xf32, #tpu.memory_space<vmem>>
      tpu.wait_dma2 semaphore(%run_scoped3A : memref<!tpu.dma_semaphore, #tpu.memory_space<semaphore_mem>>) src(%dma_wait3A_170 : memref<80x128xf32, #tpu.memory_space<vmem>>) dst(%dma_wait3A_167 : memref<80x128xf32, #tpu.memory_space<vmem_shared>>)
      tpu.yield
    }) : () -> ()
    %mul3A_16 = arith.constant 640 : i32
    %mul3A_17 = arith.muli %arg1, %mul3A_16 : i32
    %add3A_18 = arith.constant 160 : i32
    %add3A_19 = arith.addi %mul3A_17, %add3A_18 : i32
    "tpu.region"() ({
      %run_scoped3A = tpu.sem_alloc : memref<!tpu.dma_semaphore, #tpu.memory_space<semaphore_mem>>
      %dma_start3A = arith.constant 0 : i32
      %dma_start3A_153 = arith.constant 0 : i32
      %dma_start3A_154 = tpu.memref_slice %arg10[%dma_start3A, %dma_start3A_153] : memref<125x128xf32, #tpu.memory_space<vmem>> -> memref<80x128xf32, #tpu.memory_space<vmem>>
      %dma_start3A_155 = arith.constant 0 : i32
      %dma_start3A_156 = tpu.memref_slice %arg7[%add3A_19, %dma_start3A_155] : memref<10240x128xf32, #tpu.memory_space<vmem_shared>> -> memref<80x128xf32, #tpu.memory_space<vmem_shared>>
      %dma_start3A_157 = arith.constant 0 : i32
      %dma_start3A_158 = tpu.memref_slice %arg7[%add3A_19, %dma_start3A_157] : memref<10240x128xf32, #tpu.memory_space<vmem_shared>> -> memref<80x128xf32, #tpu.memory_space<vmem_shared>>
      %dma_start3A_159 = arith.constant 0 : i32
      %dma_start3A_160 = arith.constant 0 : i32
      %dma_start3A_161 = tpu.memref_slice %arg10[%dma_start3A_159, %dma_start3A_160] : memref<125x128xf32, #tpu.memory_space<vmem>> -> memref<80x128xf32, #tpu.memory_space<vmem>>
      tpu.enqueue_dma source(%dma_start3A_161 : memref<80x128xf32, #tpu.memory_space<vmem>>) target(%dma_start3A_158 : memref<80x128xf32, #tpu.memory_space<vmem_shared>>) target_semaphore(%run_scoped3A : memref<!tpu.dma_semaphore, #tpu.memory_space<semaphore_mem>>)
      %dma_wait3A = arith.constant 0 : i32
      %dma_wait3A_162 = arith.constant 0 : i32
      %dma_wait3A_163 = tpu.memref_slice %arg10[%dma_wait3A, %dma_wait3A_162] : memref<125x128xf32, #tpu.memory_space<vmem>> -> memref<80x128xf32, #tpu.memory_space<vmem>>
      %dma_wait3A_164 = arith.constant 0 : i32
      %dma_wait3A_165 = tpu.memref_slice %arg7[%add3A_19, %dma_wait3A_164] : memref<10240x128xf32, #tpu.memory_space<vmem_shared>> -> memref<80x128xf32, #tpu.memory_space<vmem_shared>>
      %dma_wait3A_166 = arith.constant 0 : i32
      %dma_wait3A_167 = tpu.memref_slice %arg7[%add3A_19, %dma_wait3A_166] : memref<10240x128xf32, #tpu.memory_space<vmem_shared>> -> memref<80x128xf32, #tpu.memory_space<vmem_shared>>
      %dma_wait3A_168 = arith.constant 0 : i32
      %dma_wait3A_169 = arith.constant 0 : i32
      %dma_wait3A_170 = tpu.memref_slice %arg10[%dma_wait3A_168, %dma_wait3A_169] : memref<125x128xf32, #tpu.memory_space<vmem>> -> memref<80x128xf32, #tpu.memory_space<vmem>>
      tpu.wait_dma2 semaphore(%run_scoped3A : memref<!tpu.dma_semaphore, #tpu.memory_space<semaphore_mem>>) src(%dma_wait3A_170 : memref<80x128xf32, #tpu.memory_space<vmem>>) dst(%dma_wait3A_167 : memref<80x128xf32, #tpu.memory_space<vmem_shared>>)
      tpu.yield
    }) : () -> ()
    %mul3A_20 = arith.constant 640 : i32
    %mul3A_21 = arith.muli %arg1, %mul3A_20 : i32
    %add3A_22 = arith.constant 240 : i32
    %add3A_23 = arith.addi %mul3A_21, %add3A_22 : i32
    "tpu.region"() ({
      %run_scoped3A = tpu.sem_alloc : memref<!tpu.dma_semaphore, #tpu.memory_space<semaphore_mem>>
      %dma_start3A = arith.constant 0 : i32
      %dma_start3A_153 = arith.constant 0 : i32
      %dma_start3A_154 = tpu.memref_slice %arg10[%dma_start3A, %dma_start3A_153] : memref<125x128xf32, #tpu.memory_space<vmem>> -> memref<80x128xf32, #tpu.memory_space<vmem>>
      %dma_start3A_155 = arith.constant 0 : i32
      %dma_start3A_156 = tpu.memref_slice %arg7[%add3A_23, %dma_start3A_155] : memref<10240x128xf32, #tpu.memory_space<vmem_shared>> -> memref<80x128xf32, #tpu.memory_space<vmem_shared>>
      %dma_start3A_157 = arith.constant 0 : i32
      %dma_start3A_158 = tpu.memref_slice %arg7[%add3A_23, %dma_start3A_157] : memref<10240x128xf32, #tpu.memory_space<vmem_shared>> -> memref<80x128xf32, #tpu.memory_space<vmem_shared>>
      %dma_start3A_159 = arith.constant 0 : i32
      %dma_start3A_160 = arith.constant 0 : i32
      %dma_start3A_161 = tpu.memref_slice %arg10[%dma_start3A_159, %dma_start3A_160] : memref<125x128xf32, #tpu.memory_space<vmem>> -> memref<80x128xf32, #tpu.memory_space<vmem>>
      tpu.enqueue_dma source(%dma_start3A_161 : memref<80x128xf32, #tpu.memory_space<vmem>>) target(%dma_start3A_158 : memref<80x128xf32, #tpu.memory_space<vmem_shared>>) target_semaphore(%run_scoped3A : memref<!tpu.dma_semaphore, #tpu.memory_space<semaphore_mem>>)
      %dma_wait3A = arith.constant 0 : i32
      %dma_wait3A_162 = arith.constant 0 : i32
      %dma_wait3A_163 = tpu.memref_slice %arg10[%dma_wait3A, %dma_wait3A_162] : memref<125x128xf32, #tpu.memory_space<vmem>> -> memref<80x128xf32, #tpu.memory_space<vmem>>
      %dma_wait3A_164 = arith.constant 0 : i32
      %dma_wait3A_165 = tpu.memref_slice %arg7[%add3A_23, %dma_wait3A_164] : memref<10240x128xf32, #tpu.memory_space<vmem_shared>> -> memref<80x128xf32, #tpu.memory_space<vmem_shared>>
      %dma_wait3A_166 = arith.constant 0 : i32
      %dma_wait3A_167 = tpu.memref_slice %arg7[%add3A_23, %dma_wait3A_166] : memref<10240x128xf32, #tpu.memory_space<vmem_shared>> -> memref<80x128xf32, #tpu.memory_space<vmem_shared>>
      %dma_wait3A_168 = arith.constant 0 : i32
      %dma_wait3A_169 = arith.constant 0 : i32
      %dma_wait3A_170 = tpu.memref_slice %arg10[%dma_wait3A_168, %dma_wait3A_169] : memref<125x128xf32, #tpu.memory_space<vmem>> -> memref<80x128xf32, #tpu.memory_space<vmem>>
      tpu.wait_dma2 semaphore(%run_scoped3A : memref<!tpu.dma_semaphore, #tpu.memory_space<semaphore_mem>>) src(%dma_wait3A_170 : memref<80x128xf32, #tpu.memory_space<vmem>>) dst(%dma_wait3A_167 : memref<80x128xf32, #tpu.memory_space<vmem_shared>>)
      tpu.yield
    }) : () -> ()
    %mul3A_24 = arith.constant 640 : i32
    %mul3A_25 = arith.muli %arg1, %mul3A_24 : i32
    %add3A_26 = arith.constant 320 : i32
    %add3A_27 = arith.addi %mul3A_25, %add3A_26 : i32
    "tpu.region"() ({
      %run_scoped3A = tpu.sem_alloc : memref<!tpu.dma_semaphore, #tpu.memory_space<semaphore_mem>>
      %dma_start3A = arith.constant 0 : i32
      %dma_start3A_153 = arith.constant 0 : i32
      %dma_start3A_154 = tpu.memref_slice %arg10[%dma_start3A, %dma_start3A_153] : memref<125x128xf32, #tpu.memory_space<vmem>> -> memref<80x128xf32, #tpu.memory_space<vmem>>
      %dma_start3A_155 = arith.constant 0 : i32
      %dma_start3A_156 = tpu.memref_slice %arg7[%add3A_27, %dma_start3A_155] : memref<10240x128xf32, #tpu.memory_space<vmem_shared>> -> memref<80x128xf32, #tpu.memory_space<vmem_shared>>
      %dma_start3A_157 = arith.constant 0 : i32
      %dma_start3A_158 = tpu.memref_slice %arg7[%add3A_27, %dma_start3A_157] : memref<10240x128xf32, #tpu.memory_space<vmem_shared>> -> memref<80x128xf32, #tpu.memory_space<vmem_shared>>
      %dma_start3A_159 = arith.constant 0 : i32
      %dma_start3A_160 = arith.constant 0 : i32
      %dma_start3A_161 = tpu.memref_slice %arg10[%dma_start3A_159, %dma_start3A_160] : memref<125x128xf32, #tpu.memory_space<vmem>> -> memref<80x128xf32, #tpu.memory_space<vmem>>
      tpu.enqueue_dma source(%dma_start3A_161 : memref<80x128xf32, #tpu.memory_space<vmem>>) target(%dma_start3A_158 : memref<80x128xf32, #tpu.memory_space<vmem_shared>>) target_semaphore(%run_scoped3A : memref<!tpu.dma_semaphore, #tpu.memory_space<semaphore_mem>>)
      %dma_wait3A = arith.constant 0 : i32
      %dma_wait3A_162 = arith.constant 0 : i32
      %dma_wait3A_163 = tpu.memref_slice %arg10[%dma_wait3A, %dma_wait3A_162] : memref<125x128xf32, #tpu.memory_space<vmem>> -> memref<80x128xf32, #tpu.memory_space<vmem>>
      %dma_wait3A_164 = arith.constant 0 : i32
      %dma_wait3A_165 = tpu.memref_slice %arg7[%add3A_27, %dma_wait3A_164] : memref<10240x128xf32, #tpu.memory_space<vmem_shared>> -> memref<80x128xf32, #tpu.memory_space<vmem_shared>>
      %dma_wait3A_166 = arith.constant 0 : i32
      %dma_wait3A_167 = tpu.memref_slice %arg7[%add3A_27, %dma_wait3A_166] : memref<10240x128xf32, #tpu.memory_space<vmem_shared>> -> memref<80x128xf32, #tpu.memory_space<vmem_shared>>
      %dma_wait3A_168 = arith.constant 0 : i32
      %dma_wait3A_169 = arith.constant 0 : i32
      %dma_wait3A_170 = tpu.memref_slice %arg10[%dma_wait3A_168, %dma_wait3A_169] : memref<125x128xf32, #tpu.memory_space<vmem>> -> memref<80x128xf32, #tpu.memory_space<vmem>>
      tpu.wait_dma2 semaphore(%run_scoped3A : memref<!tpu.dma_semaphore, #tpu.memory_space<semaphore_mem>>) src(%dma_wait3A_170 : memref<80x128xf32, #tpu.memory_space<vmem>>) dst(%dma_wait3A_167 : memref<80x128xf32, #tpu.memory_space<vmem_shared>>)
      tpu.yield
    }) : () -> ()
    %mul3A_28 = arith.constant 640 : i32
    %mul3A_29 = arith.muli %arg1, %mul3A_28 : i32
    %add3A_30 = arith.constant 400 : i32
    %add3A_31 = arith.addi %mul3A_29, %add3A_30 : i32
    "tpu.region"() ({
      %run_scoped3A = tpu.sem_alloc : memref<!tpu.dma_semaphore, #tpu.memory_space<semaphore_mem>>
      %dma_start3A = arith.constant 0 : i32
      %dma_start3A_153 = arith.constant 0 : i32
      %dma_start3A_154 = tpu.memref_slice %arg10[%dma_start3A, %dma_start3A_153] : memref<125x128xf32, #tpu.memory_space<vmem>> -> memref<80x128xf32, #tpu.memory_space<vmem>>
      %dma_start3A_155 = arith.constant 0 : i32
      %dma_start3A_156 = tpu.memref_slice %arg7[%add3A_31, %dma_start3A_155] : memref<10240x128xf32, #tpu.memory_space<vmem_shared>> -> memref<80x128xf32, #tpu.memory_space<vmem_shared>>
      %dma_start3A_157 = arith.constant 0 : i32
      %dma_start3A_158 = tpu.memref_slice %arg7[%add3A_31, %dma_start3A_157] : memref<10240x128xf32, #tpu.memory_space<vmem_shared>> -> memref<80x128xf32, #tpu.memory_space<vmem_shared>>
      %dma_start3A_159 = arith.constant 0 : i32
      %dma_start3A_160 = arith.constant 0 : i32
      %dma_start3A_161 = tpu.memref_slice %arg10[%dma_start3A_159, %dma_start3A_160] : memref<125x128xf32, #tpu.memory_space<vmem>> -> memref<80x128xf32, #tpu.memory_space<vmem>>
      tpu.enqueue_dma source(%dma_start3A_161 : memref<80x128xf32, #tpu.memory_space<vmem>>) target(%dma_start3A_158 : memref<80x128xf32, #tpu.memory_space<vmem_shared>>) target_semaphore(%run_scoped3A : memref<!tpu.dma_semaphore, #tpu.memory_space<semaphore_mem>>)
      %dma_wait3A = arith.constant 0 : i32
      %dma_wait3A_162 = arith.constant 0 : i32
      %dma_wait3A_163 = tpu.memref_slice %arg10[%dma_wait3A, %dma_wait3A_162] : memref<125x128xf32, #tpu.memory_space<vmem>> -> memref<80x128xf32, #tpu.memory_space<vmem>>
      %dma_wait3A_164 = arith.constant 0 : i32
      %dma_wait3A_165 = tpu.memref_slice %arg7[%add3A_31, %dma_wait3A_164] : memref<10240x128xf32, #tpu.memory_space<vmem_shared>> -> memref<80x128xf32, #tpu.memory_space<vmem_shared>>
      %dma_wait3A_166 = arith.constant 0 : i32
      %dma_wait3A_167 = tpu.memref_slice %arg7[%add3A_31, %dma_wait3A_166] : memref<10240x128xf32, #tpu.memory_space<vmem_shared>> -> memref<80x128xf32, #tpu.memory_space<vmem_shared>>
      %dma_wait3A_168 = arith.constant 0 : i32
      %dma_wait3A_169 = arith.constant 0 : i32
      %dma_wait3A_170 = tpu.memref_slice %arg10[%dma_wait3A_168, %dma_wait3A_169] : memref<125x128xf32, #tpu.memory_space<vmem>> -> memref<80x128xf32, #tpu.memory_space<vmem>>
      tpu.wait_dma2 semaphore(%run_scoped3A : memref<!tpu.dma_semaphore, #tpu.memory_space<semaphore_mem>>) src(%dma_wait3A_170 : memref<80x128xf32, #tpu.memory_space<vmem>>) dst(%dma_wait3A_167 : memref<80x128xf32, #tpu.memory_space<vmem_shared>>)
      tpu.yield
    }) : () -> ()
    %mul3A_32 = arith.constant 640 : i32
    %mul3A_33 = arith.muli %arg1, %mul3A_32 : i32
    %add3A_34 = arith.constant 480 : i32
    %add3A_35 = arith.addi %mul3A_33, %add3A_34 : i32
    "tpu.region"() ({
      %run_scoped3A = tpu.sem_alloc : memref<!tpu.dma_semaphore, #tpu.memory_space<semaphore_mem>>
      %dma_start3A = arith.constant 0 : i32
      %dma_start3A_153 = arith.constant 0 : i32
      %dma_start3A_154 = tpu.memref_slice %arg10[%dma_start3A, %dma_start3A_153] : memref<125x128xf32, #tpu.memory_space<vmem>> -> memref<80x128xf32, #tpu.memory_space<vmem>>
      %dma_start3A_155 = arith.constant 0 : i32
      %dma_start3A_156 = tpu.memref_slice %arg7[%add3A_35, %dma_start3A_155] : memref<10240x128xf32, #tpu.memory_space<vmem_shared>> -> memref<80x128xf32, #tpu.memory_space<vmem_shared>>
      %dma_start3A_157 = arith.constant 0 : i32
      %dma_start3A_158 = tpu.memref_slice %arg7[%add3A_35, %dma_start3A_157] : memref<10240x128xf32, #tpu.memory_space<vmem_shared>> -> memref<80x128xf32, #tpu.memory_space<vmem_shared>>
      %dma_start3A_159 = arith.constant 0 : i32
      %dma_start3A_160 = arith.constant 0 : i32
      %dma_start3A_161 = tpu.memref_slice %arg10[%dma_start3A_159, %dma_start3A_160] : memref<125x128xf32, #tpu.memory_space<vmem>> -> memref<80x128xf32, #tpu.memory_space<vmem>>
      tpu.enqueue_dma source(%dma_start3A_161 : memref<80x128xf32, #tpu.memory_space<vmem>>) target(%dma_start3A_158 : memref<80x128xf32, #tpu.memory_space<vmem_shared>>) target_semaphore(%run_scoped3A : memref<!tpu.dma_semaphore, #tpu.memory_space<semaphore_mem>>)
      %dma_wait3A = arith.constant 0 : i32
      %dma_wait3A_162 = arith.constant 0 : i32
      %dma_wait3A_163 = tpu.memref_slice %arg10[%dma_wait3A, %dma_wait3A_162] : memref<125x128xf32, #tpu.memory_space<vmem>> -> memref<80x128xf32, #tpu.memory_space<vmem>>
      %dma_wait3A_164 = arith.constant 0 : i32
      %dma_wait3A_165 = tpu.memref_slice %arg7[%add3A_35, %dma_wait3A_164] : memref<10240x128xf32, #tpu.memory_space<vmem_shared>> -> memref<80x128xf32, #tpu.memory_space<vmem_shared>>
      %dma_wait3A_166 = arith.constant 0 : i32
      %dma_wait3A_167 = tpu.memref_slice %arg7[%add3A_35, %dma_wait3A_166] : memref<10240x128xf32, #tpu.memory_space<vmem_shared>> -> memref<80x128xf32, #tpu.memory_space<vmem_shared>>
      %dma_wait3A_168 = arith.constant 0 : i32
      %dma_wait3A_169 = arith.constant 0 : i32
      %dma_wait3A_170 = tpu.memref_slice %arg10[%dma_wait3A_168, %dma_wait3A_169] : memref<125x128xf32, #tpu.memory_space<vmem>> -> memref<80x128xf32, #tpu.memory_space<vmem>>
      tpu.wait_dma2 semaphore(%run_scoped3A : memref<!tpu.dma_semaphore, #tpu.memory_space<semaphore_mem>>) src(%dma_wait3A_170 : memref<80x128xf32, #tpu.memory_space<vmem>>) dst(%dma_wait3A_167 : memref<80x128xf32, #tpu.memory_space<vmem_shared>>)
      tpu.yield
    }) : () -> ()
    %mul3A_36 = arith.constant 640 : i32
    %mul3A_37 = arith.muli %arg1, %mul3A_36 : i32
    %add3A_38 = arith.constant 560 : i32
    %add3A_39 = arith.addi %mul3A_37, %add3A_38 : i32
    "tpu.region"() ({
      %run_scoped3A = tpu.sem_alloc : memref<!tpu.dma_semaphore, #tpu.memory_space<semaphore_mem>>
      %dma_start3A = arith.constant 0 : i32
      %dma_start3A_153 = arith.constant 0 : i32
      %dma_start3A_154 = tpu.memref_slice %arg10[%dma_start3A, %dma_start3A_153] : memref<125x128xf32, #tpu.memory_space<vmem>> -> memref<80x128xf32, #tpu.memory_space<vmem>>
      %dma_start3A_155 = arith.constant 0 : i32
      %dma_start3A_156 = tpu.memref_slice %arg7[%add3A_39, %dma_start3A_155] : memref<10240x128xf32, #tpu.memory_space<vmem_shared>> -> memref<80x128xf32, #tpu.memory_space<vmem_shared>>
      %dma_start3A_157 = arith.constant 0 : i32
      %dma_start3A_158 = tpu.memref_slice %arg7[%add3A_39, %dma_start3A_157] : memref<10240x128xf32, #tpu.memory_space<vmem_shared>> -> memref<80x128xf32, #tpu.memory_space<vmem_shared>>
      %dma_start3A_159 = arith.constant 0 : i32
      %dma_start3A_160 = arith.constant 0 : i32
      %dma_start3A_161 = tpu.memref_slice %arg10[%dma_start3A_159, %dma_start3A_160] : memref<125x128xf32, #tpu.memory_space<vmem>> -> memref<80x128xf32, #tpu.memory_space<vmem>>
      tpu.enqueue_dma source(%dma_start3A_161 : memref<80x128xf32, #tpu.memory_space<vmem>>) target(%dma_start3A_158 : memref<80x128xf32, #tpu.memory_space<vmem_shared>>) target_semaphore(%run_scoped3A : memref<!tpu.dma_semaphore, #tpu.memory_space<semaphore_mem>>)
      %dma_wait3A = arith.constant 0 : i32
      %dma_wait3A_162 = arith.constant 0 : i32
      %dma_wait3A_163 = tpu.memref_slice %arg10[%dma_wait3A, %dma_wait3A_162] : memref<125x128xf32, #tpu.memory_space<vmem>> -> memref<80x128xf32, #tpu.memory_space<vmem>>
      %dma_wait3A_164 = arith.constant 0 : i32
      %dma_wait3A_165 = tpu.memref_slice %arg7[%add3A_39, %dma_wait3A_164] : memref<10240x128xf32, #tpu.memory_space<vmem_shared>> -> memref<80x128xf32, #tpu.memory_space<vmem_shared>>
      %dma_wait3A_166 = arith.constant 0 : i32
      %dma_wait3A_167 = tpu.memref_slice %arg7[%add3A_39, %dma_wait3A_166] : memref<10240x128xf32, #tpu.memory_space<vmem_shared>> -> memref<80x128xf32, #tpu.memory_space<vmem_shared>>
      %dma_wait3A_168 = arith.constant 0 : i32
      %dma_wait3A_169 = arith.constant 0 : i32
      %dma_wait3A_170 = tpu.memref_slice %arg10[%dma_wait3A_168, %dma_wait3A_169] : memref<125x128xf32, #tpu.memory_space<vmem>> -> memref<80x128xf32, #tpu.memory_space<vmem>>
      tpu.wait_dma2 semaphore(%run_scoped3A : memref<!tpu.dma_semaphore, #tpu.memory_space<semaphore_mem>>) src(%dma_wait3A_170 : memref<80x128xf32, #tpu.memory_space<vmem>>) dst(%dma_wait3A_167 : memref<80x128xf32, #tpu.memory_space<vmem_shared>>)
      tpu.yield
    }) : () -> ()
    "tpu.trace_stop"() : () -> ()
    %swap3A = arith.constant 0 : index
    %swap3A_40 = tpu.vector_load %arg17[%swap3A] {strides = array<i32>} : memref<128xf32, #tpu.memory_space<vmem>>, vector<16xf32>,
    %swap3A_41 = vector.shape_cast %swap3A_40 : vector<16xf32> to vector<16xf32>
    %swap3A_42 = vector.shape_cast %broadcast_in_dim3A_1 : vector<16xf32> to vector<16xf32>
    tpu.vector_store %arg17[%swap3A], %swap3A_42 {strides = array<i32>} : memref<128xf32, #tpu.memory_space<vmem>>, vector<16xf32>,
    %swap3A_43 = arith.constant 16 : index
    %swap3A_44 = tpu.vector_load %arg17[%swap3A_43] {strides = array<i32>} : memref<128xf32, #tpu.memory_space<vmem>>, vector<16xf32>,
    %swap3A_45 = vector.shape_cast %swap3A_44 : vector<16xf32> to vector<16xf32>
    %swap3A_46 = vector.shape_cast %broadcast_in_dim3A_1 : vector<16xf32> to vector<16xf32>
    tpu.vector_store %arg17[%swap3A_43], %swap3A_46 {strides = array<i32>} : memref<128xf32, #tpu.memory_space<vmem>>, vector<16xf32>,
    %swap3A_47 = arith.constant 32 : index
    %swap3A_48 = tpu.vector_load %arg17[%swap3A_47] {strides = array<i32>} : memref<128xf32, #tpu.memory_space<vmem>>, vector<16xf32>,
    %swap3A_49 = vector.shape_cast %swap3A_48 : vector<16xf32> to vector<16xf32>
    %swap3A_50 = vector.shape_cast %broadcast_in_dim3A_1 : vector<16xf32> to vector<16xf32>
    tpu.vector_store %arg17[%swap3A_47], %swap3A_50 {strides = array<i32>} : memref<128xf32, #tpu.memory_space<vmem>>, vector<16xf32>,
    %swap3A_51 = arith.constant 48 : index
    %swap3A_52 = tpu.vector_load %arg17[%swap3A_51] {strides = array<i32>} : memref<128xf32, #tpu.memory_space<vmem>>, vector<16xf32>,
    %swap3A_53 = vector.shape_cast %swap3A_52 : vector<16xf32> to vector<16xf32>
    %swap3A_54 = vector.shape_cast %broadcast_in_dim3A_1 : vector<16xf32> to vector<16xf32>
    tpu.vector_store %arg17[%swap3A_51], %swap3A_54 {strides = array<i32>} : memref<128xf32, #tpu.memory_space<vmem>>, vector<16xf32>,
    %swap3A_55 = arith.constant 64 : index
    %swap3A_56 = tpu.vector_load %arg17[%swap3A_55] {strides = array<i32>} : memref<128xf32, #tpu.memory_space<vmem>>, vector<16xf32>,
    %swap3A_57 = vector.shape_cast %swap3A_56 : vector<16xf32> to vector<16xf32>
    %swap3A_58 = vector.shape_cast %broadcast_in_dim3A_1 : vector<16xf32> to vector<16xf32>
    tpu.vector_store %arg17[%swap3A_55], %swap3A_58 {strides = array<i32>} : memref<128xf32, #tpu.memory_space<vmem>>, vector<16xf32>,
    %swap3A_59 = arith.constant 80 : index
    %swap3A_60 = tpu.vector_load %arg17[%swap3A_59] {strides = array<i32>} : memref<128xf32, #tpu.memory_space<vmem>>, vector<16xf32>,
    %swap3A_61 = vector.shape_cast %swap3A_60 : vector<16xf32> to vector<16xf32>
    %swap3A_62 = vector.shape_cast %broadcast_in_dim3A_1 : vector<16xf32> to vector<16xf32>
    tpu.vector_store %arg17[%swap3A_59], %swap3A_62 {strides = array<i32>} : memref<128xf32, #tpu.memory_space<vmem>>, vector<16xf32>,
    %swap3A_63 = arith.constant 96 : index
    %swap3A_64 = tpu.vector_load %arg17[%swap3A_63] {strides = array<i32>} : memref<128xf32, #tpu.memory_space<vmem>>, vector<16xf32>,
    %swap3A_65 = vector.shape_cast %swap3A_64 : vector<16xf32> to vector<16xf32>
    %swap3A_66 = vector.shape_cast %broadcast_in_dim3A_1 : vector<16xf32> to vector<16xf32>
    tpu.vector_store %arg17[%swap3A_63], %swap3A_66 {strides = array<i32>} : memref<128xf32, #tpu.memory_space<vmem>>, vector<16xf32>,
    %swap3A_67 = arith.constant 112 : index
    %swap3A_68 = tpu.vector_load %arg17[%swap3A_67] {strides = array<i32>} : memref<128xf32, #tpu.memory_space<vmem>>, vector<16xf32>,
    %swap3A_69 = vector.shape_cast %swap3A_68 : vector<16xf32> to vector<16xf32>
    %swap3A_70 = vector.shape_cast %broadcast_in_dim3A_1 : vector<16xf32> to vector<16xf32>
    tpu.vector_store %arg17[%swap3A_67], %swap3A_70 {strides = array<i32>} : memref<128xf32, #tpu.memory_space<vmem>>, vector<16xf32>,
    %mul3A_71 = arith.constant 640 : i32
    %mul3A_72 = arith.muli %arg1, %mul3A_71 : i32
    %add3A_73 = arith.constant 0 : i32
    %add3A_74 = arith.addi %mul3A_72, %add3A_73 : i32
    "tpu.region"() ({
      %run_scoped3A = tpu.sem_alloc : memref<!tpu.dma_semaphore, #tpu.memory_space<semaphore_mem>>
      %dma_start3A = arith.constant 0 : i32
      %dma_start3A_153 = tpu.memref_slice %arg17[%dma_start3A] : memref<128xf32, #tpu.memory_space<vmem>> -> memref<80xf32, #tpu.memory_space<vmem>>
      %dma_start3A_154 = tpu.memref_slice %arg16[%add3A_74] : memref<10240xf32, #tpu.memory_space<vmem_shared>> -> memref<80xf32, #tpu.memory_space<vmem_shared>>
      %dma_start3A_155 = tpu.memref_slice %arg16[%add3A_74] : memref<10240xf32, #tpu.memory_space<vmem_shared>> -> memref<80xf32, #tpu.memory_space<vmem_shared>>
      %dma_start3A_156 = arith.constant 0 : i32
      %dma_start3A_157 = tpu.memref_slice %arg17[%dma_start3A_156] : memref<128xf32, #tpu.memory_space<vmem>> -> memref<80xf32, #tpu.memory_space<vmem>>
      tpu.enqueue_dma source(%dma_start3A_157 : memref<80xf32, #tpu.memory_space<vmem>>) target(%dma_start3A_155 : memref<80xf32, #tpu.memory_space<vmem_shared>>) target_semaphore(%run_scoped3A : memref<!tpu.dma_semaphore, #tpu.memory_space<semaphore_mem>>)
      %dma_wait3A = arith.constant 0 : i32
      %dma_wait3A_158 = tpu.memref_slice %arg17[%dma_wait3A] : memref<128xf32, #tpu.memory_space<vmem>> -> memref<80xf32, #tpu.memory_space<vmem>>
      %dma_wait3A_159 = tpu.memref_slice %arg16[%add3A_74] : memref<10240xf32, #tpu.memory_space<vmem_shared>> -> memref<80xf32, #tpu.memory_space<vmem_shared>>
      %dma_wait3A_160 = tpu.memref_slice %arg16[%add3A_74] : memref<10240xf32, #tpu.memory_space<vmem_shared>> -> memref<80xf32, #tpu.memory_space<vmem_shared>>
      %dma_wait3A_161 = arith.constant 0 : i32
      %dma_wait3A_162 = tpu.memref_slice %arg17[%dma_wait3A_161] : memref<128xf32, #tpu.memory_space<vmem>> -> memref<80xf32, #tpu.memory_space<vmem>>
      tpu.wait_dma2 semaphore(%run_scoped3A : memref<!tpu.dma_semaphore, #tpu.memory_space<semaphore_mem>>) src(%dma_wait3A_162 : memref<80xf32, #tpu.memory_space<vmem>>) dst(%dma_wait3A_160 : memref<80xf32, #tpu.memory_space<vmem_shared>>)
      tpu.yield
    }) : () -> ()
    %mul3A_75 = arith.constant 640 : i32
    %mul3A_76 = arith.muli %arg1, %mul3A_75 : i32
    %add3A_77 = arith.constant 80 : i32
    %add3A_78 = arith.addi %mul3A_76, %add3A_77 : i32
    "tpu.region"() ({
      %run_scoped3A = tpu.sem_alloc : memref<!tpu.dma_semaphore, #tpu.memory_space<semaphore_mem>>
      %dma_start3A = arith.constant 0 : i32
      %dma_start3A_153 = tpu.memref_slice %arg17[%dma_start3A] : memref<128xf32, #tpu.memory_space<vmem>> -> memref<80xf32, #tpu.memory_space<vmem>>
      %dma_start3A_154 = tpu.memref_slice %arg16[%add3A_78] : memref<10240xf32, #tpu.memory_space<vmem_shared>> -> memref<80xf32, #tpu.memory_space<vmem_shared>>
      %dma_start3A_155 = tpu.memref_slice %arg16[%add3A_78] : memref<10240xf32, #tpu.memory_space<vmem_shared>> -> memref<80xf32, #tpu.memory_space<vmem_shared>>
      %dma_start3A_156 = arith.constant 0 : i32
      %dma_start3A_157 = tpu.memref_slice %arg17[%dma_start3A_156] : memref<128xf32, #tpu.memory_space<vmem>> -> memref<80xf32, #tpu.memory_space<vmem>>
      tpu.enqueue_dma source(%dma_start3A_157 : memref<80xf32, #tpu.memory_space<vmem>>) target(%dma_start3A_155 : memref<80xf32, #tpu.memory_space<vmem_shared>>) target_semaphore(%run_scoped3A : memref<!tpu.dma_semaphore, #tpu.memory_space<semaphore_mem>>)
      %dma_wait3A = arith.constant 0 : i32
      %dma_wait3A_158 = tpu.memref_slice %arg17[%dma_wait3A] : memref<128xf32, #tpu.memory_space<vmem>> -> memref<80xf32, #tpu.memory_space<vmem>>
      %dma_wait3A_159 = tpu.memref_slice %arg16[%add3A_78] : memref<10240xf32, #tpu.memory_space<vmem_shared>> -> memref<80xf32, #tpu.memory_space<vmem_shared>>
      %dma_wait3A_160 = tpu.memref_slice %arg16[%add3A_78] : memref<10240xf32, #tpu.memory_space<vmem_shared>> -> memref<80xf32, #tpu.memory_space<vmem_shared>>
      %dma_wait3A_161 = arith.constant 0 : i32
      %dma_wait3A_162 = tpu.memref_slice %arg17[%dma_wait3A_161] : memref<128xf32, #tpu.memory_space<vmem>> -> memref<80xf32, #tpu.memory_space<vmem>>
      tpu.wait_dma2 semaphore(%run_scoped3A : memref<!tpu.dma_semaphore, #tpu.memory_space<semaphore_mem>>) src(%dma_wait3A_162 : memref<80xf32, #tpu.memory_space<vmem>>) dst(%dma_wait3A_160 : memref<80xf32, #tpu.memory_space<vmem_shared>>)
      tpu.yield
    }) : () -> ()
    %mul3A_79 = arith.constant 640 : i32
    %mul3A_80 = arith.muli %arg1, %mul3A_79 : i32
    %add3A_81 = arith.constant 160 : i32
    %add3A_82 = arith.addi %mul3A_80, %add3A_81 : i32
    "tpu.region"() ({
      %run_scoped3A = tpu.sem_alloc : memref<!tpu.dma_semaphore, #tpu.memory_space<semaphore_mem>>
      %dma_start3A = arith.constant 0 : i32
      %dma_start3A_153 = tpu.memref_slice %arg17[%dma_start3A] : memref<128xf32, #tpu.memory_space<vmem>> -> memref<80xf32, #tpu.memory_space<vmem>>
      %dma_start3A_154 = tpu.memref_slice %arg16[%add3A_82] : memref<10240xf32, #tpu.memory_space<vmem_shared>> -> memref<80xf32, #tpu.memory_space<vmem_shared>>
      %dma_start3A_155 = tpu.memref_slice %arg16[%add3A_82] : memref<10240xf32, #tpu.memory_space<vmem_shared>> -> memref<80xf32, #tpu.memory_space<vmem_shared>>
      %dma_start3A_156 = arith.constant 0 : i32
      %dma_start3A_157 = tpu.memref_slice %arg17[%dma_start3A_156] : memref<128xf32, #tpu.memory_space<vmem>> -> memref<80xf32, #tpu.memory_space<vmem>>
      tpu.enqueue_dma source(%dma_start3A_157 : memref<80xf32, #tpu.memory_space<vmem>>) target(%dma_start3A_155 : memref<80xf32, #tpu.memory_space<vmem_shared>>) target_semaphore(%run_scoped3A : memref<!tpu.dma_semaphore, #tpu.memory_space<semaphore_mem>>)
      %dma_wait3A = arith.constant 0 : i32
      %dma_wait3A_158 = tpu.memref_slice %arg17[%dma_wait3A] : memref<128xf32, #tpu.memory_space<vmem>> -> memref<80xf32, #tpu.memory_space<vmem>>
      %dma_wait3A_159 = tpu.memref_slice %arg16[%add3A_82] : memref<10240xf32, #tpu.memory_space<vmem_shared>> -> memref<80xf32, #tpu.memory_space<vmem_shared>>
      %dma_wait3A_160 = tpu.memref_slice %arg16[%add3A_82] : memref<10240xf32, #tpu.memory_space<vmem_shared>> -> memref<80xf32, #tpu.memory_space<vmem_shared>>
      %dma_wait3A_161 = arith.constant 0 : i32
      %dma_wait3A_162 = tpu.memref_slice %arg17[%dma_wait3A_161] : memref<128xf32, #tpu.memory_space<vmem>> -> memref<80xf32, #tpu.memory_space<vmem>>
      tpu.wait_dma2 semaphore(%run_scoped3A : memref<!tpu.dma_semaphore, #tpu.memory_space<semaphore_mem>>) src(%dma_wait3A_162 : memref<80xf32, #tpu.memory_space<vmem>>) dst(%dma_wait3A_160 : memref<80xf32, #tpu.memory_space<vmem_shared>>)
      tpu.yield
    }) : () -> ()
    %mul3A_83 = arith.constant 640 : i32
    %mul3A_84 = arith.muli %arg1, %mul3A_83 : i32
    %add3A_85 = arith.constant 240 : i32
    %add3A_86 = arith.addi %mul3A_84, %add3A_85 : i32
    "tpu.region"() ({
      %run_scoped3A = tpu.sem_alloc : memref<!tpu.dma_semaphore, #tpu.memory_space<semaphore_mem>>
      %dma_start3A = arith.constant 0 : i32
      %dma_start3A_153 = tpu.memref_slice %arg17[%dma_start3A] : memref<128xf32, #tpu.memory_space<vmem>> -> memref<80xf32, #tpu.memory_space<vmem>>
      %dma_start3A_154 = tpu.memref_slice %arg16[%add3A_86] : memref<10240xf32, #tpu.memory_space<vmem_shared>> -> memref<80xf32, #tpu.memory_space<vmem_shared>>
      %dma_start3A_155 = tpu.memref_slice %arg16[%add3A_86] : memref<10240xf32, #tpu.memory_space<vmem_shared>> -> memref<80xf32, #tpu.memory_space<vmem_shared>>
      %dma_start3A_156 = arith.constant 0 : i32
      %dma_start3A_157 = tpu.memref_slice %arg17[%dma_start3A_156] : memref<128xf32, #tpu.memory_space<vmem>> -> memref<80xf32, #tpu.memory_space<vmem>>
      tpu.enqueue_dma source(%dma_start3A_157 : memref<80xf32, #tpu.memory_space<vmem>>) target(%dma_start3A_155 : memref<80xf32, #tpu.memory_space<vmem_shared>>) target_semaphore(%run_scoped3A : memref<!tpu.dma_semaphore, #tpu.memory_space<semaphore_mem>>)
      %dma_wait3A = arith.constant 0 : i32
      %dma_wait3A_158 = tpu.memref_slice %arg17[%dma_wait3A] : memref<128xf32, #tpu.memory_space<vmem>> -> memref<80xf32, #tpu.memory_space<vmem>>
      %dma_wait3A_159 = tpu.memref_slice %arg16[%add3A_86] : memref<10240xf32, #tpu.memory_space<vmem_shared>> -> memref<80xf32, #tpu.memory_space<vmem_shared>>
      %dma_wait3A_160 = tpu.memref_slice %arg16[%add3A_86] : memref<10240xf32, #tpu.memory_space<vmem_shared>> -> memref<80xf32, #tpu.memory_space<vmem_shared>>
      %dma_wait3A_161 = arith.constant 0 : i32
      %dma_wait3A_162 = tpu.memref_slice %arg17[%dma_wait3A_161] : memref<128xf32, #tpu.memory_space<vmem>> -> memref<80xf32, #tpu.memory_space<vmem>>
      tpu.wait_dma2 semaphore(%run_scoped3A : memref<!tpu.dma_semaphore, #tpu.memory_space<semaphore_mem>>) src(%dma_wait3A_162 : memref<80xf32, #tpu.memory_space<vmem>>) dst(%dma_wait3A_160 : memref<80xf32, #tpu.memory_space<vmem_shared>>)
      tpu.yield
    }) : () -> ()
    %mul3A_87 = arith.constant 640 : i32
    %mul3A_88 = arith.muli %arg1, %mul3A_87 : i32
    %add3A_89 = arith.constant 320 : i32
    %add3A_90 = arith.addi %mul3A_88, %add3A_89 : i32
    "tpu.region"() ({
      %run_scoped3A = tpu.sem_alloc : memref<!tpu.dma_semaphore, #tpu.memory_space<semaphore_mem>>
      %dma_start3A = arith.constant 0 : i32
      %dma_start3A_153 = tpu.memref_slice %arg17[%dma_start3A] : memref<128xf32, #tpu.memory_space<vmem>> -> memref<80xf32, #tpu.memory_space<vmem>>
      %dma_start3A_154 = tpu.memref_slice %arg16[%add3A_90] : memref<10240xf32, #tpu.memory_space<vmem_shared>> -> memref<80xf32, #tpu.memory_space<vmem_shared>>
      %dma_start3A_155 = tpu.memref_slice %arg16[%add3A_90] : memref<10240xf32, #tpu.memory_space<vmem_shared>> -> memref<80xf32, #tpu.memory_space<vmem_shared>>
      %dma_start3A_156 = arith.constant 0 : i32
      %dma_start3A_157 = tpu.memref_slice %arg17[%dma_start3A_156] : memref<128xf32, #tpu.memory_space<vmem>> -> memref<80xf32, #tpu.memory_space<vmem>>
      tpu.enqueue_dma source(%dma_start3A_157 : memref<80xf32, #tpu.memory_space<vmem>>) target(%dma_start3A_155 : memref<80xf32, #tpu.memory_space<vmem_shared>>) target_semaphore(%run_scoped3A : memref<!tpu.dma_semaphore, #tpu.memory_space<semaphore_mem>>)
      %dma_wait3A = arith.constant 0 : i32
      %dma_wait3A_158 = tpu.memref_slice %arg17[%dma_wait3A] : memref<128xf32, #tpu.memory_space<vmem>> -> memref<80xf32, #tpu.memory_space<vmem>>
      %dma_wait3A_159 = tpu.memref_slice %arg16[%add3A_90] : memref<10240xf32, #tpu.memory_space<vmem_shared>> -> memref<80xf32, #tpu.memory_space<vmem_shared>>
      %dma_wait3A_160 = tpu.memref_slice %arg16[%add3A_90] : memref<10240xf32, #tpu.memory_space<vmem_shared>> -> memref<80xf32, #tpu.memory_space<vmem_shared>>
      %dma_wait3A_161 = arith.constant 0 : i32
      %dma_wait3A_162 = tpu.memref_slice %arg17[%dma_wait3A_161] : memref<128xf32, #tpu.memory_space<vmem>> -> memref<80xf32, #tpu.memory_space<vmem>>
      tpu.wait_dma2 semaphore(%run_scoped3A : memref<!tpu.dma_semaphore, #tpu.memory_space<semaphore_mem>>) src(%dma_wait3A_162 : memref<80xf32, #tpu.memory_space<vmem>>) dst(%dma_wait3A_160 : memref<80xf32, #tpu.memory_space<vmem_shared>>)
      tpu.yield
    }) : () -> ()
    %mul3A_91 = arith.constant 640 : i32
    %mul3A_92 = arith.muli %arg1, %mul3A_91 : i32
    %add3A_93 = arith.constant 400 : i32
    %add3A_94 = arith.addi %mul3A_92, %add3A_93 : i32
    "tpu.region"() ({
      %run_scoped3A = tpu.sem_alloc : memref<!tpu.dma_semaphore, #tpu.memory_space<semaphore_mem>>
      %dma_start3A = arith.constant 0 : i32
      %dma_start3A_153 = tpu.memref_slice %arg17[%dma_start3A] : memref<128xf32, #tpu.memory_space<vmem>> -> memref<80xf32, #tpu.memory_space<vmem>>
      %dma_start3A_154 = tpu.memref_slice %arg16[%add3A_94] : memref<10240xf32, #tpu.memory_space<vmem_shared>> -> memref<80xf32, #tpu.memory_space<vmem_shared>>
      %dma_start3A_155 = tpu.memref_slice %arg16[%add3A_94] : memref<10240xf32, #tpu.memory_space<vmem_shared>> -> memref<80xf32, #tpu.memory_space<vmem_shared>>
      %dma_start3A_156 = arith.constant 0 : i32
      %dma_start3A_157 = tpu.memref_slice %arg17[%dma_start3A_156] : memref<128xf32, #tpu.memory_space<vmem>> -> memref<80xf32, #tpu.memory_space<vmem>>
      tpu.enqueue_dma source(%dma_start3A_157 : memref<80xf32, #tpu.memory_space<vmem>>) target(%dma_start3A_155 : memref<80xf32, #tpu.memory_space<vmem_shared>>) target_semaphore(%run_scoped3A : memref<!tpu.dma_semaphore, #tpu.memory_space<semaphore_mem>>)
      %dma_wait3A = arith.constant 0 : i32
      %dma_wait3A_158 = tpu.memref_slice %arg17[%dma_wait3A] : memref<128xf32, #tpu.memory_space<vmem>> -> memref<80xf32, #tpu.memory_space<vmem>>
      %dma_wait3A_159 = tpu.memref_slice %arg16[%add3A_94] : memref<10240xf32, #tpu.memory_space<vmem_shared>> -> memref<80xf32, #tpu.memory_space<vmem_shared>>
      %dma_wait3A_160 = tpu.memref_slice %arg16[%add3A_94] : memref<10240xf32, #tpu.memory_space<vmem_shared>> -> memref<80xf32, #tpu.memory_space<vmem_shared>>
      %dma_wait3A_161 = arith.constant 0 : i32
      %dma_wait3A_162 = tpu.memref_slice %arg17[%dma_wait3A_161] : memref<128xf32, #tpu.memory_space<vmem>> -> memref<80xf32, #tpu.memory_space<vmem>>
      tpu.wait_dma2 semaphore(%run_scoped3A : memref<!tpu.dma_semaphore, #tpu.memory_space<semaphore_mem>>) src(%dma_wait3A_162 : memref<80xf32, #tpu.memory_space<vmem>>) dst(%dma_wait3A_160 : memref<80xf32, #tpu.memory_space<vmem_shared>>)
      tpu.yield
    }) : () -> ()
    %mul3A_95 = arith.constant 640 : i32
    %mul3A_96 = arith.muli %arg1, %mul3A_95 : i32
    %add3A_97 = arith.constant 480 : i32
    %add3A_98 = arith.addi %mul3A_96, %add3A_97 : i32
    "tpu.region"() ({
      %run_scoped3A = tpu.sem_alloc : memref<!tpu.dma_semaphore, #tpu.memory_space<semaphore_mem>>
      %dma_start3A = arith.constant 0 : i32
      %dma_start3A_153 = tpu.memref_slice %arg17[%dma_start3A] : memref<128xf32, #tpu.memory_space<vmem>> -> memref<80xf32, #tpu.memory_space<vmem>>
      %dma_start3A_154 = tpu.memref_slice %arg16[%add3A_98] : memref<10240xf32, #tpu.memory_space<vmem_shared>> -> memref<80xf32, #tpu.memory_space<vmem_shared>>
      %dma_start3A_155 = tpu.memref_slice %arg16[%add3A_98] : memref<10240xf32, #tpu.memory_space<vmem_shared>> -> memref<80xf32, #tpu.memory_space<vmem_shared>>
      %dma_start3A_156 = arith.constant 0 : i32
      %dma_start3A_157 = tpu.memref_slice %arg17[%dma_start3A_156] : memref<128xf32, #tpu.memory_space<vmem>> -> memref<80xf32, #tpu.memory_space<vmem>>
      tpu.enqueue_dma source(%dma_start3A_157 : memref<80xf32, #tpu.memory_space<vmem>>) target(%dma_start3A_155 : memref<80xf32, #tpu.memory_space<vmem_shared>>) target_semaphore(%run_scoped3A : memref<!tpu.dma_semaphore, #tpu.memory_space<semaphore_mem>>)
      %dma_wait3A = arith.constant 0 : i32
      %dma_wait3A_158 = tpu.memref_slice %arg17[%dma_wait3A] : memref<128xf32, #tpu.memory_space<vmem>> -> memref<80xf32, #tpu.memory_space<vmem>>
      %dma_wait3A_159 = tpu.memref_slice %arg16[%add3A_98] : memref<10240xf32, #tpu.memory_space<vmem_shared>> -> memref<80xf32, #tpu.memory_space<vmem_shared>>
      %dma_wait3A_160 = tpu.memref_slice %arg16[%add3A_98] : memref<10240xf32, #tpu.memory_space<vmem_shared>> -> memref<80xf32, #tpu.memory_space<vmem_shared>>
      %dma_wait3A_161 = arith.constant 0 : i32
      %dma_wait3A_162 = tpu.memref_slice %arg17[%dma_wait3A_161] : memref<128xf32, #tpu.memory_space<vmem>> -> memref<80xf32, #tpu.memory_space<vmem>>
      tpu.wait_dma2 semaphore(%run_scoped3A : memref<!tpu.dma_semaphore, #tpu.memory_space<semaphore_mem>>) src(%dma_wait3A_162 : memref<80xf32, #tpu.memory_space<vmem>>) dst(%dma_wait3A_160 : memref<80xf32, #tpu.memory_space<vmem_shared>>)
      tpu.yield
    }) : () -> ()
    %mul3A_99 = arith.constant 640 : i32
    %mul3A_100 = arith.muli %arg1, %mul3A_99 : i32
    %add3A_101 = arith.constant 560 : i32
    %add3A_102 = arith.addi %mul3A_100, %add3A_101 : i32
    "tpu.region"() ({
      %run_scoped3A = tpu.sem_alloc : memref<!tpu.dma_semaphore, #tpu.memory_space<semaphore_mem>>
      %dma_start3A = arith.constant 0 : i32
      %dma_start3A_153 = tpu.memref_slice %arg17[%dma_start3A] : memref<128xf32, #tpu.memory_space<vmem>> -> memref<80xf32, #tpu.memory_space<vmem>>
      %dma_start3A_154 = tpu.memref_slice %arg16[%add3A_102] : memref<10240xf32, #tpu.memory_space<vmem_shared>> -> memref<80xf32, #tpu.memory_space<vmem_shared>>
      %dma_start3A_155 = tpu.memref_slice %arg16[%add3A_102] : memref<10240xf32, #tpu.memory_space<vmem_shared>> -> memref<80xf32, #tpu.memory_space<vmem_shared>>
      %dma_start3A_156 = arith.constant 0 : i32
      %dma_start3A_157 = tpu.memref_slice %arg17[%dma_start3A_156] : memref<128xf32, #tpu.memory_space<vmem>> -> memref<80xf32, #tpu.memory_space<vmem>>
      tpu.enqueue_dma source(%dma_start3A_157 : memref<80xf32, #tpu.memory_space<vmem>>) target(%dma_start3A_155 : memref<80xf32, #tpu.memory_space<vmem_shared>>) target_semaphore(%run_scoped3A : memref<!tpu.dma_semaphore, #tpu.memory_space<semaphore_mem>>)
      %dma_wait3A = arith.constant 0 : i32
      %dma_wait3A_158 = tpu.memref_slice %arg17[%dma_wait3A] : memref<128xf32, #tpu.memory_space<vmem>> -> memref<80xf32, #tpu.memory_space<vmem>>
      %dma_wait3A_159 = tpu.memref_slice %arg16[%add3A_102] : memref<10240xf32, #tpu.memory_space<vmem_shared>> -> memref<80xf32, #tpu.memory_space<vmem_shared>>
      %dma_wait3A_160 = tpu.memref_slice %arg16[%add3A_102] : memref<10240xf32, #tpu.memory_space<vmem_shared>> -> memref<80xf32, #tpu.memory_space<vmem_shared>>
      %dma_wait3A_161 = arith.constant 0 : i32
      %dma_wait3A_162 = tpu.memref_slice %arg17[%dma_wait3A_161] : memref<128xf32, #tpu.memory_space<vmem>> -> memref<80xf32, #tpu.memory_space<vmem>>
      tpu.wait_dma2 semaphore(%run_scoped3A : memref<!tpu.dma_semaphore, #tpu.memory_space<semaphore_mem>>) src(%dma_wait3A_162 : memref<80xf32, #tpu.memory_space<vmem>>) dst(%dma_wait3A_160 : memref<80xf32, #tpu.memory_space<vmem_shared>>)
      tpu.yield
    }) : () -> ()
    %broadcast_in_dim3A_103 = arith.constant 1.000000e+00 : f32
    %broadcast_in_dim3A_104 = vector.broadcast %broadcast_in_dim3A_103 : f32 to vector<16xf32>
    %swap3A_105 = arith.constant 0 : index
    %swap3A_106 = tpu.vector_load %arg17[%swap3A_105] {strides = array<i32>} : memref<128xf32, #tpu.memory_space<vmem>>, vector<16xf32>,
    %swap3A_107 = vector.shape_cast %swap3A_106 : vector<16xf32> to vector<16xf32>
    %swap3A_108 = vector.shape_cast %broadcast_in_dim3A_104 : vector<16xf32> to vector<16xf32>
    tpu.vector_store %arg17[%swap3A_105], %swap3A_108 {strides = array<i32>} : memref<128xf32, #tpu.memory_space<vmem>>, vector<16xf32>,
    %swap3A_109 = arith.constant 16 : index
    %swap3A_110 = tpu.vector_load %arg17[%swap3A_109] {strides = array<i32>} : memref<128xf32, #tpu.memory_space<vmem>>, vector<16xf32>,
    %swap3A_111 = vector.shape_cast %swap3A_110 : vector<16xf32> to vector<16xf32>
    %swap3A_112 = vector.shape_cast %broadcast_in_dim3A_104 : vector<16xf32> to vector<16xf32>
    tpu.vector_store %arg17[%swap3A_109], %swap3A_112 {strides = array<i32>} : memref<128xf32, #tpu.memory_space<vmem>>, vector<16xf32>,
    %swap3A_113 = arith.constant 32 : index
    %swap3A_114 = tpu.vector_load %arg17[%swap3A_113] {strides = array<i32>} : memref<128xf32, #tpu.memory_space<vmem>>, vector<16xf32>,
    %swap3A_115 = vector.shape_cast %swap3A_114 : vector<16xf32> to vector<16xf32>
    %swap3A_116 = vector.shape_cast %broadcast_in_dim3A_104 : vector<16xf32> to vector<16xf32>
    tpu.vector_store %arg17[%swap3A_113], %swap3A_116 {strides = array<i32>} : memref<128xf32, #tpu.memory_space<vmem>>, vector<16xf32>,
    %swap3A_117 = arith.constant 48 : index
    %swap3A_118 = tpu.vector_load %arg17[%swap3A_117] {strides = array<i32>} : memref<128xf32, #tpu.memory_space<vmem>>, vector<16xf32>,
    %swap3A_119 = vector.shape_cast %swap3A_118 : vector<16xf32> to vector<16xf32>
    %swap3A_120 = vector.shape_cast %broadcast_in_dim3A_104 : vector<16xf32> to vector<16xf32>
    tpu.vector_store %arg17[%swap3A_117], %swap3A_120 {strides = array<i32>} : memref<128xf32, #tpu.memory_space<vmem>>, vector<16xf32>,
    %swap3A_121 = arith.constant 64 : index
    %swap3A_122 = tpu.vector_load %arg17[%swap3A_121] {strides = array<i32>} : memref<128xf32, #tpu.memory_space<vmem>>, vector<16xf32>,
    %swap3A_123 = vector.shape_cast %swap3A_122 : vector<16xf32> to vector<16xf32>
    %swap3A_124 = vector.shape_cast %broadcast_in_dim3A_104 : vector<16xf32> to vector<16xf32>
    tpu.vector_store %arg17[%swap3A_121], %swap3A_124 {strides = array<i32>} : memref<128xf32, #tpu.memory_space<vmem>>, vector<16xf32>,
    %swap3A_125 = arith.constant 80 : index
    %swap3A_126 = tpu.vector_load %arg17[%swap3A_125] {strides = array<i32>} : memref<128xf32, #tpu.memory_space<vmem>>, vector<16xf32>,
    %swap3A_127 = vector.shape_cast %swap3A_126 : vector<16xf32> to vector<16xf32>
    %swap3A_128 = vector.shape_cast %broadcast_in_dim3A_104 : vector<16xf32> to vector<16xf32>
    tpu.vector_store %arg17[%swap3A_125], %swap3A_128 {strides = array<i32>} : memref<128xf32, #tpu.memory_space<vmem>>, vector<16xf32>,
    %swap3A_129 = arith.constant 96 : index
    %swap3A_130 = tpu.vector_load %arg17[%swap3A_129] {strides = array<i32>} : memref<128xf32, #tpu.memory_space<vmem>>, vector<16xf32>,
    %swap3A_131 = vector.shape_cast %swap3A_130 : vector<16xf32> to vector<16xf32>
    %swap3A_132 = vector.shape_cast %broadcast_in_dim3A_104 : vector<16xf32> to vector<16xf32>
    tpu.vector_store %arg17[%swap3A_129], %swap3A_132 {strides = array<i32>} : memref<128xf32, #tpu.memory_space<vmem>>, vector<16xf32>,
    %swap3A_133 = arith.constant 112 : index
    %swap3A_134 = tpu.vector_load %arg17[%swap3A_133] {strides = array<i32>} : memref<128xf32, #tpu.memory_space<vmem>>, vector<16xf32>,
    %swap3A_135 = vector.shape_cast %swap3A_134 : vector<16xf32> to vector<16xf32>
    %swap3A_136 = vector.shape_cast %broadcast_in_dim3A_104 : vector<16xf32> to vector<16xf32>
    tpu.vector_store %arg17[%swap3A_133], %swap3A_136 {strides = array<i32>} : memref<128xf32, #tpu.memory_space<vmem>>, vector<16xf32>,
    %barrier3A = arith.constant 0 : index
    tpu.barrier barrier_id(%barrier3A)
    "tpu.trace_start"() <{level = 10 : i32, message = "sc_edge_loop"}> : () -> ()
    %scan3A_137 = arith.constant 0 : i32
    %scan3A_138 = arith.constant 0 : i32
    %scan3A_139 = arith.constant 2 : i32
    %scan3A_140 = arith.addi %scan3A_138, %scan3A_139 : i32
    %scan3A_141 = arith.constant 1 : i32
    %scan3A_142 = scf.for %scan3A_153 = %scan3A_138 to %scan3A_140 step %scan3A_141 iter_args(%scan3A_154 = %scan3A_137) -> (i32)  : i32 {
      %mul3A_155 = arith.constant 80 : i32
      %mul3A_156 = arith.muli %add3A, %mul3A_155 : i32
      %mul3A_157 = arith.constant 40 : i32
      %mul3A_158 = arith.muli %scan3A_153, %mul3A_157 : i32
      %add3A_159 = arith.addi %mul3A_156, %mul3A_158 : i32
      "tpu.region"() ({
        %run_scoped3A = tpu.sem_alloc : memref<!tpu.dma_semaphore, #tpu.memory_space<semaphore_mem>>
        %dma_start3A_180 = arith.constant 0 : i32
        %dma_start3A_181 = tpu.memref_slice %arg3[%add3A_159, %dma_start3A_180] : memref<2560x125xi32, #tpu.memory_space<hbm>> -> memref<40x125xi32, #tpu.memory_space<hbm>>
        %dma_start3A_182 = arith.constant 0 : i32
        %dma_start3A_183 = tpu.memref_slice %arg3[%add3A_159, %dma_start3A_182] : memref<2560x125xi32, #tpu.memory_space<hbm>> -> memref<40x125xi32, #tpu.memory_space<hbm>>
        tpu.enqueue_dma source(%dma_start3A_183 : memref<40x125xi32, #tpu.memory_space<hbm>>) target(%arg8 : memref<40x125xi32, #tpu.memory_space<vmem>>) target_semaphore(%run_scoped3A : memref<!tpu.dma_semaphore, #tpu.memory_space<semaphore_mem>>)
        %dma_wait3A_184 = arith.constant 0 : i32
        %dma_wait3A_185 = tpu.memref_slice %arg3[%add3A_159, %dma_wait3A_184] : memref<2560x125xi32, #tpu.memory_space<hbm>> -> memref<40x125xi32, #tpu.memory_space<hbm>>
        %dma_wait3A_186 = arith.constant 0 : i32
        %dma_wait3A_187 = tpu.memref_slice %arg3[%add3A_159, %dma_wait3A_186] : memref<2560x125xi32, #tpu.memory_space<hbm>> -> memref<40x125xi32, #tpu.memory_space<hbm>>
        tpu.wait_dma2 semaphore(%run_scoped3A : memref<!tpu.dma_semaphore, #tpu.memory_space<semaphore_mem>>) src(%dma_wait3A_187 : memref<40x125xi32, #tpu.memory_space<hbm>>) dst(%arg8 : memref<40x125xi32, #tpu.memory_space<vmem>>)
        tpu.yield
      }) : () -> ()
      "tpu.region"() ({
        %run_scoped3A = tpu.sem_alloc : memref<!tpu.dma_semaphore, #tpu.memory_space<semaphore_mem>>
        %dma_start3A_180 = arith.constant 0 : i32
        %dma_start3A_181 = tpu.memref_slice %arg4[%add3A_159, %dma_start3A_180] : memref<2560x125xi32, #tpu.memory_space<hbm>> -> memref<40x125xi32, #tpu.memory_space<hbm>>
        %dma_start3A_182 = arith.constant 0 : i32
        %dma_start3A_183 = tpu.memref_slice %arg4[%add3A_159, %dma_start3A_182] : memref<2560x125xi32, #tpu.memory_space<hbm>> -> memref<40x125xi32, #tpu.memory_space<hbm>>
        tpu.enqueue_dma source(%dma_start3A_183 : memref<40x125xi32, #tpu.memory_space<hbm>>) target(%arg9 : memref<40x125xi32, #tpu.memory_space<vmem>>) target_semaphore(%run_scoped3A : memref<!tpu.dma_semaphore, #tpu.memory_space<semaphore_mem>>)
        %dma_wait3A_184 = arith.constant 0 : i32
        %dma_wait3A_185 = tpu.memref_slice %arg4[%add3A_159, %dma_wait3A_184] : memref<2560x125xi32, #tpu.memory_space<hbm>> -> memref<40x125xi32, #tpu.memory_space<hbm>>
        %dma_wait3A_186 = arith.constant 0 : i32
        %dma_wait3A_187 = tpu.memref_slice %arg4[%add3A_159, %dma_wait3A_186] : memref<2560x125xi32, #tpu.memory_space<hbm>> -> memref<40x125xi32, #tpu.memory_space<hbm>>
        tpu.wait_dma2 semaphore(%run_scoped3A : memref<!tpu.dma_semaphore, #tpu.memory_space<semaphore_mem>>) src(%dma_wait3A_187 : memref<40x125xi32, #tpu.memory_space<hbm>>) dst(%arg9 : memref<40x125xi32, #tpu.memory_space<vmem>>)
        tpu.yield
      }) : () -> ()
      %dma_start3A = arith.constant 0 : i32
      %dma_start3A_160 = arith.constant 0 : i32
      %dma_start3A_161 = tpu.memref_slice %arg8[%dma_start3A, %dma_start3A_160] : memref<40x125xi32, #tpu.memory_space<vmem>> -> memref<1x125xi32, #tpu.memory_space<vmem>>
      %dma_start3A_162 = tpu.memref_squeeze %dma_start3A_161 : memref<1x125xi32, #tpu.memory_space<vmem>> -> memref<125xi32, #tpu.memory_space<vmem>>
      %dma_start3A_163 = arith.constant 0 : i32
      %dma_start3A_164 = arith.constant 0 : i32
      %dma_start3A_165 = tpu.memref_slice %arg2[%dma_start3A_163, %dma_start3A_164] : memref<10000x128xf32, #tpu.memory_space<hbm>> -> memref<10000x128xf32, #tpu.memory_space<hbm>>
      tpu.enqueue_indirect_dma source(%dma_start3A_165 : memref<10000x128xf32, #tpu.memory_space<hbm>>) target(%arg10 : memref<125x128xf32, #tpu.memory_space<vmem>>) offsets(%dma_start3A_162 : memref<125xi32, #tpu.memory_space<vmem>>) semaphore(%arg12 : memref<!tpu.dma_semaphore, #tpu.memory_space<semaphore_mem>>)
      %scan3A_166 = arith.constant 0 : i32
      %scan3A_167 = arith.constant 0 : i32
      %scan3A_168 = arith.constant 20 : i32
      %scan3A_169 = arith.addi %scan3A_167, %scan3A_168 : i32
      %scan3A_170 = arith.constant 1 : i32
      %scan3A_171 = scf.for %scan3A_180 = %scan3A_167 to %scan3A_169 step %scan3A_170 iter_args(%scan3A_181 = %scan3A_166) -> (i32)  : i32 {
        %mul3A_182 = arith.constant 2 : i32
        %mul3A_183 = arith.muli %mul3A_182, %scan3A_180 : i32
        %dma_wait3A_184 = arith.constant 0 : i32
        %dma_wait3A_185 = tpu.memref_slice %arg8[%mul3A_183, %dma_wait3A_184] : memref<40x125xi32, #tpu.memory_space<vmem>> -> memref<1x125xi32, #tpu.memory_space<vmem>>
        %dma_wait3A_186 = tpu.memref_squeeze %dma_wait3A_185 : memref<1x125xi32, #tpu.memory_space<vmem>> -> memref<125xi32, #tpu.memory_space<vmem>>
        %dma_wait3A_187 = arith.constant 0 : i32
        %dma_wait3A_188 = arith.constant 0 : i32
        %dma_wait3A_189 = tpu.memref_slice %arg2[%dma_wait3A_187, %dma_wait3A_188] : memref<10000x128xf32, #tpu.memory_space<hbm>> -> memref<10000x128xf32, #tpu.memory_space<hbm>>
        tpu.wait_indirect_dma semaphore(%arg12 : memref<!tpu.dma_semaphore, #tpu.memory_space<semaphore_mem>>) src(%dma_wait3A_189 : memref<10000x128xf32, #tpu.memory_space<hbm>>) dst(%arg10 : memref<125x128xf32, #tpu.memory_space<vmem>>)
        %gt3A = arith.constant 0 : i32
        %gt3A_190 = arith.cmpi sgt, %scan3A_180, %gt3A : i32
        %convert_element_type3A = arith.extui %gt3A_190 : i1 to i32
        %cond3A = arith.constant 0 : i32
        %cond3A_191 = arith.cmpi ne, %convert_element_type3A, %cond3A : i32
        scf.if %cond3A_191 {
          %sub3A = arith.constant 1 : i32
          %sub3A_235 = arith.subi %mul3A_183, %sub3A : i32
          %dma_wait3A_236 = arith.constant 0 : i32
          %dma_wait3A_237 = tpu.memref_slice %arg9[%sub3A_235, %dma_wait3A_236] : memref<40x125xi32, #tpu.memory_space<vmem>> -> memref<1x125xi32, #tpu.memory_space<vmem>>
          %dma_wait3A_238 = tpu.memref_squeeze %dma_wait3A_237 : memref<1x125xi32, #tpu.memory_space<vmem>> -> memref<125xi32, #tpu.memory_space<vmem>>
          %dma_wait3A_239 = arith.constant 0 : i32
          %dma_wait3A_240 = arith.constant 0 : i32
          %dma_wait3A_241 = tpu.memref_slice %arg7[%dma_wait3A_239, %dma_wait3A_240] : memref<10240x128xf32, #tpu.memory_space<vmem_shared>> -> memref<10240x128xf32, #tpu.memory_space<vmem_shared>>
          tpu.wait_indirect_dma semaphore(%arg15 : memref<!tpu.dma_semaphore, #tpu.memory_space<semaphore_mem>>) src(%arg11 : memref<125x128xf32, #tpu.memory_space<vmem>>) dst(%dma_wait3A_241 : memref<10240x128xf32, #tpu.memory_space<vmem_shared>>)
        } else {
        }
        %add3A_192 = arith.constant 1 : i32
        %add3A_193 = arith.addi %mul3A_183, %add3A_192 : i32
        %dma_start3A_194 = arith.constant 0 : i32
        %dma_start3A_195 = tpu.memref_slice %arg8[%add3A_193, %dma_start3A_194] : memref<40x125xi32, #tpu.memory_space<vmem>> -> memref<1x125xi32, #tpu.memory_space<vmem>>
        %dma_start3A_196 = tpu.memref_squeeze %dma_start3A_195 : memref<1x125xi32, #tpu.memory_space<vmem>> -> memref<125xi32, #tpu.memory_space<vmem>>
        %dma_start3A_197 = arith.constant 0 : i32
        %dma_start3A_198 = arith.constant 0 : i32
        %dma_start3A_199 = tpu.memref_slice %arg2[%dma_start3A_197, %dma_start3A_198] : memref<10000x128xf32, #tpu.memory_space<hbm>> -> memref<10000x128xf32, #tpu.memory_space<hbm>>
        tpu.enqueue_indirect_dma source(%dma_start3A_199 : memref<10000x128xf32, #tpu.memory_space<hbm>>) target(%arg11 : memref<125x128xf32, #tpu.memory_space<vmem>>) offsets(%dma_start3A_196 : memref<125xi32, #tpu.memory_space<vmem>>) semaphore(%arg13 : memref<!tpu.dma_semaphore, #tpu.memory_space<semaphore_mem>>)
        %dma_start3A_200 = arith.constant 0 : i32
        %dma_start3A_201 = tpu.memref_slice %arg9[%mul3A_183, %dma_start3A_200] : memref<40x125xi32, #tpu.memory_space<vmem>> -> memref<1x125xi32, #tpu.memory_space<vmem>>
        %dma_start3A_202 = tpu.memref_squeeze %dma_start3A_201 : memref<1x125xi32, #tpu.memory_space<vmem>> -> memref<125xi32, #tpu.memory_space<vmem>>
        %dma_start3A_203 = arith.constant 0 : i32
        %dma_start3A_204 = arith.constant 0 : i32
        %dma_start3A_205 = tpu.memref_slice %arg7[%dma_start3A_203, %dma_start3A_204] : memref<10240x128xf32, #tpu.memory_space<vmem_shared>> -> memref<10240x128xf32, #tpu.memory_space<vmem_shared>>
        tpu.enqueue_indirect_dma source(%arg10 : memref<125x128xf32, #tpu.memory_space<vmem>>) target(%dma_start3A_205 : memref<10240x128xf32, #tpu.memory_space<vmem_shared>>) offsets(%dma_start3A_202 : memref<125xi32, #tpu.memory_space<vmem>>) semaphore(%arg14 : memref<!tpu.dma_semaphore, #tpu.memory_space<semaphore_mem>>) {add = true}
        "tpu.region"() ({
          %run_scoped3A = tpu.sem_alloc : memref<!tpu.dma_semaphore, #tpu.memory_space<semaphore_mem>>
          %dma_start3A_235 = arith.constant 0 : i32
          %dma_start3A_236 = tpu.memref_slice %arg17[%dma_start3A_235] : memref<128xf32, #tpu.memory_space<vmem>> -> memref<125xf32, #tpu.memory_space<vmem>>
          %dma_start3A_237 = arith.constant 0 : i32
          %dma_start3A_238 = tpu.memref_slice %arg9[%mul3A_183, %dma_start3A_237] : memref<40x125xi32, #tpu.memory_space<vmem>> -> memref<1x125xi32, #tpu.memory_space<vmem>>
          %dma_start3A_239 = tpu.memref_squeeze %dma_start3A_238 : memref<1x125xi32, #tpu.memory_space<vmem>> -> memref<125xi32, #tpu.memory_space<vmem>>
          %dma_start3A_240 = arith.constant 0 : i32
          %dma_start3A_241 = tpu.memref_slice %arg16[%dma_start3A_240] : memref<10240xf32, #tpu.memory_space<vmem_shared>> -> memref<10240xf32, #tpu.memory_space<vmem_shared>>
          tpu.enqueue_indirect_dma source(%dma_start3A_236 : memref<125xf32, #tpu.memory_space<vmem>>) target(%dma_start3A_241 : memref<10240xf32, #tpu.memory_space<vmem_shared>>) offsets(%dma_start3A_239 : memref<125xi32, #tpu.memory_space<vmem>>) semaphore(%run_scoped3A : memref<!tpu.dma_semaphore, #tpu.memory_space<semaphore_mem>>) {add = true}
          %dma_wait3A_242 = arith.constant 0 : i32
          %dma_wait3A_243 = tpu.memref_slice %arg17[%dma_wait3A_242] : memref<128xf32, #tpu.memory_space<vmem>> -> memref<125xf32, #tpu.memory_space<vmem>>
          %dma_wait3A_244 = arith.constant 0 : i32
          %dma_wait3A_245 = tpu.memref_slice %arg9[%mul3A_183, %dma_wait3A_244] : memref<40x125xi32, #tpu.memory_space<vmem>> -> memref<1x125xi32, #tpu.memory_space<vmem>>
          %dma_wait3A_246 = tpu.memref_squeeze %dma_wait3A_245 : memref<1x125xi32, #tpu.memory_space<vmem>> -> memref<125xi32, #tpu.memory_space<vmem>>
          %dma_wait3A_247 = arith.constant 0 : i32
          %dma_wait3A_248 = tpu.memref_slice %arg16[%dma_wait3A_247] : memref<10240xf32, #tpu.memory_space<vmem_shared>> -> memref<10240xf32, #tpu.memory_space<vmem_shared>>
          tpu.wait_indirect_dma semaphore(%run_scoped3A : memref<!tpu.dma_semaphore, #tpu.memory_space<semaphore_mem>>) src(%dma_wait3A_243 : memref<125xf32, #tpu.memory_space<vmem>>) dst(%dma_wait3A_248 : memref<10240xf32, #tpu.memory_space<vmem_shared>>)
          tpu.yield
        }) : () -> ()
        %add3A_206 = arith.constant 1 : i32
        %add3A_207 = arith.addi %mul3A_183, %add3A_206 : i32
        %dma_wait3A_208 = arith.constant 0 : i32
        %dma_wait3A_209 = tpu.memref_slice %arg8[%add3A_207, %dma_wait3A_208] : memref<40x125xi32, #tpu.memory_space<vmem>> -> memref<1x125xi32, #tpu.memory_space<vmem>>
        %dma_wait3A_210 = tpu.memref_squeeze %dma_wait3A_209 : memref<1x125xi32, #tpu.memory_space<vmem>> -> memref<125xi32, #tpu.memory_space<vmem>>
        %dma_wait3A_211 = arith.constant 0 : i32
        %dma_wait3A_212 = arith.constant 0 : i32
        %dma_wait3A_213 = tpu.memref_slice %arg2[%dma_wait3A_211, %dma_wait3A_212] : memref<10000x128xf32, #tpu.memory_space<hbm>> -> memref<10000x128xf32, #tpu.memory_space<hbm>>
        tpu.wait_indirect_dma semaphore(%arg13 : memref<!tpu.dma_semaphore, #tpu.memory_space<semaphore_mem>>) src(%dma_wait3A_213 : memref<10000x128xf32, #tpu.memory_space<hbm>>) dst(%arg11 : memref<125x128xf32, #tpu.memory_space<vmem>>)
        %dma_wait3A_214 = arith.constant 0 : i32
        %dma_wait3A_215 = tpu.memref_slice %arg9[%mul3A_183, %dma_wait3A_214] : memref<40x125xi32, #tpu.memory_space<vmem>> -> memref<1x125xi32, #tpu.memory_space<vmem>>
        %dma_wait3A_216 = tpu.memref_squeeze %dma_wait3A_215 : memref<1x125xi32, #tpu.memory_space<vmem>> -> memref<125xi32, #tpu.memory_space<vmem>>
        %dma_wait3A_217 = arith.constant 0 : i32
        %dma_wait3A_218 = arith.constant 0 : i32
        %dma_wait3A_219 = tpu.memref_slice %arg7[%dma_wait3A_217, %dma_wait3A_218] : memref<10240x128xf32, #tpu.memory_space<vmem_shared>> -> memref<10240x128xf32, #tpu.memory_space<vmem_shared>>
        tpu.wait_indirect_dma semaphore(%arg14 : memref<!tpu.dma_semaphore, #tpu.memory_space<semaphore_mem>>) src(%arg10 : memref<125x128xf32, #tpu.memory_space<vmem>>) dst(%dma_wait3A_219 : memref<10240x128xf32, #tpu.memory_space<vmem_shared>>)
        %lt3A = arith.constant 19 : i32
        %lt3A_220 = arith.cmpi slt, %scan3A_180, %lt3A : i32
        %convert_element_type3A_221 = arith.extui %lt3A_220 : i1 to i32
        %cond3A_222 = arith.constant 0 : i32
        %cond3A_223 = arith.cmpi ne, %convert_element_type3A_221, %cond3A_222 : i32
        scf.if %cond3A_223 {
          %add3A_235 = arith.constant 2 : i32
          %add3A_236 = arith.addi %mul3A_183, %add3A_235 : i32
          %dma_start3A_237 = arith.constant 0 : i32
          %dma_start3A_238 = tpu.memref_slice %arg8[%add3A_236, %dma_start3A_237] : memref<40x125xi32, #tpu.memory_space<vmem>> -> memref<1x125xi32, #tpu.memory_space<vmem>>
          %dma_start3A_239 = tpu.memref_squeeze %dma_start3A_238 : memref<1x125xi32, #tpu.memory_space<vmem>> -> memref<125xi32, #tpu.memory_space<vmem>>
          %dma_start3A_240 = arith.constant 0 : i32
          %dma_start3A_241 = arith.constant 0 : i32
          %dma_start3A_242 = tpu.memref_slice %arg2[%dma_start3A_240, %dma_start3A_241] : memref<10000x128xf32, #tpu.memory_space<hbm>> -> memref<10000x128xf32, #tpu.memory_space<hbm>>
          tpu.enqueue_indirect_dma source(%dma_start3A_242 : memref<10000x128xf32, #tpu.memory_space<hbm>>) target(%arg10 : memref<125x128xf32, #tpu.memory_space<vmem>>) offsets(%dma_start3A_239 : memref<125xi32, #tpu.memory_space<vmem>>) semaphore(%arg12 : memref<!tpu.dma_semaphore, #tpu.memory_space<semaphore_mem>>)
        } else {
        }
        %add3A_224 = arith.constant 1 : i32
        %add3A_225 = arith.addi %mul3A_183, %add3A_224 : i32
        %dma_start3A_226 = arith.constant 0 : i32
        %dma_start3A_227 = tpu.memref_slice %arg9[%add3A_225, %dma_start3A_226] : memref<40x125xi32, #tpu.memory_space<vmem>> -> memref<1x125xi32, #tpu.memory_space<vmem>>
        %dma_start3A_228 = tpu.memref_squeeze %dma_start3A_227 : memref<1x125xi32, #tpu.memory_space<vmem>> -> memref<125xi32, #tpu.memory_space<vmem>>
        %dma_start3A_229 = arith.constant 0 : i32
        %dma_start3A_230 = arith.constant 0 : i32
        %dma_start3A_231 = tpu.memref_slice %arg7[%dma_start3A_229, %dma_start3A_230] : memref<10240x128xf32, #tpu.memory_space<vmem_shared>> -> memref<10240x128xf32, #tpu.memory_space<vmem_shared>>
        tpu.enqueue_indirect_dma source(%arg11 : memref<125x128xf32, #tpu.memory_space<vmem>>) target(%dma_start3A_231 : memref<10240x128xf32, #tpu.memory_space<vmem_shared>>) offsets(%dma_start3A_228 : memref<125xi32, #tpu.memory_space<vmem>>) semaphore(%arg15 : memref<!tpu.dma_semaphore, #tpu.memory_space<semaphore_mem>>) {add = true}
        %add3A_232 = arith.constant 1 : i32
        %add3A_233 = arith.addi %mul3A_183, %add3A_232 : i32
        "tpu.region"() ({
          %run_scoped3A = tpu.sem_alloc : memref<!tpu.dma_semaphore, #tpu.memory_space<semaphore_mem>>
          %dma_start3A_235 = arith.constant 0 : i32
          %dma_start3A_236 = tpu.memref_slice %arg17[%dma_start3A_235] : memref<128xf32, #tpu.memory_space<vmem>> -> memref<125xf32, #tpu.memory_space<vmem>>
          %dma_start3A_237 = arith.constant 0 : i32
          %dma_start3A_238 = tpu.memref_slice %arg9[%add3A_233, %dma_start3A_237] : memref<40x125xi32, #tpu.memory_space<vmem>> -> memref<1x125xi32, #tpu.memory_space<vmem>>
          %dma_start3A_239 = tpu.memref_squeeze %dma_start3A_238 : memref<1x125xi32, #tpu.memory_space<vmem>> -> memref<125xi32, #tpu.memory_space<vmem>>
          %dma_start3A_240 = arith.constant 0 : i32
          %dma_start3A_241 = tpu.memref_slice %arg16[%dma_start3A_240] : memref<10240xf32, #tpu.memory_space<vmem_shared>> -> memref<10240xf32, #tpu.memory_space<vmem_shared>>
          tpu.enqueue_indirect_dma source(%dma_start3A_236 : memref<125xf32, #tpu.memory_space<vmem>>) target(%dma_start3A_241 : memref<10240xf32, #tpu.memory_space<vmem_shared>>) offsets(%dma_start3A_239 : memref<125xi32, #tpu.memory_space<vmem>>) semaphore(%run_scoped3A : memref<!tpu.dma_semaphore, #tpu.memory_space<semaphore_mem>>) {add = true}
          %dma_wait3A_242 = arith.constant 0 : i32
          %dma_wait3A_243 = tpu.memref_slice %arg17[%dma_wait3A_242] : memref<128xf32, #tpu.memory_space<vmem>> -> memref<125xf32, #tpu.memory_space<vmem>>
          %dma_wait3A_244 = arith.constant 0 : i32
          %dma_wait3A_245 = tpu.memref_slice %arg9[%add3A_233, %dma_wait3A_244] : memref<40x125xi32, #tpu.memory_space<vmem>> -> memref<1x125xi32, #tpu.memory_space<vmem>>
          %dma_wait3A_246 = tpu.memref_squeeze %dma_wait3A_245 : memref<1x125xi32, #tpu.memory_space<vmem>> -> memref<125xi32, #tpu.memory_space<vmem>>
          %dma_wait3A_247 = arith.constant 0 : i32
          %dma_wait3A_248 = tpu.memref_slice %arg16[%dma_wait3A_247] : memref<10240xf32, #tpu.memory_space<vmem_shared>> -> memref<10240xf32, #tpu.memory_space<vmem_shared>>
          tpu.wait_indirect_dma semaphore(%run_scoped3A : memref<!tpu.dma_semaphore, #tpu.memory_space<semaphore_mem>>) src(%dma_wait3A_243 : memref<125xf32, #tpu.memory_space<vmem>>) dst(%dma_wait3A_248 : memref<10240xf32, #tpu.memory_space<vmem_shared>>)
          tpu.yield
        }) : () -> ()
        %scan3A_234 = arith.constant 0 : i32
        scf.yield %scan3A_234 : i32
      }
      %scan3A_172 = arith.constant 20 : i32
      %dma_wait3A = arith.constant 39 : i32
      %dma_wait3A_173 = arith.constant 0 : i32
      %dma_wait3A_174 = tpu.memref_slice %arg9[%dma_wait3A, %dma_wait3A_173] : memref<40x125xi32, #tpu.memory_space<vmem>> -> memref<1x125xi32, #tpu.memory_space<vmem>>
      %dma_wait3A_175 = tpu.memref_squeeze %dma_wait3A_174 : memref<1x125xi32, #tpu.memory_space<vmem>> -> memref<125xi32, #tpu.memory_space<vmem>>
      %dma_wait3A_176 = arith.constant 0 : i32
      %dma_wait3A_177 = arith.constant 0 : i32
      %dma_wait3A_178 = tpu.memref_slice %arg7[%dma_wait3A_176, %dma_wait3A_177] : memref<10240x128xf32, #tpu.memory_space<vmem_shared>> -> memref<10240x128xf32, #tpu.memory_space<vmem_shared>>
      tpu.wait_indirect_dma semaphore(%arg15 : memref<!tpu.dma_semaphore, #tpu.memory_space<semaphore_mem>>) src(%arg11 : memref<125x128xf32, #tpu.memory_space<vmem>>) dst(%dma_wait3A_178 : memref<10240x128xf32, #tpu.memory_space<vmem_shared>>)
      %scan3A_179 = arith.constant 0 : i32
      scf.yield %scan3A_179 : i32
    }
    %scan3A_143 = arith.constant 2 : i32
    "tpu.trace_stop"() : () -> ()
    "tpu.trace_start"() <{level = 10 : i32, message = "sc_wb"}> : () -> ()
    %barrier3A_144 = arith.constant 0 : index
    tpu.barrier barrier_id(%barrier3A_144)
    %mul3A_145 = arith.constant 640 : i32
    %mul3A_146 = arith.muli %arg1, %mul3A_145 : i32
    %mul3A_147 = arith.constant 640 : i32
    %mul3A_148 = arith.muli %arg1, %mul3A_147 : i32
    "tpu.region"() ({
      %run_scoped3A = tpu.sem_alloc : memref<!tpu.dma_semaphore, #tpu.memory_space<semaphore_mem>>
      %dma_start3A = arith.constant 0 : i32
      %dma_start3A_153 = tpu.memref_slice %arg5[%arg0, %mul3A_148, %dma_start3A] : memref<2x10240x128xf32, #tpu.memory_space<hbm>> -> memref<1x640x128xf32, #tpu.memory_space<hbm>>
      %dma_start3A_154 = tpu.memref_squeeze %dma_start3A_153 : memref<1x640x128xf32, #tpu.memory_space<hbm>> -> memref<640x128xf32, #tpu.memory_space<hbm>>
      %dma_start3A_155 = arith.constant 0 : i32
      %dma_start3A_156 = tpu.memref_slice %arg7[%mul3A_146, %dma_start3A_155] : memref<10240x128xf32, #tpu.memory_space<vmem_shared>> -> memref<640x128xf32, #tpu.memory_space<vmem_shared>>
      tpu.enqueue_dma source(%dma_start3A_156 : memref<640x128xf32, #tpu.memory_space<vmem_shared>>) target(%dma_start3A_154 : memref<640x128xf32, #tpu.memory_space<hbm>>) target_semaphore(%run_scoped3A : memref<!tpu.dma_semaphore, #tpu.memory_space<semaphore_mem>>)
      %dma_wait3A = arith.constant 0 : i32
      %dma_wait3A_157 = tpu.memref_slice %arg5[%arg0, %mul3A_148, %dma_wait3A] : memref<2x10240x128xf32, #tpu.memory_space<hbm>> -> memref<1x640x128xf32, #tpu.memory_space<hbm>>
      %dma_wait3A_158 = tpu.memref_squeeze %dma_wait3A_157 : memref<1x640x128xf32, #tpu.memory_space<hbm>> -> memref<640x128xf32, #tpu.memory_space<hbm>>
      %dma_wait3A_159 = arith.constant 0 : i32
      %dma_wait3A_160 = tpu.memref_slice %arg7[%mul3A_146, %dma_wait3A_159] : memref<10240x128xf32, #tpu.memory_space<vmem_shared>> -> memref<640x128xf32, #tpu.memory_space<vmem_shared>>
      tpu.wait_dma2 semaphore(%run_scoped3A : memref<!tpu.dma_semaphore, #tpu.memory_space<semaphore_mem>>) src(%dma_wait3A_160 : memref<640x128xf32, #tpu.memory_space<vmem_shared>>) dst(%dma_wait3A_158 : memref<640x128xf32, #tpu.memory_space<hbm>>)
      tpu.yield
    }) : () -> ()
    %mul3A_149 = arith.constant 640 : i32
    %mul3A_150 = arith.muli %arg1, %mul3A_149 : i32
    %mul3A_151 = arith.constant 640 : i32
    %mul3A_152 = arith.muli %arg1, %mul3A_151 : i32
    "tpu.region"() ({
      %run_scoped3A = tpu.sem_alloc : memref<!tpu.dma_semaphore, #tpu.memory_space<semaphore_mem>>
      %dma_start3A = tpu.memref_slice %arg6[%arg0, %mul3A_152] : memref<2x10240xf32, #tpu.memory_space<hbm>> -> memref<1x640xf32, #tpu.memory_space<hbm>>
      %dma_start3A_153 = tpu.memref_squeeze %dma_start3A : memref<1x640xf32, #tpu.memory_space<hbm>> -> memref<640xf32, #tpu.memory_space<hbm>>
      %dma_start3A_154 = tpu.memref_slice %arg16[%mul3A_150] : memref<10240xf32, #tpu.memory_space<vmem_shared>> -> memref<640xf32, #tpu.memory_space<vmem_shared>>
      tpu.enqueue_dma source(%dma_start3A_154 : memref<640xf32, #tpu.memory_space<vmem_shared>>) target(%dma_start3A_153 : memref<640xf32, #tpu.memory_space<hbm>>) target_semaphore(%run_scoped3A : memref<!tpu.dma_semaphore, #tpu.memory_space<semaphore_mem>>)
      %dma_wait3A = tpu.memref_slice %arg6[%arg0, %mul3A_152] : memref<2x10240xf32, #tpu.memory_space<hbm>> -> memref<1x640xf32, #tpu.memory_space<hbm>>
      %dma_wait3A_155 = tpu.memref_squeeze %dma_wait3A : memref<1x640xf32, #tpu.memory_space<hbm>> -> memref<640xf32, #tpu.memory_space<hbm>>
      %dma_wait3A_156 = tpu.memref_slice %arg16[%mul3A_150] : memref<10240xf32, #tpu.memory_space<vmem_shared>> -> memref<640xf32, #tpu.memory_space<vmem_shared>>
      tpu.wait_dma2 semaphore(%run_scoped3A : memref<!tpu.dma_semaphore, #tpu.memory_space<semaphore_mem>>) src(%dma_wait3A_156 : memref<640xf32, #tpu.memory_space<vmem_shared>>) dst(%dma_wait3A_155 : memref<640xf32, #tpu.memory_space<hbm>>)
      tpu.yield
    }) : () -> ()
    "tpu.trace_stop"() : () -> ()
    return
  }
}

#map = affine_map<(d0, d1) -> (0, 0)>
#map1 = affine_map<(d0, d1) -> (0, 0, 0)>
module attributes {stable_mosaic.version = 14 : i64} {
  func.func @body(%arg0: i32, %arg1: i32, %arg2: memref<10000x128xf32, #tpu.memory_space<hbm>>, %arg3: memref<2560x125xi32, #tpu.memory_space<hbm>>, %arg4: memref<2560x125xi32, #tpu.memory_space<hbm>>, %arg5: memref<2x10240x128xf32, #tpu.memory_space<hbm>>, %arg6: memref<10240x128xf32, #tpu.memory_space<vmem_shared>>, %arg7: memref<40x125xi32, #tpu.memory_space<vmem>>, %arg8: memref<40x125xi32, #tpu.memory_space<vmem>>, %arg9: memref<125x128xf32, #tpu.memory_space<vmem>>, %arg10: memref<125x128xf32, #tpu.memory_space<vmem>>, %arg11: memref<!tpu.dma_semaphore, #tpu.memory_space<semaphore_mem>>, %arg12: memref<!tpu.dma_semaphore, #tpu.memory_space<semaphore_mem>>, %arg13: memref<!tpu.dma_semaphore, #tpu.memory_space<semaphore_mem>>, %arg14: memref<!tpu.dma_semaphore, #tpu.memory_space<semaphore_mem>>) attributes {dimension_semantics = [#tpu.dimension_semantics<core_parallel>, #tpu.dimension_semantics<subcore_parallel>], iteration_bounds = array<i64: 2, 16>, scalar_prefetch = 0 : i64, scratch_operands = 9 : i64, tpu.core_type = #tpu.core_type<sc_vector_subcore>, window_params = [{transform_indices = #map}, {transform_indices = #map}, {transform_indices = #map}, {transform_indices = #map1}]} {
    %mul3A = arith.constant 16 : i32
    %mul3A_0 = arith.muli %arg0, %mul3A : i32
    %add3A = arith.addi %mul3A_0, %arg1 : i32
    %broadcast_in_dim3A = arith.constant 0.000000e+00 : f32
    %broadcast_in_dim3A_1 = vector.broadcast %broadcast_in_dim3A : f32 to vector<16xf32>
    "tpu.trace_start"() <{level = 10 : i32, message = "sc_init"}> : () -> ()
    %scan3A = arith.constant 0 : i32
    %scan3A_2 = arith.constant 0 : i32
    %scan3A_3 = arith.constant 125 : i32
    %scan3A_4 = arith.addi %scan3A_2, %scan3A_3 : i32
    %scan3A_5 = arith.constant 1 : i32
    %scan3A_6 = scf.for %scan3A_52 = %scan3A_2 to %scan3A_4 step %scan3A_5 iter_args(%scan3A_53 = %scan3A) -> (i32)  : i32 {
      %swap3A = arith.index_cast %scan3A_52 : i32 to index
      %swap3A_54 = arith.constant 0 : index
      %swap3A_55 = tpu.vector_load %arg9[%swap3A, %swap3A_54] {strides = array<i32>} : memref<125x128xf32, #tpu.memory_space<vmem>>, vector<1x16xf32>,
      %swap3A_56 = vector.shape_cast %swap3A_55 : vector<1x16xf32> to vector<16xf32>
      %swap3A_57 = vector.shape_cast %broadcast_in_dim3A_1 : vector<16xf32> to vector<1x16xf32>
      tpu.vector_store %arg9[%swap3A, %swap3A_54], %swap3A_57 {strides = array<i32>} : memref<125x128xf32, #tpu.memory_space<vmem>>, vector<1x16xf32>,
      %swap3A_58 = arith.index_cast %scan3A_52 : i32 to index
      %swap3A_59 = arith.constant 16 : index
      %swap3A_60 = tpu.vector_load %arg9[%swap3A_58, %swap3A_59] {strides = array<i32>} : memref<125x128xf32, #tpu.memory_space<vmem>>, vector<1x16xf32>,
      %swap3A_61 = vector.shape_cast %swap3A_60 : vector<1x16xf32> to vector<16xf32>
      %swap3A_62 = vector.shape_cast %broadcast_in_dim3A_1 : vector<16xf32> to vector<1x16xf32>
      tpu.vector_store %arg9[%swap3A_58, %swap3A_59], %swap3A_62 {strides = array<i32>} : memref<125x128xf32, #tpu.memory_space<vmem>>, vector<1x16xf32>,
      %swap3A_63 = arith.index_cast %scan3A_52 : i32 to index
      %swap3A_64 = arith.constant 32 : index
      %swap3A_65 = tpu.vector_load %arg9[%swap3A_63, %swap3A_64] {strides = array<i32>} : memref<125x128xf32, #tpu.memory_space<vmem>>, vector<1x16xf32>,
      %swap3A_66 = vector.shape_cast %swap3A_65 : vector<1x16xf32> to vector<16xf32>
      %swap3A_67 = vector.shape_cast %broadcast_in_dim3A_1 : vector<16xf32> to vector<1x16xf32>
      tpu.vector_store %arg9[%swap3A_63, %swap3A_64], %swap3A_67 {strides = array<i32>} : memref<125x128xf32, #tpu.memory_space<vmem>>, vector<1x16xf32>,
      %swap3A_68 = arith.index_cast %scan3A_52 : i32 to index
      %swap3A_69 = arith.constant 48 : index
      %swap3A_70 = tpu.vector_load %arg9[%swap3A_68, %swap3A_69] {strides = array<i32>} : memref<125x128xf32, #tpu.memory_space<vmem>>, vector<1x16xf32>,
      %swap3A_71 = vector.shape_cast %swap3A_70 : vector<1x16xf32> to vector<16xf32>
      %swap3A_72 = vector.shape_cast %broadcast_in_dim3A_1 : vector<16xf32> to vector<1x16xf32>
      tpu.vector_store %arg9[%swap3A_68, %swap3A_69], %swap3A_72 {strides = array<i32>} : memref<125x128xf32, #tpu.memory_space<vmem>>, vector<1x16xf32>,
      %swap3A_73 = arith.index_cast %scan3A_52 : i32 to index
      %swap3A_74 = arith.constant 64 : index
      %swap3A_75 = tpu.vector_load %arg9[%swap3A_73, %swap3A_74] {strides = array<i32>} : memref<125x128xf32, #tpu.memory_space<vmem>>, vector<1x16xf32>,
      %swap3A_76 = vector.shape_cast %swap3A_75 : vector<1x16xf32> to vector<16xf32>
      %swap3A_77 = vector.shape_cast %broadcast_in_dim3A_1 : vector<16xf32> to vector<1x16xf32>
      tpu.vector_store %arg9[%swap3A_73, %swap3A_74], %swap3A_77 {strides = array<i32>} : memref<125x128xf32, #tpu.memory_space<vmem>>, vector<1x16xf32>,
      %swap3A_78 = arith.index_cast %scan3A_52 : i32 to index
      %swap3A_79 = arith.constant 80 : index
      %swap3A_80 = tpu.vector_load %arg9[%swap3A_78, %swap3A_79] {strides = array<i32>} : memref<125x128xf32, #tpu.memory_space<vmem>>, vector<1x16xf32>,
      %swap3A_81 = vector.shape_cast %swap3A_80 : vector<1x16xf32> to vector<16xf32>
      %swap3A_82 = vector.shape_cast %broadcast_in_dim3A_1 : vector<16xf32> to vector<1x16xf32>
      tpu.vector_store %arg9[%swap3A_78, %swap3A_79], %swap3A_82 {strides = array<i32>} : memref<125x128xf32, #tpu.memory_space<vmem>>, vector<1x16xf32>,
      %swap3A_83 = arith.index_cast %scan3A_52 : i32 to index
      %swap3A_84 = arith.constant 96 : index
      %swap3A_85 = tpu.vector_load %arg9[%swap3A_83, %swap3A_84] {strides = array<i32>} : memref<125x128xf32, #tpu.memory_space<vmem>>, vector<1x16xf32>,
      %swap3A_86 = vector.shape_cast %swap3A_85 : vector<1x16xf32> to vector<16xf32>
      %swap3A_87 = vector.shape_cast %broadcast_in_dim3A_1 : vector<16xf32> to vector<1x16xf32>
      tpu.vector_store %arg9[%swap3A_83, %swap3A_84], %swap3A_87 {strides = array<i32>} : memref<125x128xf32, #tpu.memory_space<vmem>>, vector<1x16xf32>,
      %swap3A_88 = arith.index_cast %scan3A_52 : i32 to index
      %swap3A_89 = arith.constant 112 : index
      %swap3A_90 = tpu.vector_load %arg9[%swap3A_88, %swap3A_89] {strides = array<i32>} : memref<125x128xf32, #tpu.memory_space<vmem>>, vector<1x16xf32>,
      %swap3A_91 = vector.shape_cast %swap3A_90 : vector<1x16xf32> to vector<16xf32>
      %swap3A_92 = vector.shape_cast %broadcast_in_dim3A_1 : vector<16xf32> to vector<1x16xf32>
      tpu.vector_store %arg9[%swap3A_88, %swap3A_89], %swap3A_92 {strides = array<i32>} : memref<125x128xf32, #tpu.memory_space<vmem>>, vector<1x16xf32>,
      %scan3A_93 = arith.constant 0 : i32
      scf.yield %scan3A_93 : i32
    }
    %scan3A_7 = arith.constant 125 : i32
    %mul3A_8 = arith.constant 640 : i32
    %mul3A_9 = arith.muli %arg1, %mul3A_8 : i32
    %add3A_10 = arith.constant 0 : i32
    %add3A_11 = arith.addi %mul3A_9, %add3A_10 : i32
    "tpu.region"() ({
      %run_scoped3A = tpu.sem_alloc : memref<!tpu.dma_semaphore, #tpu.memory_space<semaphore_mem>>
      %dma_start3A = arith.constant 0 : i32
      %dma_start3A_52 = arith.constant 0 : i32
      %dma_start3A_53 = tpu.memref_slice %arg9[%dma_start3A, %dma_start3A_52] : memref<125x128xf32, #tpu.memory_space<vmem>> -> memref<80x128xf32, #tpu.memory_space<vmem>>
      %dma_start3A_54 = arith.constant 0 : i32
      %dma_start3A_55 = tpu.memref_slice %arg6[%add3A_11, %dma_start3A_54] : memref<10240x128xf32, #tpu.memory_space<vmem_shared>> -> memref<80x128xf32, #tpu.memory_space<vmem_shared>>
      %dma_start3A_56 = arith.constant 0 : i32
      %dma_start3A_57 = tpu.memref_slice %arg6[%add3A_11, %dma_start3A_56] : memref<10240x128xf32, #tpu.memory_space<vmem_shared>> -> memref<80x128xf32, #tpu.memory_space<vmem_shared>>
      %dma_start3A_58 = arith.constant 0 : i32
      %dma_start3A_59 = arith.constant 0 : i32
      %dma_start3A_60 = tpu.memref_slice %arg9[%dma_start3A_58, %dma_start3A_59] : memref<125x128xf32, #tpu.memory_space<vmem>> -> memref<80x128xf32, #tpu.memory_space<vmem>>
      tpu.enqueue_dma source(%dma_start3A_60 : memref<80x128xf32, #tpu.memory_space<vmem>>) target(%dma_start3A_57 : memref<80x128xf32, #tpu.memory_space<vmem_shared>>) target_semaphore(%run_scoped3A : memref<!tpu.dma_semaphore, #tpu.memory_space<semaphore_mem>>)
      %dma_wait3A = arith.constant 0 : i32
      %dma_wait3A_61 = arith.constant 0 : i32
      %dma_wait3A_62 = tpu.memref_slice %arg9[%dma_wait3A, %dma_wait3A_61] : memref<125x128xf32, #tpu.memory_space<vmem>> -> memref<80x128xf32, #tpu.memory_space<vmem>>
      %dma_wait3A_63 = arith.constant 0 : i32
      %dma_wait3A_64 = tpu.memref_slice %arg6[%add3A_11, %dma_wait3A_63] : memref<10240x128xf32, #tpu.memory_space<vmem_shared>> -> memref<80x128xf32, #tpu.memory_space<vmem_shared>>
      %dma_wait3A_65 = arith.constant 0 : i32
      %dma_wait3A_66 = tpu.memref_slice %arg6[%add3A_11, %dma_wait3A_65] : memref<10240x128xf32, #tpu.memory_space<vmem_shared>> -> memref<80x128xf32, #tpu.memory_space<vmem_shared>>
      %dma_wait3A_67 = arith.constant 0 : i32
      %dma_wait3A_68 = arith.constant 0 : i32
      %dma_wait3A_69 = tpu.memref_slice %arg9[%dma_wait3A_67, %dma_wait3A_68] : memref<125x128xf32, #tpu.memory_space<vmem>> -> memref<80x128xf32, #tpu.memory_space<vmem>>
      tpu.wait_dma2 semaphore(%run_scoped3A : memref<!tpu.dma_semaphore, #tpu.memory_space<semaphore_mem>>) src(%dma_wait3A_69 : memref<80x128xf32, #tpu.memory_space<vmem>>) dst(%dma_wait3A_66 : memref<80x128xf32, #tpu.memory_space<vmem_shared>>)
      tpu.yield
    }) : () -> ()
    %mul3A_12 = arith.constant 640 : i32
    %mul3A_13 = arith.muli %arg1, %mul3A_12 : i32
    %add3A_14 = arith.constant 80 : i32
    %add3A_15 = arith.addi %mul3A_13, %add3A_14 : i32
    "tpu.region"() ({
      %run_scoped3A = tpu.sem_alloc : memref<!tpu.dma_semaphore, #tpu.memory_space<semaphore_mem>>
      %dma_start3A = arith.constant 0 : i32
      %dma_start3A_52 = arith.constant 0 : i32
      %dma_start3A_53 = tpu.memref_slice %arg9[%dma_start3A, %dma_start3A_52] : memref<125x128xf32, #tpu.memory_space<vmem>> -> memref<80x128xf32, #tpu.memory_space<vmem>>
      %dma_start3A_54 = arith.constant 0 : i32
      %dma_start3A_55 = tpu.memref_slice %arg6[%add3A_15, %dma_start3A_54] : memref<10240x128xf32, #tpu.memory_space<vmem_shared>> -> memref<80x128xf32, #tpu.memory_space<vmem_shared>>
      %dma_start3A_56 = arith.constant 0 : i32
      %dma_start3A_57 = tpu.memref_slice %arg6[%add3A_15, %dma_start3A_56] : memref<10240x128xf32, #tpu.memory_space<vmem_shared>> -> memref<80x128xf32, #tpu.memory_space<vmem_shared>>
      %dma_start3A_58 = arith.constant 0 : i32
      %dma_start3A_59 = arith.constant 0 : i32
      %dma_start3A_60 = tpu.memref_slice %arg9[%dma_start3A_58, %dma_start3A_59] : memref<125x128xf32, #tpu.memory_space<vmem>> -> memref<80x128xf32, #tpu.memory_space<vmem>>
      tpu.enqueue_dma source(%dma_start3A_60 : memref<80x128xf32, #tpu.memory_space<vmem>>) target(%dma_start3A_57 : memref<80x128xf32, #tpu.memory_space<vmem_shared>>) target_semaphore(%run_scoped3A : memref<!tpu.dma_semaphore, #tpu.memory_space<semaphore_mem>>)
      %dma_wait3A = arith.constant 0 : i32
      %dma_wait3A_61 = arith.constant 0 : i32
      %dma_wait3A_62 = tpu.memref_slice %arg9[%dma_wait3A, %dma_wait3A_61] : memref<125x128xf32, #tpu.memory_space<vmem>> -> memref<80x128xf32, #tpu.memory_space<vmem>>
      %dma_wait3A_63 = arith.constant 0 : i32
      %dma_wait3A_64 = tpu.memref_slice %arg6[%add3A_15, %dma_wait3A_63] : memref<10240x128xf32, #tpu.memory_space<vmem_shared>> -> memref<80x128xf32, #tpu.memory_space<vmem_shared>>
      %dma_wait3A_65 = arith.constant 0 : i32
      %dma_wait3A_66 = tpu.memref_slice %arg6[%add3A_15, %dma_wait3A_65] : memref<10240x128xf32, #tpu.memory_space<vmem_shared>> -> memref<80x128xf32, #tpu.memory_space<vmem_shared>>
      %dma_wait3A_67 = arith.constant 0 : i32
      %dma_wait3A_68 = arith.constant 0 : i32
      %dma_wait3A_69 = tpu.memref_slice %arg9[%dma_wait3A_67, %dma_wait3A_68] : memref<125x128xf32, #tpu.memory_space<vmem>> -> memref<80x128xf32, #tpu.memory_space<vmem>>
      tpu.wait_dma2 semaphore(%run_scoped3A : memref<!tpu.dma_semaphore, #tpu.memory_space<semaphore_mem>>) src(%dma_wait3A_69 : memref<80x128xf32, #tpu.memory_space<vmem>>) dst(%dma_wait3A_66 : memref<80x128xf32, #tpu.memory_space<vmem_shared>>)
      tpu.yield
    }) : () -> ()
    %mul3A_16 = arith.constant 640 : i32
    %mul3A_17 = arith.muli %arg1, %mul3A_16 : i32
    %add3A_18 = arith.constant 160 : i32
    %add3A_19 = arith.addi %mul3A_17, %add3A_18 : i32
    "tpu.region"() ({
      %run_scoped3A = tpu.sem_alloc : memref<!tpu.dma_semaphore, #tpu.memory_space<semaphore_mem>>
      %dma_start3A = arith.constant 0 : i32
      %dma_start3A_52 = arith.constant 0 : i32
      %dma_start3A_53 = tpu.memref_slice %arg9[%dma_start3A, %dma_start3A_52] : memref<125x128xf32, #tpu.memory_space<vmem>> -> memref<80x128xf32, #tpu.memory_space<vmem>>
      %dma_start3A_54 = arith.constant 0 : i32
      %dma_start3A_55 = tpu.memref_slice %arg6[%add3A_19, %dma_start3A_54] : memref<10240x128xf32, #tpu.memory_space<vmem_shared>> -> memref<80x128xf32, #tpu.memory_space<vmem_shared>>
      %dma_start3A_56 = arith.constant 0 : i32
      %dma_start3A_57 = tpu.memref_slice %arg6[%add3A_19, %dma_start3A_56] : memref<10240x128xf32, #tpu.memory_space<vmem_shared>> -> memref<80x128xf32, #tpu.memory_space<vmem_shared>>
      %dma_start3A_58 = arith.constant 0 : i32
      %dma_start3A_59 = arith.constant 0 : i32
      %dma_start3A_60 = tpu.memref_slice %arg9[%dma_start3A_58, %dma_start3A_59] : memref<125x128xf32, #tpu.memory_space<vmem>> -> memref<80x128xf32, #tpu.memory_space<vmem>>
      tpu.enqueue_dma source(%dma_start3A_60 : memref<80x128xf32, #tpu.memory_space<vmem>>) target(%dma_start3A_57 : memref<80x128xf32, #tpu.memory_space<vmem_shared>>) target_semaphore(%run_scoped3A : memref<!tpu.dma_semaphore, #tpu.memory_space<semaphore_mem>>)
      %dma_wait3A = arith.constant 0 : i32
      %dma_wait3A_61 = arith.constant 0 : i32
      %dma_wait3A_62 = tpu.memref_slice %arg9[%dma_wait3A, %dma_wait3A_61] : memref<125x128xf32, #tpu.memory_space<vmem>> -> memref<80x128xf32, #tpu.memory_space<vmem>>
      %dma_wait3A_63 = arith.constant 0 : i32
      %dma_wait3A_64 = tpu.memref_slice %arg6[%add3A_19, %dma_wait3A_63] : memref<10240x128xf32, #tpu.memory_space<vmem_shared>> -> memref<80x128xf32, #tpu.memory_space<vmem_shared>>
      %dma_wait3A_65 = arith.constant 0 : i32
      %dma_wait3A_66 = tpu.memref_slice %arg6[%add3A_19, %dma_wait3A_65] : memref<10240x128xf32, #tpu.memory_space<vmem_shared>> -> memref<80x128xf32, #tpu.memory_space<vmem_shared>>
      %dma_wait3A_67 = arith.constant 0 : i32
      %dma_wait3A_68 = arith.constant 0 : i32
      %dma_wait3A_69 = tpu.memref_slice %arg9[%dma_wait3A_67, %dma_wait3A_68] : memref<125x128xf32, #tpu.memory_space<vmem>> -> memref<80x128xf32, #tpu.memory_space<vmem>>
      tpu.wait_dma2 semaphore(%run_scoped3A : memref<!tpu.dma_semaphore, #tpu.memory_space<semaphore_mem>>) src(%dma_wait3A_69 : memref<80x128xf32, #tpu.memory_space<vmem>>) dst(%dma_wait3A_66 : memref<80x128xf32, #tpu.memory_space<vmem_shared>>)
      tpu.yield
    }) : () -> ()
    %mul3A_20 = arith.constant 640 : i32
    %mul3A_21 = arith.muli %arg1, %mul3A_20 : i32
    %add3A_22 = arith.constant 240 : i32
    %add3A_23 = arith.addi %mul3A_21, %add3A_22 : i32
    "tpu.region"() ({
      %run_scoped3A = tpu.sem_alloc : memref<!tpu.dma_semaphore, #tpu.memory_space<semaphore_mem>>
      %dma_start3A = arith.constant 0 : i32
      %dma_start3A_52 = arith.constant 0 : i32
      %dma_start3A_53 = tpu.memref_slice %arg9[%dma_start3A, %dma_start3A_52] : memref<125x128xf32, #tpu.memory_space<vmem>> -> memref<80x128xf32, #tpu.memory_space<vmem>>
      %dma_start3A_54 = arith.constant 0 : i32
      %dma_start3A_55 = tpu.memref_slice %arg6[%add3A_23, %dma_start3A_54] : memref<10240x128xf32, #tpu.memory_space<vmem_shared>> -> memref<80x128xf32, #tpu.memory_space<vmem_shared>>
      %dma_start3A_56 = arith.constant 0 : i32
      %dma_start3A_57 = tpu.memref_slice %arg6[%add3A_23, %dma_start3A_56] : memref<10240x128xf32, #tpu.memory_space<vmem_shared>> -> memref<80x128xf32, #tpu.memory_space<vmem_shared>>
      %dma_start3A_58 = arith.constant 0 : i32
      %dma_start3A_59 = arith.constant 0 : i32
      %dma_start3A_60 = tpu.memref_slice %arg9[%dma_start3A_58, %dma_start3A_59] : memref<125x128xf32, #tpu.memory_space<vmem>> -> memref<80x128xf32, #tpu.memory_space<vmem>>
      tpu.enqueue_dma source(%dma_start3A_60 : memref<80x128xf32, #tpu.memory_space<vmem>>) target(%dma_start3A_57 : memref<80x128xf32, #tpu.memory_space<vmem_shared>>) target_semaphore(%run_scoped3A : memref<!tpu.dma_semaphore, #tpu.memory_space<semaphore_mem>>)
      %dma_wait3A = arith.constant 0 : i32
      %dma_wait3A_61 = arith.constant 0 : i32
      %dma_wait3A_62 = tpu.memref_slice %arg9[%dma_wait3A, %dma_wait3A_61] : memref<125x128xf32, #tpu.memory_space<vmem>> -> memref<80x128xf32, #tpu.memory_space<vmem>>
      %dma_wait3A_63 = arith.constant 0 : i32
      %dma_wait3A_64 = tpu.memref_slice %arg6[%add3A_23, %dma_wait3A_63] : memref<10240x128xf32, #tpu.memory_space<vmem_shared>> -> memref<80x128xf32, #tpu.memory_space<vmem_shared>>
      %dma_wait3A_65 = arith.constant 0 : i32
      %dma_wait3A_66 = tpu.memref_slice %arg6[%add3A_23, %dma_wait3A_65] : memref<10240x128xf32, #tpu.memory_space<vmem_shared>> -> memref<80x128xf32, #tpu.memory_space<vmem_shared>>
      %dma_wait3A_67 = arith.constant 0 : i32
      %dma_wait3A_68 = arith.constant 0 : i32
      %dma_wait3A_69 = tpu.memref_slice %arg9[%dma_wait3A_67, %dma_wait3A_68] : memref<125x128xf32, #tpu.memory_space<vmem>> -> memref<80x128xf32, #tpu.memory_space<vmem>>
      tpu.wait_dma2 semaphore(%run_scoped3A : memref<!tpu.dma_semaphore, #tpu.memory_space<semaphore_mem>>) src(%dma_wait3A_69 : memref<80x128xf32, #tpu.memory_space<vmem>>) dst(%dma_wait3A_66 : memref<80x128xf32, #tpu.memory_space<vmem_shared>>)
      tpu.yield
    }) : () -> ()
    %mul3A_24 = arith.constant 640 : i32
    %mul3A_25 = arith.muli %arg1, %mul3A_24 : i32
    %add3A_26 = arith.constant 320 : i32
    %add3A_27 = arith.addi %mul3A_25, %add3A_26 : i32
    "tpu.region"() ({
      %run_scoped3A = tpu.sem_alloc : memref<!tpu.dma_semaphore, #tpu.memory_space<semaphore_mem>>
      %dma_start3A = arith.constant 0 : i32
      %dma_start3A_52 = arith.constant 0 : i32
      %dma_start3A_53 = tpu.memref_slice %arg9[%dma_start3A, %dma_start3A_52] : memref<125x128xf32, #tpu.memory_space<vmem>> -> memref<80x128xf32, #tpu.memory_space<vmem>>
      %dma_start3A_54 = arith.constant 0 : i32
      %dma_start3A_55 = tpu.memref_slice %arg6[%add3A_27, %dma_start3A_54] : memref<10240x128xf32, #tpu.memory_space<vmem_shared>> -> memref<80x128xf32, #tpu.memory_space<vmem_shared>>
      %dma_start3A_56 = arith.constant 0 : i32
      %dma_start3A_57 = tpu.memref_slice %arg6[%add3A_27, %dma_start3A_56] : memref<10240x128xf32, #tpu.memory_space<vmem_shared>> -> memref<80x128xf32, #tpu.memory_space<vmem_shared>>
      %dma_start3A_58 = arith.constant 0 : i32
      %dma_start3A_59 = arith.constant 0 : i32
      %dma_start3A_60 = tpu.memref_slice %arg9[%dma_start3A_58, %dma_start3A_59] : memref<125x128xf32, #tpu.memory_space<vmem>> -> memref<80x128xf32, #tpu.memory_space<vmem>>
      tpu.enqueue_dma source(%dma_start3A_60 : memref<80x128xf32, #tpu.memory_space<vmem>>) target(%dma_start3A_57 : memref<80x128xf32, #tpu.memory_space<vmem_shared>>) target_semaphore(%run_scoped3A : memref<!tpu.dma_semaphore, #tpu.memory_space<semaphore_mem>>)
      %dma_wait3A = arith.constant 0 : i32
      %dma_wait3A_61 = arith.constant 0 : i32
      %dma_wait3A_62 = tpu.memref_slice %arg9[%dma_wait3A, %dma_wait3A_61] : memref<125x128xf32, #tpu.memory_space<vmem>> -> memref<80x128xf32, #tpu.memory_space<vmem>>
      %dma_wait3A_63 = arith.constant 0 : i32
      %dma_wait3A_64 = tpu.memref_slice %arg6[%add3A_27, %dma_wait3A_63] : memref<10240x128xf32, #tpu.memory_space<vmem_shared>> -> memref<80x128xf32, #tpu.memory_space<vmem_shared>>
      %dma_wait3A_65 = arith.constant 0 : i32
      %dma_wait3A_66 = tpu.memref_slice %arg6[%add3A_27, %dma_wait3A_65] : memref<10240x128xf32, #tpu.memory_space<vmem_shared>> -> memref<80x128xf32, #tpu.memory_space<vmem_shared>>
      %dma_wait3A_67 = arith.constant 0 : i32
      %dma_wait3A_68 = arith.constant 0 : i32
      %dma_wait3A_69 = tpu.memref_slice %arg9[%dma_wait3A_67, %dma_wait3A_68] : memref<125x128xf32, #tpu.memory_space<vmem>> -> memref<80x128xf32, #tpu.memory_space<vmem>>
      tpu.wait_dma2 semaphore(%run_scoped3A : memref<!tpu.dma_semaphore, #tpu.memory_space<semaphore_mem>>) src(%dma_wait3A_69 : memref<80x128xf32, #tpu.memory_space<vmem>>) dst(%dma_wait3A_66 : memref<80x128xf32, #tpu.memory_space<vmem_shared>>)
      tpu.yield
    }) : () -> ()
    %mul3A_28 = arith.constant 640 : i32
    %mul3A_29 = arith.muli %arg1, %mul3A_28 : i32
    %add3A_30 = arith.constant 400 : i32
    %add3A_31 = arith.addi %mul3A_29, %add3A_30 : i32
    "tpu.region"() ({
      %run_scoped3A = tpu.sem_alloc : memref<!tpu.dma_semaphore, #tpu.memory_space<semaphore_mem>>
      %dma_start3A = arith.constant 0 : i32
      %dma_start3A_52 = arith.constant 0 : i32
      %dma_start3A_53 = tpu.memref_slice %arg9[%dma_start3A, %dma_start3A_52] : memref<125x128xf32, #tpu.memory_space<vmem>> -> memref<80x128xf32, #tpu.memory_space<vmem>>
      %dma_start3A_54 = arith.constant 0 : i32
      %dma_start3A_55 = tpu.memref_slice %arg6[%add3A_31, %dma_start3A_54] : memref<10240x128xf32, #tpu.memory_space<vmem_shared>> -> memref<80x128xf32, #tpu.memory_space<vmem_shared>>
      %dma_start3A_56 = arith.constant 0 : i32
      %dma_start3A_57 = tpu.memref_slice %arg6[%add3A_31, %dma_start3A_56] : memref<10240x128xf32, #tpu.memory_space<vmem_shared>> -> memref<80x128xf32, #tpu.memory_space<vmem_shared>>
      %dma_start3A_58 = arith.constant 0 : i32
      %dma_start3A_59 = arith.constant 0 : i32
      %dma_start3A_60 = tpu.memref_slice %arg9[%dma_start3A_58, %dma_start3A_59] : memref<125x128xf32, #tpu.memory_space<vmem>> -> memref<80x128xf32, #tpu.memory_space<vmem>>
      tpu.enqueue_dma source(%dma_start3A_60 : memref<80x128xf32, #tpu.memory_space<vmem>>) target(%dma_start3A_57 : memref<80x128xf32, #tpu.memory_space<vmem_shared>>) target_semaphore(%run_scoped3A : memref<!tpu.dma_semaphore, #tpu.memory_space<semaphore_mem>>)
      %dma_wait3A = arith.constant 0 : i32
      %dma_wait3A_61 = arith.constant 0 : i32
      %dma_wait3A_62 = tpu.memref_slice %arg9[%dma_wait3A, %dma_wait3A_61] : memref<125x128xf32, #tpu.memory_space<vmem>> -> memref<80x128xf32, #tpu.memory_space<vmem>>
      %dma_wait3A_63 = arith.constant 0 : i32
      %dma_wait3A_64 = tpu.memref_slice %arg6[%add3A_31, %dma_wait3A_63] : memref<10240x128xf32, #tpu.memory_space<vmem_shared>> -> memref<80x128xf32, #tpu.memory_space<vmem_shared>>
      %dma_wait3A_65 = arith.constant 0 : i32
      %dma_wait3A_66 = tpu.memref_slice %arg6[%add3A_31, %dma_wait3A_65] : memref<10240x128xf32, #tpu.memory_space<vmem_shared>> -> memref<80x128xf32, #tpu.memory_space<vmem_shared>>
      %dma_wait3A_67 = arith.constant 0 : i32
      %dma_wait3A_68 = arith.constant 0 : i32
      %dma_wait3A_69 = tpu.memref_slice %arg9[%dma_wait3A_67, %dma_wait3A_68] : memref<125x128xf32, #tpu.memory_space<vmem>> -> memref<80x128xf32, #tpu.memory_space<vmem>>
      tpu.wait_dma2 semaphore(%run_scoped3A : memref<!tpu.dma_semaphore, #tpu.memory_space<semaphore_mem>>) src(%dma_wait3A_69 : memref<80x128xf32, #tpu.memory_space<vmem>>) dst(%dma_wait3A_66 : memref<80x128xf32, #tpu.memory_space<vmem_shared>>)
      tpu.yield
    }) : () -> ()
    %mul3A_32 = arith.constant 640 : i32
    %mul3A_33 = arith.muli %arg1, %mul3A_32 : i32
    %add3A_34 = arith.constant 480 : i32
    %add3A_35 = arith.addi %mul3A_33, %add3A_34 : i32
    "tpu.region"() ({
      %run_scoped3A = tpu.sem_alloc : memref<!tpu.dma_semaphore, #tpu.memory_space<semaphore_mem>>
      %dma_start3A = arith.constant 0 : i32
      %dma_start3A_52 = arith.constant 0 : i32
      %dma_start3A_53 = tpu.memref_slice %arg9[%dma_start3A, %dma_start3A_52] : memref<125x128xf32, #tpu.memory_space<vmem>> -> memref<80x128xf32, #tpu.memory_space<vmem>>
      %dma_start3A_54 = arith.constant 0 : i32
      %dma_start3A_55 = tpu.memref_slice %arg6[%add3A_35, %dma_start3A_54] : memref<10240x128xf32, #tpu.memory_space<vmem_shared>> -> memref<80x128xf32, #tpu.memory_space<vmem_shared>>
      %dma_start3A_56 = arith.constant 0 : i32
      %dma_start3A_57 = tpu.memref_slice %arg6[%add3A_35, %dma_start3A_56] : memref<10240x128xf32, #tpu.memory_space<vmem_shared>> -> memref<80x128xf32, #tpu.memory_space<vmem_shared>>
      %dma_start3A_58 = arith.constant 0 : i32
      %dma_start3A_59 = arith.constant 0 : i32
      %dma_start3A_60 = tpu.memref_slice %arg9[%dma_start3A_58, %dma_start3A_59] : memref<125x128xf32, #tpu.memory_space<vmem>> -> memref<80x128xf32, #tpu.memory_space<vmem>>
      tpu.enqueue_dma source(%dma_start3A_60 : memref<80x128xf32, #tpu.memory_space<vmem>>) target(%dma_start3A_57 : memref<80x128xf32, #tpu.memory_space<vmem_shared>>) target_semaphore(%run_scoped3A : memref<!tpu.dma_semaphore, #tpu.memory_space<semaphore_mem>>)
      %dma_wait3A = arith.constant 0 : i32
      %dma_wait3A_61 = arith.constant 0 : i32
      %dma_wait3A_62 = tpu.memref_slice %arg9[%dma_wait3A, %dma_wait3A_61] : memref<125x128xf32, #tpu.memory_space<vmem>> -> memref<80x128xf32, #tpu.memory_space<vmem>>
      %dma_wait3A_63 = arith.constant 0 : i32
      %dma_wait3A_64 = tpu.memref_slice %arg6[%add3A_35, %dma_wait3A_63] : memref<10240x128xf32, #tpu.memory_space<vmem_shared>> -> memref<80x128xf32, #tpu.memory_space<vmem_shared>>
      %dma_wait3A_65 = arith.constant 0 : i32
      %dma_wait3A_66 = tpu.memref_slice %arg6[%add3A_35, %dma_wait3A_65] : memref<10240x128xf32, #tpu.memory_space<vmem_shared>> -> memref<80x128xf32, #tpu.memory_space<vmem_shared>>
      %dma_wait3A_67 = arith.constant 0 : i32
      %dma_wait3A_68 = arith.constant 0 : i32
      %dma_wait3A_69 = tpu.memref_slice %arg9[%dma_wait3A_67, %dma_wait3A_68] : memref<125x128xf32, #tpu.memory_space<vmem>> -> memref<80x128xf32, #tpu.memory_space<vmem>>
      tpu.wait_dma2 semaphore(%run_scoped3A : memref<!tpu.dma_semaphore, #tpu.memory_space<semaphore_mem>>) src(%dma_wait3A_69 : memref<80x128xf32, #tpu.memory_space<vmem>>) dst(%dma_wait3A_66 : memref<80x128xf32, #tpu.memory_space<vmem_shared>>)
      tpu.yield
    }) : () -> ()
    %mul3A_36 = arith.constant 640 : i32
    %mul3A_37 = arith.muli %arg1, %mul3A_36 : i32
    %add3A_38 = arith.constant 560 : i32
    %add3A_39 = arith.addi %mul3A_37, %add3A_38 : i32
    "tpu.region"() ({
      %run_scoped3A = tpu.sem_alloc : memref<!tpu.dma_semaphore, #tpu.memory_space<semaphore_mem>>
      %dma_start3A = arith.constant 0 : i32
      %dma_start3A_52 = arith.constant 0 : i32
      %dma_start3A_53 = tpu.memref_slice %arg9[%dma_start3A, %dma_start3A_52] : memref<125x128xf32, #tpu.memory_space<vmem>> -> memref<80x128xf32, #tpu.memory_space<vmem>>
      %dma_start3A_54 = arith.constant 0 : i32
      %dma_start3A_55 = tpu.memref_slice %arg6[%add3A_39, %dma_start3A_54] : memref<10240x128xf32, #tpu.memory_space<vmem_shared>> -> memref<80x128xf32, #tpu.memory_space<vmem_shared>>
      %dma_start3A_56 = arith.constant 0 : i32
      %dma_start3A_57 = tpu.memref_slice %arg6[%add3A_39, %dma_start3A_56] : memref<10240x128xf32, #tpu.memory_space<vmem_shared>> -> memref<80x128xf32, #tpu.memory_space<vmem_shared>>
      %dma_start3A_58 = arith.constant 0 : i32
      %dma_start3A_59 = arith.constant 0 : i32
      %dma_start3A_60 = tpu.memref_slice %arg9[%dma_start3A_58, %dma_start3A_59] : memref<125x128xf32, #tpu.memory_space<vmem>> -> memref<80x128xf32, #tpu.memory_space<vmem>>
      tpu.enqueue_dma source(%dma_start3A_60 : memref<80x128xf32, #tpu.memory_space<vmem>>) target(%dma_start3A_57 : memref<80x128xf32, #tpu.memory_space<vmem_shared>>) target_semaphore(%run_scoped3A : memref<!tpu.dma_semaphore, #tpu.memory_space<semaphore_mem>>)
      %dma_wait3A = arith.constant 0 : i32
      %dma_wait3A_61 = arith.constant 0 : i32
      %dma_wait3A_62 = tpu.memref_slice %arg9[%dma_wait3A, %dma_wait3A_61] : memref<125x128xf32, #tpu.memory_space<vmem>> -> memref<80x128xf32, #tpu.memory_space<vmem>>
      %dma_wait3A_63 = arith.constant 0 : i32
      %dma_wait3A_64 = tpu.memref_slice %arg6[%add3A_39, %dma_wait3A_63] : memref<10240x128xf32, #tpu.memory_space<vmem_shared>> -> memref<80x128xf32, #tpu.memory_space<vmem_shared>>
      %dma_wait3A_65 = arith.constant 0 : i32
      %dma_wait3A_66 = tpu.memref_slice %arg6[%add3A_39, %dma_wait3A_65] : memref<10240x128xf32, #tpu.memory_space<vmem_shared>> -> memref<80x128xf32, #tpu.memory_space<vmem_shared>>
      %dma_wait3A_67 = arith.constant 0 : i32
      %dma_wait3A_68 = arith.constant 0 : i32
      %dma_wait3A_69 = tpu.memref_slice %arg9[%dma_wait3A_67, %dma_wait3A_68] : memref<125x128xf32, #tpu.memory_space<vmem>> -> memref<80x128xf32, #tpu.memory_space<vmem>>
      tpu.wait_dma2 semaphore(%run_scoped3A : memref<!tpu.dma_semaphore, #tpu.memory_space<semaphore_mem>>) src(%dma_wait3A_69 : memref<80x128xf32, #tpu.memory_space<vmem>>) dst(%dma_wait3A_66 : memref<80x128xf32, #tpu.memory_space<vmem_shared>>)
      tpu.yield
    }) : () -> ()
    "tpu.trace_stop"() : () -> ()
    %barrier3A = arith.constant 0 : index
    tpu.barrier barrier_id(%barrier3A)
    "tpu.trace_start"() <{level = 10 : i32, message = "sc_edge_loop"}> : () -> ()
    %scan3A_40 = arith.constant 0 : i32
    %scan3A_41 = arith.constant 0 : i32
    %scan3A_42 = arith.constant 2 : i32
    %scan3A_43 = arith.addi %scan3A_41, %scan3A_42 : i32
    %scan3A_44 = arith.constant 1 : i32
    %scan3A_45 = scf.for %scan3A_52 = %scan3A_41 to %scan3A_43 step %scan3A_44 iter_args(%scan3A_53 = %scan3A_40) -> (i32)  : i32 {
      %mul3A_54 = arith.constant 80 : i32
      %mul3A_55 = arith.muli %add3A, %mul3A_54 : i32
      %mul3A_56 = arith.constant 40 : i32
      %mul3A_57 = arith.muli %scan3A_52, %mul3A_56 : i32
      %add3A_58 = arith.addi %mul3A_55, %mul3A_57 : i32
      "tpu.region"() ({
        %run_scoped3A = tpu.sem_alloc : memref<!tpu.dma_semaphore, #tpu.memory_space<semaphore_mem>>
        %dma_start3A_79 = arith.constant 0 : i32
        %dma_start3A_80 = tpu.memref_slice %arg3[%add3A_58, %dma_start3A_79] : memref<2560x125xi32, #tpu.memory_space<hbm>> -> memref<40x125xi32, #tpu.memory_space<hbm>>
        %dma_start3A_81 = arith.constant 0 : i32
        %dma_start3A_82 = tpu.memref_slice %arg3[%add3A_58, %dma_start3A_81] : memref<2560x125xi32, #tpu.memory_space<hbm>> -> memref<40x125xi32, #tpu.memory_space<hbm>>
        tpu.enqueue_dma source(%dma_start3A_82 : memref<40x125xi32, #tpu.memory_space<hbm>>) target(%arg7 : memref<40x125xi32, #tpu.memory_space<vmem>>) target_semaphore(%run_scoped3A : memref<!tpu.dma_semaphore, #tpu.memory_space<semaphore_mem>>)
        %dma_wait3A_83 = arith.constant 0 : i32
        %dma_wait3A_84 = tpu.memref_slice %arg3[%add3A_58, %dma_wait3A_83] : memref<2560x125xi32, #tpu.memory_space<hbm>> -> memref<40x125xi32, #tpu.memory_space<hbm>>
        %dma_wait3A_85 = arith.constant 0 : i32
        %dma_wait3A_86 = tpu.memref_slice %arg3[%add3A_58, %dma_wait3A_85] : memref<2560x125xi32, #tpu.memory_space<hbm>> -> memref<40x125xi32, #tpu.memory_space<hbm>>
        tpu.wait_dma2 semaphore(%run_scoped3A : memref<!tpu.dma_semaphore, #tpu.memory_space<semaphore_mem>>) src(%dma_wait3A_86 : memref<40x125xi32, #tpu.memory_space<hbm>>) dst(%arg7 : memref<40x125xi32, #tpu.memory_space<vmem>>)
        tpu.yield
      }) : () -> ()
      "tpu.region"() ({
        %run_scoped3A = tpu.sem_alloc : memref<!tpu.dma_semaphore, #tpu.memory_space<semaphore_mem>>
        %dma_start3A_79 = arith.constant 0 : i32
        %dma_start3A_80 = tpu.memref_slice %arg4[%add3A_58, %dma_start3A_79] : memref<2560x125xi32, #tpu.memory_space<hbm>> -> memref<40x125xi32, #tpu.memory_space<hbm>>
        %dma_start3A_81 = arith.constant 0 : i32
        %dma_start3A_82 = tpu.memref_slice %arg4[%add3A_58, %dma_start3A_81] : memref<2560x125xi32, #tpu.memory_space<hbm>> -> memref<40x125xi32, #tpu.memory_space<hbm>>
        tpu.enqueue_dma source(%dma_start3A_82 : memref<40x125xi32, #tpu.memory_space<hbm>>) target(%arg8 : memref<40x125xi32, #tpu.memory_space<vmem>>) target_semaphore(%run_scoped3A : memref<!tpu.dma_semaphore, #tpu.memory_space<semaphore_mem>>)
        %dma_wait3A_83 = arith.constant 0 : i32
        %dma_wait3A_84 = tpu.memref_slice %arg4[%add3A_58, %dma_wait3A_83] : memref<2560x125xi32, #tpu.memory_space<hbm>> -> memref<40x125xi32, #tpu.memory_space<hbm>>
        %dma_wait3A_85 = arith.constant 0 : i32
        %dma_wait3A_86 = tpu.memref_slice %arg4[%add3A_58, %dma_wait3A_85] : memref<2560x125xi32, #tpu.memory_space<hbm>> -> memref<40x125xi32, #tpu.memory_space<hbm>>
        tpu.wait_dma2 semaphore(%run_scoped3A : memref<!tpu.dma_semaphore, #tpu.memory_space<semaphore_mem>>) src(%dma_wait3A_86 : memref<40x125xi32, #tpu.memory_space<hbm>>) dst(%arg8 : memref<40x125xi32, #tpu.memory_space<vmem>>)
        tpu.yield
      }) : () -> ()
      %dma_start3A = arith.constant 0 : i32
      %dma_start3A_59 = arith.constant 0 : i32
      %dma_start3A_60 = tpu.memref_slice %arg7[%dma_start3A, %dma_start3A_59] : memref<40x125xi32, #tpu.memory_space<vmem>> -> memref<1x125xi32, #tpu.memory_space<vmem>>
      %dma_start3A_61 = tpu.memref_squeeze %dma_start3A_60 : memref<1x125xi32, #tpu.memory_space<vmem>> -> memref<125xi32, #tpu.memory_space<vmem>>
      %dma_start3A_62 = arith.constant 0 : i32
      %dma_start3A_63 = arith.constant 0 : i32
      %dma_start3A_64 = tpu.memref_slice %arg2[%dma_start3A_62, %dma_start3A_63] : memref<10000x128xf32, #tpu.memory_space<hbm>> -> memref<10000x128xf32, #tpu.memory_space<hbm>>
      tpu.enqueue_indirect_dma source(%dma_start3A_64 : memref<10000x128xf32, #tpu.memory_space<hbm>>) target(%arg9 : memref<125x128xf32, #tpu.memory_space<vmem>>) offsets(%dma_start3A_61 : memref<125xi32, #tpu.memory_space<vmem>>) semaphore(%arg11 : memref<!tpu.dma_semaphore, #tpu.memory_space<semaphore_mem>>)
      %scan3A_65 = arith.constant 0 : i32
      %scan3A_66 = arith.constant 0 : i32
      %scan3A_67 = arith.constant 20 : i32
      %scan3A_68 = arith.addi %scan3A_66, %scan3A_67 : i32
      %scan3A_69 = arith.constant 1 : i32
      %scan3A_70 = scf.for %scan3A_79 = %scan3A_66 to %scan3A_68 step %scan3A_69 iter_args(%scan3A_80 = %scan3A_65) -> (i32)  : i32 {
        %mul3A_81 = arith.constant 2 : i32
        %mul3A_82 = arith.muli %mul3A_81, %scan3A_79 : i32
        %dma_wait3A_83 = arith.constant 0 : i32
        %dma_wait3A_84 = tpu.memref_slice %arg7[%mul3A_82, %dma_wait3A_83] : memref<40x125xi32, #tpu.memory_space<vmem>> -> memref<1x125xi32, #tpu.memory_space<vmem>>
        %dma_wait3A_85 = tpu.memref_squeeze %dma_wait3A_84 : memref<1x125xi32, #tpu.memory_space<vmem>> -> memref<125xi32, #tpu.memory_space<vmem>>
        %dma_wait3A_86 = arith.constant 0 : i32
        %dma_wait3A_87 = arith.constant 0 : i32
        %dma_wait3A_88 = tpu.memref_slice %arg2[%dma_wait3A_86, %dma_wait3A_87] : memref<10000x128xf32, #tpu.memory_space<hbm>> -> memref<10000x128xf32, #tpu.memory_space<hbm>>
        tpu.wait_indirect_dma semaphore(%arg11 : memref<!tpu.dma_semaphore, #tpu.memory_space<semaphore_mem>>) src(%dma_wait3A_88 : memref<10000x128xf32, #tpu.memory_space<hbm>>) dst(%arg9 : memref<125x128xf32, #tpu.memory_space<vmem>>)
        %gt3A = arith.constant 0 : i32
        %gt3A_89 = arith.cmpi sgt, %scan3A_79, %gt3A : i32
        %convert_element_type3A = arith.extui %gt3A_89 : i1 to i32
        %cond3A = arith.constant 0 : i32
        %cond3A_90 = arith.cmpi ne, %convert_element_type3A, %cond3A : i32
        scf.if %cond3A_90 {
          %sub3A = arith.constant 1 : i32
          %sub3A_132 = arith.subi %mul3A_82, %sub3A : i32
          %dma_wait3A_133 = arith.constant 0 : i32
          %dma_wait3A_134 = tpu.memref_slice %arg8[%sub3A_132, %dma_wait3A_133] : memref<40x125xi32, #tpu.memory_space<vmem>> -> memref<1x125xi32, #tpu.memory_space<vmem>>
          %dma_wait3A_135 = tpu.memref_squeeze %dma_wait3A_134 : memref<1x125xi32, #tpu.memory_space<vmem>> -> memref<125xi32, #tpu.memory_space<vmem>>
          %dma_wait3A_136 = arith.constant 0 : i32
          %dma_wait3A_137 = arith.constant 0 : i32
          %dma_wait3A_138 = tpu.memref_slice %arg6[%dma_wait3A_136, %dma_wait3A_137] : memref<10240x128xf32, #tpu.memory_space<vmem_shared>> -> memref<10240x128xf32, #tpu.memory_space<vmem_shared>>
          tpu.wait_indirect_dma semaphore(%arg14 : memref<!tpu.dma_semaphore, #tpu.memory_space<semaphore_mem>>) src(%arg10 : memref<125x128xf32, #tpu.memory_space<vmem>>) dst(%dma_wait3A_138 : memref<10240x128xf32, #tpu.memory_space<vmem_shared>>)
        } else {
        }
        %add3A_91 = arith.constant 1 : i32
        %add3A_92 = arith.addi %mul3A_82, %add3A_91 : i32
        %dma_start3A_93 = arith.constant 0 : i32
        %dma_start3A_94 = tpu.memref_slice %arg7[%add3A_92, %dma_start3A_93] : memref<40x125xi32, #tpu.memory_space<vmem>> -> memref<1x125xi32, #tpu.memory_space<vmem>>
        %dma_start3A_95 = tpu.memref_squeeze %dma_start3A_94 : memref<1x125xi32, #tpu.memory_space<vmem>> -> memref<125xi32, #tpu.memory_space<vmem>>
        %dma_start3A_96 = arith.constant 0 : i32
        %dma_start3A_97 = arith.constant 0 : i32
        %dma_start3A_98 = tpu.memref_slice %arg2[%dma_start3A_96, %dma_start3A_97] : memref<10000x128xf32, #tpu.memory_space<hbm>> -> memref<10000x128xf32, #tpu.memory_space<hbm>>
        tpu.enqueue_indirect_dma source(%dma_start3A_98 : memref<10000x128xf32, #tpu.memory_space<hbm>>) target(%arg10 : memref<125x128xf32, #tpu.memory_space<vmem>>) offsets(%dma_start3A_95 : memref<125xi32, #tpu.memory_space<vmem>>) semaphore(%arg12 : memref<!tpu.dma_semaphore, #tpu.memory_space<semaphore_mem>>)
        %dma_start3A_99 = arith.constant 0 : i32
        %dma_start3A_100 = tpu.memref_slice %arg8[%mul3A_82, %dma_start3A_99] : memref<40x125xi32, #tpu.memory_space<vmem>> -> memref<1x125xi32, #tpu.memory_space<vmem>>
        %dma_start3A_101 = tpu.memref_squeeze %dma_start3A_100 : memref<1x125xi32, #tpu.memory_space<vmem>> -> memref<125xi32, #tpu.memory_space<vmem>>
        %dma_start3A_102 = arith.constant 0 : i32
        %dma_start3A_103 = arith.constant 0 : i32
        %dma_start3A_104 = tpu.memref_slice %arg6[%dma_start3A_102, %dma_start3A_103] : memref<10240x128xf32, #tpu.memory_space<vmem_shared>> -> memref<10240x128xf32, #tpu.memory_space<vmem_shared>>
        tpu.enqueue_indirect_dma source(%arg9 : memref<125x128xf32, #tpu.memory_space<vmem>>) target(%dma_start3A_104 : memref<10240x128xf32, #tpu.memory_space<vmem_shared>>) offsets(%dma_start3A_101 : memref<125xi32, #tpu.memory_space<vmem>>) semaphore(%arg13 : memref<!tpu.dma_semaphore, #tpu.memory_space<semaphore_mem>>) {add = true}
        %add3A_105 = arith.constant 1 : i32
        %add3A_106 = arith.addi %mul3A_82, %add3A_105 : i32
        %dma_wait3A_107 = arith.constant 0 : i32
        %dma_wait3A_108 = tpu.memref_slice %arg7[%add3A_106, %dma_wait3A_107] : memref<40x125xi32, #tpu.memory_space<vmem>> -> memref<1x125xi32, #tpu.memory_space<vmem>>
        %dma_wait3A_109 = tpu.memref_squeeze %dma_wait3A_108 : memref<1x125xi32, #tpu.memory_space<vmem>> -> memref<125xi32, #tpu.memory_space<vmem>>
        %dma_wait3A_110 = arith.constant 0 : i32
        %dma_wait3A_111 = arith.constant 0 : i32
        %dma_wait3A_112 = tpu.memref_slice %arg2[%dma_wait3A_110, %dma_wait3A_111] : memref<10000x128xf32, #tpu.memory_space<hbm>> -> memref<10000x128xf32, #tpu.memory_space<hbm>>
        tpu.wait_indirect_dma semaphore(%arg12 : memref<!tpu.dma_semaphore, #tpu.memory_space<semaphore_mem>>) src(%dma_wait3A_112 : memref<10000x128xf32, #tpu.memory_space<hbm>>) dst(%arg10 : memref<125x128xf32, #tpu.memory_space<vmem>>)
        %dma_wait3A_113 = arith.constant 0 : i32
        %dma_wait3A_114 = tpu.memref_slice %arg8[%mul3A_82, %dma_wait3A_113] : memref<40x125xi32, #tpu.memory_space<vmem>> -> memref<1x125xi32, #tpu.memory_space<vmem>>
        %dma_wait3A_115 = tpu.memref_squeeze %dma_wait3A_114 : memref<1x125xi32, #tpu.memory_space<vmem>> -> memref<125xi32, #tpu.memory_space<vmem>>
        %dma_wait3A_116 = arith.constant 0 : i32
        %dma_wait3A_117 = arith.constant 0 : i32
        %dma_wait3A_118 = tpu.memref_slice %arg6[%dma_wait3A_116, %dma_wait3A_117] : memref<10240x128xf32, #tpu.memory_space<vmem_shared>> -> memref<10240x128xf32, #tpu.memory_space<vmem_shared>>
        tpu.wait_indirect_dma semaphore(%arg13 : memref<!tpu.dma_semaphore, #tpu.memory_space<semaphore_mem>>) src(%arg9 : memref<125x128xf32, #tpu.memory_space<vmem>>) dst(%dma_wait3A_118 : memref<10240x128xf32, #tpu.memory_space<vmem_shared>>)
        %lt3A = arith.constant 19 : i32
        %lt3A_119 = arith.cmpi slt, %scan3A_79, %lt3A : i32
        %convert_element_type3A_120 = arith.extui %lt3A_119 : i1 to i32
        %cond3A_121 = arith.constant 0 : i32
        %cond3A_122 = arith.cmpi ne, %convert_element_type3A_120, %cond3A_121 : i32
        scf.if %cond3A_122 {
          %add3A_132 = arith.constant 2 : i32
          %add3A_133 = arith.addi %mul3A_82, %add3A_132 : i32
          %dma_start3A_134 = arith.constant 0 : i32
          %dma_start3A_135 = tpu.memref_slice %arg7[%add3A_133, %dma_start3A_134] : memref<40x125xi32, #tpu.memory_space<vmem>> -> memref<1x125xi32, #tpu.memory_space<vmem>>
          %dma_start3A_136 = tpu.memref_squeeze %dma_start3A_135 : memref<1x125xi32, #tpu.memory_space<vmem>> -> memref<125xi32, #tpu.memory_space<vmem>>
          %dma_start3A_137 = arith.constant 0 : i32
          %dma_start3A_138 = arith.constant 0 : i32
          %dma_start3A_139 = tpu.memref_slice %arg2[%dma_start3A_137, %dma_start3A_138] : memref<10000x128xf32, #tpu.memory_space<hbm>> -> memref<10000x128xf32, #tpu.memory_space<hbm>>
          tpu.enqueue_indirect_dma source(%dma_start3A_139 : memref<10000x128xf32, #tpu.memory_space<hbm>>) target(%arg9 : memref<125x128xf32, #tpu.memory_space<vmem>>) offsets(%dma_start3A_136 : memref<125xi32, #tpu.memory_space<vmem>>) semaphore(%arg11 : memref<!tpu.dma_semaphore, #tpu.memory_space<semaphore_mem>>)
        } else {
        }
        %add3A_123 = arith.constant 1 : i32
        %add3A_124 = arith.addi %mul3A_82, %add3A_123 : i32
        %dma_start3A_125 = arith.constant 0 : i32
        %dma_start3A_126 = tpu.memref_slice %arg8[%add3A_124, %dma_start3A_125] : memref<40x125xi32, #tpu.memory_space<vmem>> -> memref<1x125xi32, #tpu.memory_space<vmem>>
        %dma_start3A_127 = tpu.memref_squeeze %dma_start3A_126 : memref<1x125xi32, #tpu.memory_space<vmem>> -> memref<125xi32, #tpu.memory_space<vmem>>
        %dma_start3A_128 = arith.constant 0 : i32
        %dma_start3A_129 = arith.constant 0 : i32
        %dma_start3A_130 = tpu.memref_slice %arg6[%dma_start3A_128, %dma_start3A_129] : memref<10240x128xf32, #tpu.memory_space<vmem_shared>> -> memref<10240x128xf32, #tpu.memory_space<vmem_shared>>
        tpu.enqueue_indirect_dma source(%arg10 : memref<125x128xf32, #tpu.memory_space<vmem>>) target(%dma_start3A_130 : memref<10240x128xf32, #tpu.memory_space<vmem_shared>>) offsets(%dma_start3A_127 : memref<125xi32, #tpu.memory_space<vmem>>) semaphore(%arg14 : memref<!tpu.dma_semaphore, #tpu.memory_space<semaphore_mem>>) {add = true}
        %scan3A_131 = arith.constant 0 : i32
        scf.yield %scan3A_131 : i32
      }
      %scan3A_71 = arith.constant 20 : i32
      %dma_wait3A = arith.constant 39 : i32
      %dma_wait3A_72 = arith.constant 0 : i32
      %dma_wait3A_73 = tpu.memref_slice %arg8[%dma_wait3A, %dma_wait3A_72] : memref<40x125xi32, #tpu.memory_space<vmem>> -> memref<1x125xi32, #tpu.memory_space<vmem>>
      %dma_wait3A_74 = tpu.memref_squeeze %dma_wait3A_73 : memref<1x125xi32, #tpu.memory_space<vmem>> -> memref<125xi32, #tpu.memory_space<vmem>>
      %dma_wait3A_75 = arith.constant 0 : i32
      %dma_wait3A_76 = arith.constant 0 : i32
      %dma_wait3A_77 = tpu.memref_slice %arg6[%dma_wait3A_75, %dma_wait3A_76] : memref<10240x128xf32, #tpu.memory_space<vmem_shared>> -> memref<10240x128xf32, #tpu.memory_space<vmem_shared>>
      tpu.wait_indirect_dma semaphore(%arg14 : memref<!tpu.dma_semaphore, #tpu.memory_space<semaphore_mem>>) src(%arg10 : memref<125x128xf32, #tpu.memory_space<vmem>>) dst(%dma_wait3A_77 : memref<10240x128xf32, #tpu.memory_space<vmem_shared>>)
      %scan3A_78 = arith.constant 0 : i32
      scf.yield %scan3A_78 : i32
    }
    %scan3A_46 = arith.constant 2 : i32
    "tpu.trace_stop"() : () -> ()
    "tpu.trace_start"() <{level = 10 : i32, message = "sc_wb"}> : () -> ()
    %barrier3A_47 = arith.constant 0 : index
    tpu.barrier barrier_id(%barrier3A_47)
    %mul3A_48 = arith.constant 640 : i32
    %mul3A_49 = arith.muli %arg1, %mul3A_48 : i32
    %mul3A_50 = arith.constant 640 : i32
    %mul3A_51 = arith.muli %arg1, %mul3A_50 : i32
    "tpu.region"() ({
      %run_scoped3A = tpu.sem_alloc : memref<!tpu.dma_semaphore, #tpu.memory_space<semaphore_mem>>
      %dma_start3A = arith.constant 0 : i32
      %dma_start3A_52 = tpu.memref_slice %arg5[%arg0, %mul3A_51, %dma_start3A] : memref<2x10240x128xf32, #tpu.memory_space<hbm>> -> memref<1x640x128xf32, #tpu.memory_space<hbm>>
      %dma_start3A_53 = tpu.memref_squeeze %dma_start3A_52 : memref<1x640x128xf32, #tpu.memory_space<hbm>> -> memref<640x128xf32, #tpu.memory_space<hbm>>
      %dma_start3A_54 = arith.constant 0 : i32
      %dma_start3A_55 = tpu.memref_slice %arg6[%mul3A_49, %dma_start3A_54] : memref<10240x128xf32, #tpu.memory_space<vmem_shared>> -> memref<640x128xf32, #tpu.memory_space<vmem_shared>>
      tpu.enqueue_dma source(%dma_start3A_55 : memref<640x128xf32, #tpu.memory_space<vmem_shared>>) target(%dma_start3A_53 : memref<640x128xf32, #tpu.memory_space<hbm>>) target_semaphore(%run_scoped3A : memref<!tpu.dma_semaphore, #tpu.memory_space<semaphore_mem>>)
      %dma_wait3A = arith.constant 0 : i32
      %dma_wait3A_56 = tpu.memref_slice %arg5[%arg0, %mul3A_51, %dma_wait3A] : memref<2x10240x128xf32, #tpu.memory_space<hbm>> -> memref<1x640x128xf32, #tpu.memory_space<hbm>>
      %dma_wait3A_57 = tpu.memref_squeeze %dma_wait3A_56 : memref<1x640x128xf32, #tpu.memory_space<hbm>> -> memref<640x128xf32, #tpu.memory_space<hbm>>
      %dma_wait3A_58 = arith.constant 0 : i32
      %dma_wait3A_59 = tpu.memref_slice %arg6[%mul3A_49, %dma_wait3A_58] : memref<10240x128xf32, #tpu.memory_space<vmem_shared>> -> memref<640x128xf32, #tpu.memory_space<vmem_shared>>
      tpu.wait_dma2 semaphore(%run_scoped3A : memref<!tpu.dma_semaphore, #tpu.memory_space<semaphore_mem>>) src(%dma_wait3A_59 : memref<640x128xf32, #tpu.memory_space<vmem_shared>>) dst(%dma_wait3A_57 : memref<640x128xf32, #tpu.memory_space<hbm>>)
      tpu.yield
    }) : () -> ()
    "tpu.trace_stop"() : () -> ()
    return
  }
}

module attributes {stable_mosaic.version = 14 : i64} {
  func.func @_mm_body(%arg0: i32, %arg1: memref<1000x128xf32, #tpu.memory_space<vmem>>, %arg2: memref<128x128xf32, #tpu.memory_space<vmem>>, %arg3: memref<1000x128xf32, #tpu.memory_space<vmem>>) attributes {dimension_semantics = [#tpu.dimension_semantics<arbitrary>], iteration_bounds = array<i64: 10>, scalar_prefetch = 0 : i64, scratch_operands = 0 : i64, tpu.core_type = #tpu.core_type<tc>, window_params = [{transform_indices = @transform_0, window_bounds = array<i64: 1000, 128>}, {pipeline_mode = #tpu.pipeline_mode<synchronous>, transform_indices = @transform_1, window_bounds = array<i64: 128, 128>}, {transform_indices = @transform_2, window_bounds = array<i64: 1000, 128>}]} {
    %get3A = arith.constant 0 : index
    %get3A_0 = arith.constant 0 : index
    %get3A_1 = vector.load %arg1[%get3A, %get3A_0] : memref<1000x128xf32, #tpu.memory_space<vmem>>, vector<1000x128xf32>
    %get3A_2 = arith.constant 0 : index
    %get3A_3 = arith.constant 0 : index
    %get3A_4 = vector.load %arg2[%get3A_2, %get3A_3] : memref<128x128xf32, #tpu.memory_space<vmem>>, vector<128x128xf32>
    %dot_general3A = arith.constant dense<0.000000e+00> : vector<1000x128xf32>
    %dot_general3A_5 = tpu.matmul %get3A_1, %get3A_4, %dot_general3A {dimension_numbers = #tpu.dot_dimension_numbers<[1], [0], [0], [1], [0, 0, 1, 1], [], []>, transpose_lhs_hint = false} : vector<1000x128xf32>, vector<128x128xf32>, vector<1000x128xf32> -> vector<1000x128xf32>
    %swap3A = arith.constant 0 : index
    %swap3A_6 = arith.constant 0 : index
    %swap3A_7 = vector.load %arg3[%swap3A, %swap3A_6] : memref<1000x128xf32, #tpu.memory_space<vmem>>, vector<1000x128xf32>
    tpu.vector_store %arg3[%swap3A, %swap3A_6], %dot_general3A_5 {strides = array<i32>} : memref<1000x128xf32, #tpu.memory_space<vmem>>, vector<1000x128xf32>,
    return
  }
  func.func @transform_0(%arg0: i32) -> (i32, i32) {
    %c0_i32 = arith.constant 0 : i32
    %c0_i32_0 = arith.constant 0 : i32
    return %arg0, %c0_i32 : i32, i32
  }
  func.func @transform_1(%arg0: i32) -> (i32, i32) {
    %c0_i32 = arith.constant 0 : i32
    %c0_i32_0 = arith.constant 0 : i32
    %c0_i32_1 = arith.constant 0 : i32
    return %c0_i32, %c0_i32_0 : i32, i32
  }
  func.func @transform_2(%arg0: i32) -> (i32, i32) {
    %c0_i32 = arith.constant 0 : i32
    %c0_i32_0 = arith.constant 0 : i32
    return %arg0, %c0_i32 : i32, i32
  }
}

module attributes {stable_mosaic.version = 14 : i64} {
  func.func @_comb_body(%arg0: i32, %arg1: memref<2x1000x128xf32, #tpu.memory_space<vmem>>, %arg2: memref<2x1000x1xf32, #tpu.memory_space<vmem>>, %arg3: memref<1000x128xf32, #tpu.memory_space<vmem>>, %arg4: memref<128x128xf32, #tpu.memory_space<vmem>>, %arg5: memref<1x128xf32, #tpu.memory_space<vmem>>, %arg6: memref<1x128xf32, #tpu.memory_space<vmem>>, %arg7: memref<1x128xf32, #tpu.memory_space<vmem>>, %arg8: memref<1x128xf32, #tpu.memory_space<vmem>>, %arg9: memref<1x128xf32, #tpu.memory_space<vmem>>, %arg10: memref<128x128xf32, #tpu.memory_space<vmem>>, %arg11: memref<1000x128xf32, #tpu.memory_space<vmem>>, %arg12: memref<1000x128xf32, #tpu.memory_space<vmem>>) attributes {dimension_semantics = [#tpu.dimension_semantics<arbitrary>], iteration_bounds = array<i64: 10>, scalar_prefetch = 0 : i64, scratch_operands = 0 : i64, tpu.core_type = #tpu.core_type<tc>, window_params = [{transform_indices = @transform_0, window_bounds = array<i64: 2, 1000, 128>}, {transform_indices = @transform_1, window_bounds = array<i64: 2, 1000, 1>}, {transform_indices = @transform_2, window_bounds = array<i64: 1000, 128>}, {pipeline_mode = #tpu.pipeline_mode<synchronous>, transform_indices = @transform_3, window_bounds = array<i64: 128, 128>}, {pipeline_mode = #tpu.pipeline_mode<synchronous>, transform_indices = @transform_4, window_bounds = array<i64: 1, 128>}, {pipeline_mode = #tpu.pipeline_mode<synchronous>, transform_indices = @transform_5, window_bounds = array<i64: 1, 128>}, {pipeline_mode = #tpu.pipeline_mode<synchronous>, transform_indices = @transform_6, window_bounds = array<i64: 1, 128>}, {pipeline_mode = #tpu.pipeline_mode<synchronous>, transform_indices = @transform_7, window_bounds = array<i64: 1, 128>}, {pipeline_mode = #tpu.pipeline_mode<synchronous>, transform_indices = @transform_8, window_bounds = array<i64: 1, 128>}, {pipeline_mode = #tpu.pipeline_mode<synchronous>, transform_indices = @transform_9, window_bounds = array<i64: 128, 128>}, {transform_indices = @transform_10, window_bounds = array<i64: 1000, 128>}, {transform_indices = @transform_11, window_bounds = array<i64: 1000, 128>}]} {
    %get3A = arith.constant 0 : index
    %get3A_0 = arith.constant 0 : index
    %get3A_1 = arith.constant 0 : index
    %get3A_2 = vector.load %arg2[%get3A, %get3A_0, %get3A_1] : memref<2x1000x1xf32, #tpu.memory_space<vmem>>, vector<1x1000x1xf32>
    %get3A_3 = vector.shape_cast %get3A_2 : vector<1x1000x1xf32> to vector<1000x1xf32>
    %get3A_4 = arith.constant 1 : index
    %get3A_5 = arith.constant 0 : index
    %get3A_6 = arith.constant 0 : index
    %get3A_7 = vector.load %arg2[%get3A_4, %get3A_5, %get3A_6] : memref<2x1000x1xf32, #tpu.memory_space<vmem>>, vector<1x1000x1xf32>
    %get3A_8 = vector.shape_cast %get3A_7 : vector<1x1000x1xf32> to vector<1000x1xf32>
    %add3A = arith.addf %get3A_3, %get3A_8 : vector<1000x1xf32>
    %max3A = arith.constant 1.000000e+00 : f32
    %max3A_9 = vector.broadcast %max3A : f32 to vector<1000x1xf32>
    %max3A_10 = arith.maximumf %add3A, %max3A_9 : vector<1000x1xf32>
    %div3A = arith.constant 1.000000e+00 : f32
    %div3A_11 = vector.broadcast %div3A : f32 to vector<1000x1xf32>
    %div3A_12 = arith.divf %div3A_11, %max3A_10 : vector<1000x1xf32>
    %get3A_13 = arith.constant 0 : index
    %get3A_14 = arith.constant 0 : index
    %get3A_15 = arith.constant 0 : index
    %get3A_16 = vector.load %arg1[%get3A_13, %get3A_14, %get3A_15] : memref<2x1000x128xf32, #tpu.memory_space<vmem>>, vector<1x1000x128xf32>
    %get3A_17 = vector.shape_cast %get3A_16 : vector<1x1000x128xf32> to vector<1000x128xf32>
    %get3A_18 = arith.constant 1 : index
    %get3A_19 = arith.constant 0 : index
    %get3A_20 = arith.constant 0 : index
    %get3A_21 = vector.load %arg1[%get3A_18, %get3A_19, %get3A_20] : memref<2x1000x128xf32, #tpu.memory_space<vmem>>, vector<1x1000x128xf32>
    %get3A_22 = vector.shape_cast %get3A_21 : vector<1x1000x128xf32> to vector<1000x128xf32>
    %add3A_23 = arith.addf %get3A_17, %get3A_22 : vector<1000x128xf32>
    %mul3A = vector.broadcast %div3A_12 : vector<1000x1xf32> to vector<1000x128xf32>
    %mul3A_24 = arith.mulf %add3A_23, %mul3A : vector<1000x128xf32>
    %get3A_25 = arith.constant 0 : index
    %get3A_26 = arith.constant 0 : index
    %get3A_27 = vector.load %arg3[%get3A_25, %get3A_26] : memref<1000x128xf32, #tpu.memory_space<vmem>>, vector<1000x128xf32>
    %get3A_28 = arith.constant 0 : index
    %get3A_29 = arith.constant 0 : index
    %get3A_30 = vector.load %arg4[%get3A_28, %get3A_29] : memref<128x128xf32, #tpu.memory_space<vmem>>, vector<128x128xf32>
    %dot_general3A = arith.constant dense<0.000000e+00> : vector<1000x128xf32>
    %dot_general3A_31 = tpu.matmul %get3A_27, %get3A_30, %dot_general3A {dimension_numbers = #tpu.dot_dimension_numbers<[1], [0], [0], [1], [0, 0, 1, 1], [], []>, transpose_lhs_hint = false} : vector<1000x128xf32>, vector<128x128xf32>, vector<1000x128xf32> -> vector<1000x128xf32>
    %add3A_32 = arith.addf %mul3A_24, %dot_general3A_31 : vector<1000x128xf32>
    %get3A_33 = arith.constant 0 : index
    %get3A_34 = arith.constant 0 : index
    %get3A_35 = vector.load %arg5[%get3A_33, %get3A_34] : memref<1x128xf32, #tpu.memory_space<vmem>>, vector<1x128xf32>
    %add3A_36 = vector.broadcast %get3A_35 : vector<1x128xf32> to vector<1000x128xf32>
    %add3A_37 = arith.addf %add3A_32, %add3A_36 : vector<1000x128xf32>
    %get3A_38 = arith.constant 0 : index
    %get3A_39 = arith.constant 0 : index
    %get3A_40 = vector.load %arg6[%get3A_38, %get3A_39] : memref<1x128xf32, #tpu.memory_space<vmem>>, vector<1x128xf32>
    %get3A_41 = arith.constant 0 : index
    %get3A_42 = arith.constant 0 : index
    %get3A_43 = vector.load %arg9[%get3A_41, %get3A_42] : memref<1x128xf32, #tpu.memory_space<vmem>>, vector<1x128xf32>
    %add3A_44 = arith.constant 9.99999974E-6 : f32
    %add3A_45 = vector.broadcast %add3A_44 : f32 to vector<1x128xf32>
    %add3A_46 = arith.addf %get3A_43, %add3A_45 : vector<1x128xf32>
    %rsqrt3A = math.rsqrt %add3A_46 : vector<1x128xf32>
    %mul3A_47 = arith.mulf %get3A_40, %rsqrt3A : vector<1x128xf32>
    %get3A_48 = arith.constant 0 : index
    %get3A_49 = arith.constant 0 : index
    %get3A_50 = vector.load %arg8[%get3A_48, %get3A_49] : memref<1x128xf32, #tpu.memory_space<vmem>>, vector<1x128xf32>
    %sub3A = vector.broadcast %get3A_50 : vector<1x128xf32> to vector<1000x128xf32>
    %sub3A_51 = arith.subf %add3A_37, %sub3A : vector<1000x128xf32>
    %mul3A_52 = vector.broadcast %mul3A_47 : vector<1x128xf32> to vector<1000x128xf32>
    %mul3A_53 = arith.mulf %sub3A_51, %mul3A_52 : vector<1000x128xf32>
    %get3A_54 = arith.constant 0 : index
    %get3A_55 = arith.constant 0 : index
    %get3A_56 = vector.load %arg7[%get3A_54, %get3A_55] : memref<1x128xf32, #tpu.memory_space<vmem>>, vector<1x128xf32>
    %add3A_57 = vector.broadcast %get3A_56 : vector<1x128xf32> to vector<1000x128xf32>
    %add3A_58 = arith.addf %mul3A_53, %add3A_57 : vector<1000x128xf32>
    %max3A_59 = arith.constant 0.000000e+00 : f32
    %max3A_60 = vector.broadcast %max3A_59 : f32 to vector<1000x128xf32>
    %max3A_61 = arith.maximumf %add3A_58, %max3A_60 : vector<1000x128xf32>
    %swap3A = arith.constant 0 : index
    %swap3A_62 = arith.constant 0 : index
    %swap3A_63 = vector.load %arg11[%swap3A, %swap3A_62] : memref<1000x128xf32, #tpu.memory_space<vmem>>, vector<1000x128xf32>
    tpu.vector_store %arg11[%swap3A, %swap3A_62], %max3A_61 {strides = array<i32>} : memref<1000x128xf32, #tpu.memory_space<vmem>>, vector<1000x128xf32>,
    %get3A_64 = arith.constant 0 : index
    %get3A_65 = arith.constant 0 : index
    %get3A_66 = vector.load %arg10[%get3A_64, %get3A_65] : memref<128x128xf32, #tpu.memory_space<vmem>>, vector<128x128xf32>
    %dot_general3A_67 = arith.constant dense<0.000000e+00> : vector<1000x128xf32>
    %dot_general3A_68 = tpu.matmul %max3A_61, %get3A_66, %dot_general3A_67 {dimension_numbers = #tpu.dot_dimension_numbers<[1], [0], [0], [1], [0, 0, 1, 1], [], []>, transpose_lhs_hint = false} : vector<1000x128xf32>, vector<128x128xf32>, vector<1000x128xf32> -> vector<1000x128xf32>
    %swap3A_69 = arith.constant 0 : index
    %swap3A_70 = arith.constant 0 : index
    %swap3A_71 = vector.load %arg12[%swap3A_69, %swap3A_70] : memref<1000x128xf32, #tpu.memory_space<vmem>>, vector<1000x128xf32>
    tpu.vector_store %arg12[%swap3A_69, %swap3A_70], %dot_general3A_68 {strides = array<i32>} : memref<1000x128xf32, #tpu.memory_space<vmem>>, vector<1000x128xf32>,
    return
  }
  func.func @transform_0(%arg0: i32) -> (i32, i32, i32) {
    %c0_i32 = arith.constant 0 : i32
    %c0_i32_0 = arith.constant 0 : i32
    %c0_i32_1 = arith.constant 0 : i32
    return %c0_i32, %arg0, %c0_i32_0 : i32, i32, i32
  }
  func.func @transform_1(%arg0: i32) -> (i32, i32, i32) {
    %c0_i32 = arith.constant 0 : i32
    %c0_i32_0 = arith.constant 0 : i32
    %c0_i32_1 = arith.constant 0 : i32
    return %c0_i32, %arg0, %c0_i32_0 : i32, i32, i32
  }
  func.func @transform_2(%arg0: i32) -> (i32, i32) {
    %c0_i32 = arith.constant 0 : i32
    %c0_i32_0 = arith.constant 0 : i32
    return %arg0, %c0_i32 : i32, i32
  }
  func.func @transform_3(%arg0: i32) -> (i32, i32) {
    %c0_i32 = arith.constant 0 : i32
    %c0_i32_0 = arith.constant 0 : i32
    %c0_i32_1 = arith.constant 0 : i32
    return %c0_i32, %c0_i32_0 : i32, i32
  }
  func.func @transform_4(%arg0: i32) -> (i32, i32) {
    %c0_i32 = arith.constant 0 : i32
    %c0_i32_0 = arith.constant 0 : i32
    %c0_i32_1 = arith.constant 0 : i32
    return %c0_i32, %c0_i32_0 : i32, i32
  }
  func.func @transform_5(%arg0: i32) -> (i32, i32) {
    %c0_i32 = arith.constant 0 : i32
    %c0_i32_0 = arith.constant 0 : i32
    %c0_i32_1 = arith.constant 0 : i32
    return %c0_i32, %c0_i32_0 : i32, i32
  }
  func.func @transform_6(%arg0: i32) -> (i32, i32) {
    %c0_i32 = arith.constant 0 : i32
    %c0_i32_0 = arith.constant 0 : i32
    %c0_i32_1 = arith.constant 0 : i32
    return %c0_i32, %c0_i32_0 : i32, i32
  }
  func.func @transform_7(%arg0: i32) -> (i32, i32) {
    %c0_i32 = arith.constant 0 : i32
    %c0_i32_0 = arith.constant 0 : i32
    %c0_i32_1 = arith.constant 0 : i32
    return %c0_i32, %c0_i32_0 : i32, i32
  }
  func.func @transform_8(%arg0: i32) -> (i32, i32) {
    %c0_i32 = arith.constant 0 : i32
    %c0_i32_0 = arith.constant 0 : i32
    %c0_i32_1 = arith.constant 0 : i32
    return %c0_i32, %c0_i32_0 : i32, i32
  }
  func.func @transform_9(%arg0: i32) -> (i32, i32) {
    %c0_i32 = arith.constant 0 : i32
    %c0_i32_0 = arith.constant 0 : i32
    %c0_i32_1 = arith.constant 0 : i32
    return %c0_i32, %c0_i32_0 : i32, i32
  }
  func.func @transform_10(%arg0: i32) -> (i32, i32) {
    %c0_i32 = arith.constant 0 : i32
    %c0_i32_0 = arith.constant 0 : i32
    return %arg0, %c0_i32 : i32, i32
  }
  func.func @transform_11(%arg0: i32) -> (i32, i32) {
    %c0_i32 = arith.constant 0 : i32
    %c0_i32_0 = arith.constant 0 : i32
    return %arg0, %c0_i32 : i32, i32
  }
}

module attributes {stable_mosaic.version = 14 : i64} {
  func.func @_comb_body(%arg0: i32, %arg1: memref<2x1000x128xf32, #tpu.memory_space<vmem>>, %arg2: memref<2x1000x1xf32, #tpu.memory_space<vmem>>, %arg3: memref<1000x128xf32, #tpu.memory_space<vmem>>, %arg4: memref<128x128xf32, #tpu.memory_space<vmem>>, %arg5: memref<1x128xf32, #tpu.memory_space<vmem>>, %arg6: memref<1x128xf32, #tpu.memory_space<vmem>>, %arg7: memref<1x128xf32, #tpu.memory_space<vmem>>, %arg8: memref<1x128xf32, #tpu.memory_space<vmem>>, %arg9: memref<1x128xf32, #tpu.memory_space<vmem>>, %arg10: memref<1000x128xf32, #tpu.memory_space<vmem>>) attributes {dimension_semantics = [#tpu.dimension_semantics<arbitrary>], iteration_bounds = array<i64: 10>, scalar_prefetch = 0 : i64, scratch_operands = 0 : i64, tpu.core_type = #tpu.core_type<tc>, window_params = [{transform_indices = @transform_0, window_bounds = array<i64: 2, 1000, 128>}, {transform_indices = @transform_1, window_bounds = array<i64: 2, 1000, 1>}, {transform_indices = @transform_2, window_bounds = array<i64: 1000, 128>}, {pipeline_mode = #tpu.pipeline_mode<synchronous>, transform_indices = @transform_3, window_bounds = array<i64: 128, 128>}, {pipeline_mode = #tpu.pipeline_mode<synchronous>, transform_indices = @transform_4, window_bounds = array<i64: 1, 128>}, {pipeline_mode = #tpu.pipeline_mode<synchronous>, transform_indices = @transform_5, window_bounds = array<i64: 1, 128>}, {pipeline_mode = #tpu.pipeline_mode<synchronous>, transform_indices = @transform_6, window_bounds = array<i64: 1, 128>}, {pipeline_mode = #tpu.pipeline_mode<synchronous>, transform_indices = @transform_7, window_bounds = array<i64: 1, 128>}, {pipeline_mode = #tpu.pipeline_mode<synchronous>, transform_indices = @transform_8, window_bounds = array<i64: 1, 128>}, {transform_indices = @transform_9, window_bounds = array<i64: 1000, 128>}]} {
    %get3A = arith.constant 0 : index
    %get3A_0 = arith.constant 0 : index
    %get3A_1 = arith.constant 0 : index
    %get3A_2 = vector.load %arg2[%get3A, %get3A_0, %get3A_1] : memref<2x1000x1xf32, #tpu.memory_space<vmem>>, vector<1x1000x1xf32>
    %get3A_3 = vector.shape_cast %get3A_2 : vector<1x1000x1xf32> to vector<1000x1xf32>
    %get3A_4 = arith.constant 1 : index
    %get3A_5 = arith.constant 0 : index
    %get3A_6 = arith.constant 0 : index
    %get3A_7 = vector.load %arg2[%get3A_4, %get3A_5, %get3A_6] : memref<2x1000x1xf32, #tpu.memory_space<vmem>>, vector<1x1000x1xf32>
    %get3A_8 = vector.shape_cast %get3A_7 : vector<1x1000x1xf32> to vector<1000x1xf32>
    %add3A = arith.addf %get3A_3, %get3A_8 : vector<1000x1xf32>
    %max3A = arith.constant 1.000000e+00 : f32
    %max3A_9 = vector.broadcast %max3A : f32 to vector<1000x1xf32>
    %max3A_10 = arith.maximumf %add3A, %max3A_9 : vector<1000x1xf32>
    %div3A = arith.constant 1.000000e+00 : f32
    %div3A_11 = vector.broadcast %div3A : f32 to vector<1000x1xf32>
    %div3A_12 = arith.divf %div3A_11, %max3A_10 : vector<1000x1xf32>
    %get3A_13 = arith.constant 0 : index
    %get3A_14 = arith.constant 0 : index
    %get3A_15 = arith.constant 0 : index
    %get3A_16 = vector.load %arg1[%get3A_13, %get3A_14, %get3A_15] : memref<2x1000x128xf32, #tpu.memory_space<vmem>>, vector<1x1000x128xf32>
    %get3A_17 = vector.shape_cast %get3A_16 : vector<1x1000x128xf32> to vector<1000x128xf32>
    %get3A_18 = arith.constant 1 : index
    %get3A_19 = arith.constant 0 : index
    %get3A_20 = arith.constant 0 : index
    %get3A_21 = vector.load %arg1[%get3A_18, %get3A_19, %get3A_20] : memref<2x1000x128xf32, #tpu.memory_space<vmem>>, vector<1x1000x128xf32>
    %get3A_22 = vector.shape_cast %get3A_21 : vector<1x1000x128xf32> to vector<1000x128xf32>
    %add3A_23 = arith.addf %get3A_17, %get3A_22 : vector<1000x128xf32>
    %mul3A = vector.broadcast %div3A_12 : vector<1000x1xf32> to vector<1000x128xf32>
    %mul3A_24 = arith.mulf %add3A_23, %mul3A : vector<1000x128xf32>
    %get3A_25 = arith.constant 0 : index
    %get3A_26 = arith.constant 0 : index
    %get3A_27 = vector.load %arg3[%get3A_25, %get3A_26] : memref<1000x128xf32, #tpu.memory_space<vmem>>, vector<1000x128xf32>
    %get3A_28 = arith.constant 0 : index
    %get3A_29 = arith.constant 0 : index
    %get3A_30 = vector.load %arg4[%get3A_28, %get3A_29] : memref<128x128xf32, #tpu.memory_space<vmem>>, vector<128x128xf32>
    %dot_general3A = arith.constant dense<0.000000e+00> : vector<1000x128xf32>
    %dot_general3A_31 = tpu.matmul %get3A_27, %get3A_30, %dot_general3A {dimension_numbers = #tpu.dot_dimension_numbers<[1], [0], [0], [1], [0, 0, 1, 1], [], []>, transpose_lhs_hint = false} : vector<1000x128xf32>, vector<128x128xf32>, vector<1000x128xf32> -> vector<1000x128xf32>
    %add3A_32 = arith.addf %mul3A_24, %dot_general3A_31 : vector<1000x128xf32>
    %get3A_33 = arith.constant 0 : index
    %get3A_34 = arith.constant 0 : index
    %get3A_35 = vector.load %arg5[%get3A_33, %get3A_34] : memref<1x128xf32, #tpu.memory_space<vmem>>, vector<1x128xf32>
    %add3A_36 = vector.broadcast %get3A_35 : vector<1x128xf32> to vector<1000x128xf32>
    %add3A_37 = arith.addf %add3A_32, %add3A_36 : vector<1000x128xf32>
    %get3A_38 = arith.constant 0 : index
    %get3A_39 = arith.constant 0 : index
    %get3A_40 = vector.load %arg6[%get3A_38, %get3A_39] : memref<1x128xf32, #tpu.memory_space<vmem>>, vector<1x128xf32>
    %get3A_41 = arith.constant 0 : index
    %get3A_42 = arith.constant 0 : index
    %get3A_43 = vector.load %arg9[%get3A_41, %get3A_42] : memref<1x128xf32, #tpu.memory_space<vmem>>, vector<1x128xf32>
    %add3A_44 = arith.constant 9.99999974E-6 : f32
    %add3A_45 = vector.broadcast %add3A_44 : f32 to vector<1x128xf32>
    %add3A_46 = arith.addf %get3A_43, %add3A_45 : vector<1x128xf32>
    %rsqrt3A = math.rsqrt %add3A_46 : vector<1x128xf32>
    %mul3A_47 = arith.mulf %get3A_40, %rsqrt3A : vector<1x128xf32>
    %get3A_48 = arith.constant 0 : index
    %get3A_49 = arith.constant 0 : index
    %get3A_50 = vector.load %arg8[%get3A_48, %get3A_49] : memref<1x128xf32, #tpu.memory_space<vmem>>, vector<1x128xf32>
    %sub3A = vector.broadcast %get3A_50 : vector<1x128xf32> to vector<1000x128xf32>
    %sub3A_51 = arith.subf %add3A_37, %sub3A : vector<1000x128xf32>
    %mul3A_52 = vector.broadcast %mul3A_47 : vector<1x128xf32> to vector<1000x128xf32>
    %mul3A_53 = arith.mulf %sub3A_51, %mul3A_52 : vector<1000x128xf32>
    %get3A_54 = arith.constant 0 : index
    %get3A_55 = arith.constant 0 : index
    %get3A_56 = vector.load %arg7[%get3A_54, %get3A_55] : memref<1x128xf32, #tpu.memory_space<vmem>>, vector<1x128xf32>
    %add3A_57 = vector.broadcast %get3A_56 : vector<1x128xf32> to vector<1000x128xf32>
    %add3A_58 = arith.addf %mul3A_53, %add3A_57 : vector<1000x128xf32>
    %max3A_59 = arith.constant 0.000000e+00 : f32
    %max3A_60 = vector.broadcast %max3A_59 : f32 to vector<1000x128xf32>
    %max3A_61 = arith.maximumf %add3A_58, %max3A_60 : vector<1000x128xf32>
    %swap3A = arith.constant 0 : index
    %swap3A_62 = arith.constant 0 : index
    %swap3A_63 = vector.load %arg10[%swap3A, %swap3A_62] : memref<1000x128xf32, #tpu.memory_space<vmem>>, vector<1000x128xf32>
    tpu.vector_store %arg10[%swap3A, %swap3A_62], %max3A_61 {strides = array<i32>} : memref<1000x128xf32, #tpu.memory_space<vmem>>, vector<1000x128xf32>,
    return
  }
  func.func @transform_0(%arg0: i32) -> (i32, i32, i32) {
    %c0_i32 = arith.constant 0 : i32
    %c0_i32_0 = arith.constant 0 : i32
    %c0_i32_1 = arith.constant 0 : i32
    return %c0_i32, %arg0, %c0_i32_0 : i32, i32, i32
  }
  func.func @transform_1(%arg0: i32) -> (i32, i32, i32) {
    %c0_i32 = arith.constant 0 : i32
    %c0_i32_0 = arith.constant 0 : i32
    %c0_i32_1 = arith.constant 0 : i32
    return %c0_i32, %arg0, %c0_i32_0 : i32, i32, i32
  }
  func.func @transform_2(%arg0: i32) -> (i32, i32) {
    %c0_i32 = arith.constant 0 : i32
    %c0_i32_0 = arith.constant 0 : i32
    return %arg0, %c0_i32 : i32, i32
  }
  func.func @transform_3(%arg0: i32) -> (i32, i32) {
    %c0_i32 = arith.constant 0 : i32
    %c0_i32_0 = arith.constant 0 : i32
    %c0_i32_1 = arith.constant 0 : i32
    return %c0_i32, %c0_i32_0 : i32, i32
  }
  func.func @transform_4(%arg0: i32) -> (i32, i32) {
    %c0_i32 = arith.constant 0 : i32
    %c0_i32_0 = arith.constant 0 : i32
    %c0_i32_1 = arith.constant 0 : i32
    return %c0_i32, %c0_i32_0 : i32, i32
  }
  func.func @transform_5(%arg0: i32) -> (i32, i32) {
    %c0_i32 = arith.constant 0 : i32
    %c0_i32_0 = arith.constant 0 : i32
    %c0_i32_1 = arith.constant 0 : i32
    return %c0_i32, %c0_i32_0 : i32, i32
  }
  func.func @transform_6(%arg0: i32) -> (i32, i32) {
    %c0_i32 = arith.constant 0 : i32
    %c0_i32_0 = arith.constant 0 : i32
    %c0_i32_1 = arith.constant 0 : i32
    return %c0_i32, %c0_i32_0 : i32, i32
  }
  func.func @transform_7(%arg0: i32) -> (i32, i32) {
    %c0_i32 = arith.constant 0 : i32
    %c0_i32_0 = arith.constant 0 : i32
    %c0_i32_1 = arith.constant 0 : i32
    return %c0_i32, %c0_i32_0 : i32, i32
  }
  func.func @transform_8(%arg0: i32) -> (i32, i32) {
    %c0_i32 = arith.constant 0 : i32
    %c0_i32_0 = arith.constant 0 : i32
    %c0_i32_1 = arith.constant 0 : i32
    return %c0_i32, %c0_i32_0 : i32, i32
  }
  func.func @transform_9(%arg0: i32) -> (i32, i32) {
    %c0_i32 = arith.constant 0 : i32
    %c0_i32_0 = arith.constant 0 : i32
    return %arg0, %c0_i32 : i32, i32
  }
}

module attributes {stable_mosaic.version = 14 : i64} {
  func.func @_fin_body(%arg0: i32, %arg1: memref<2x1000x128xf32, #tpu.memory_space<vmem>>, %arg2: memref<2x1000x1xf32, #tpu.memory_space<vmem>>, %arg3: memref<1000x128xf32, #tpu.memory_space<vmem>>, %arg4: memref<128x64xf32, #tpu.memory_space<vmem>>, %arg5: memref<128x64xf32, #tpu.memory_space<vmem>>, %arg6: memref<1x64xf32, #tpu.memory_space<vmem>>, %arg7: memref<1000x64xf32, #tpu.memory_space<vmem>>) attributes {dimension_semantics = [#tpu.dimension_semantics<arbitrary>], iteration_bounds = array<i64: 10>, scalar_prefetch = 0 : i64, scratch_operands = 0 : i64, tpu.core_type = #tpu.core_type<tc>, window_params = [{transform_indices = @transform_0, window_bounds = array<i64: 2, 1000, 128>}, {transform_indices = @transform_1, window_bounds = array<i64: 2, 1000, 1>}, {transform_indices = @transform_2, window_bounds = array<i64: 1000, 128>}, {pipeline_mode = #tpu.pipeline_mode<synchronous>, transform_indices = @transform_3, window_bounds = array<i64: 128, 64>}, {pipeline_mode = #tpu.pipeline_mode<synchronous>, transform_indices = @transform_4, window_bounds = array<i64: 128, 64>}, {pipeline_mode = #tpu.pipeline_mode<synchronous>, transform_indices = @transform_5, window_bounds = array<i64: 1, 64>}, {transform_indices = @transform_6, window_bounds = array<i64: 1000, 64>}]} {
    %get3A = arith.constant 0 : index
    %get3A_0 = arith.constant 0 : index
    %get3A_1 = arith.constant 0 : index
    %get3A_2 = vector.load %arg2[%get3A, %get3A_0, %get3A_1] : memref<2x1000x1xf32, #tpu.memory_space<vmem>>, vector<1x1000x1xf32>
    %get3A_3 = vector.shape_cast %get3A_2 : vector<1x1000x1xf32> to vector<1000x1xf32>
    %get3A_4 = arith.constant 1 : index
    %get3A_5 = arith.constant 0 : index
    %get3A_6 = arith.constant 0 : index
    %get3A_7 = vector.load %arg2[%get3A_4, %get3A_5, %get3A_6] : memref<2x1000x1xf32, #tpu.memory_space<vmem>>, vector<1x1000x1xf32>
    %get3A_8 = vector.shape_cast %get3A_7 : vector<1x1000x1xf32> to vector<1000x1xf32>
    %add3A = arith.addf %get3A_3, %get3A_8 : vector<1000x1xf32>
    %max3A = arith.constant 1.000000e+00 : f32
    %max3A_9 = vector.broadcast %max3A : f32 to vector<1000x1xf32>
    %max3A_10 = arith.maximumf %add3A, %max3A_9 : vector<1000x1xf32>
    %div3A = arith.constant 1.000000e+00 : f32
    %div3A_11 = vector.broadcast %div3A : f32 to vector<1000x1xf32>
    %div3A_12 = arith.divf %div3A_11, %max3A_10 : vector<1000x1xf32>
    %get3A_13 = arith.constant 0 : index
    %get3A_14 = arith.constant 0 : index
    %get3A_15 = arith.constant 0 : index
    %get3A_16 = vector.load %arg1[%get3A_13, %get3A_14, %get3A_15] : memref<2x1000x128xf32, #tpu.memory_space<vmem>>, vector<1x1000x128xf32>
    %get3A_17 = vector.shape_cast %get3A_16 : vector<1x1000x128xf32> to vector<1000x128xf32>
    %get3A_18 = arith.constant 1 : index
    %get3A_19 = arith.constant 0 : index
    %get3A_20 = arith.constant 0 : index
    %get3A_21 = vector.load %arg1[%get3A_18, %get3A_19, %get3A_20] : memref<2x1000x128xf32, #tpu.memory_space<vmem>>, vector<1x1000x128xf32>
    %get3A_22 = vector.shape_cast %get3A_21 : vector<1x1000x128xf32> to vector<1000x128xf32>
    %add3A_23 = arith.addf %get3A_17, %get3A_22 : vector<1000x128xf32>
    %mul3A = vector.broadcast %div3A_12 : vector<1000x1xf32> to vector<1000x128xf32>
    %mul3A_24 = arith.mulf %add3A_23, %mul3A : vector<1000x128xf32>
    %get3A_25 = arith.constant 0 : index
    %get3A_26 = arith.constant 0 : index
    %get3A_27 = vector.load %arg4[%get3A_25, %get3A_26] : memref<128x64xf32, #tpu.memory_space<vmem>>, vector<128x64xf32>
    %dot_general3A = arith.constant dense<0.000000e+00> : vector<1000x64xf32>
    %dot_general3A_28 = tpu.matmul %mul3A_24, %get3A_27, %dot_general3A {dimension_numbers = #tpu.dot_dimension_numbers<[1], [0], [0], [1], [0, 0, 1, 1], [], []>, transpose_lhs_hint = false} : vector<1000x128xf32>, vector<128x64xf32>, vector<1000x64xf32> -> vector<1000x64xf32>
    %get3A_29 = arith.constant 0 : index
    %get3A_30 = arith.constant 0 : index
    %get3A_31 = vector.load %arg3[%get3A_29, %get3A_30] : memref<1000x128xf32, #tpu.memory_space<vmem>>, vector<1000x128xf32>
    %get3A_32 = arith.constant 0 : index
    %get3A_33 = arith.constant 0 : index
    %get3A_34 = vector.load %arg5[%get3A_32, %get3A_33] : memref<128x64xf32, #tpu.memory_space<vmem>>, vector<128x64xf32>
    %dot_general3A_35 = arith.constant dense<0.000000e+00> : vector<1000x64xf32>
    %dot_general3A_36 = tpu.matmul %get3A_31, %get3A_34, %dot_general3A_35 {dimension_numbers = #tpu.dot_dimension_numbers<[1], [0], [0], [1], [0, 0, 1, 1], [], []>, transpose_lhs_hint = false} : vector<1000x128xf32>, vector<128x64xf32>, vector<1000x64xf32> -> vector<1000x64xf32>
    %add3A_37 = arith.addf %dot_general3A_28, %dot_general3A_36 : vector<1000x64xf32>
    %get3A_38 = arith.constant 0 : index
    %get3A_39 = arith.constant 0 : index
    %get3A_40 = vector.load %arg6[%get3A_38, %get3A_39] : memref<1x64xf32, #tpu.memory_space<vmem>>, vector<1x64xf32>
    %add3A_41 = vector.broadcast %get3A_40 : vector<1x64xf32> to vector<1000x64xf32>
    %add3A_42 = arith.addf %add3A_37, %add3A_41 : vector<1000x64xf32>
    %reduce_max3A = arith.constant dense<0xFF800000> : vector<1000xf32>
    %reduce_max3A_43 = vector.multi_reduction <maximumf>, %add3A_42, %reduce_max3A [1] : vector<1000x64xf32> to vector<1000xf32>
    %broadcast_in_dim3A = vector.shape_cast %reduce_max3A_43 : vector<1000xf32> to vector<1000x1xf32>
    %sub3A = vector.broadcast %broadcast_in_dim3A : vector<1000x1xf32> to vector<1000x64xf32>
    %sub3A_44 = arith.subf %add3A_42, %sub3A : vector<1000x64xf32>
    %exp3A = math.exp %sub3A_44 : vector<1000x64xf32>
    %sub3A_45 = vector.broadcast %broadcast_in_dim3A : vector<1000x1xf32> to vector<1000x64xf32>
    %sub3A_46 = arith.subf %add3A_42, %sub3A_45 : vector<1000x64xf32>
    %reduce_sum3A = arith.constant dense<0.000000e+00> : vector<1000xf32>
    %reduce_sum3A_47 = vector.multi_reduction <add>, %exp3A, %reduce_sum3A [1] : vector<1000x64xf32> to vector<1000xf32>
    %broadcast_in_dim3A_48 = vector.shape_cast %reduce_sum3A_47 : vector<1000xf32> to vector<1000x1xf32>
    %log3A = math.log %broadcast_in_dim3A_48 : vector<1000x1xf32>
    %sub3A_49 = vector.broadcast %log3A : vector<1000x1xf32> to vector<1000x64xf32>
    %sub3A_50 = arith.subf %sub3A_46, %sub3A_49 : vector<1000x64xf32>
    %swap3A = arith.constant 0 : index
    %swap3A_51 = arith.constant 0 : index
    %swap3A_52 = vector.load %arg7[%swap3A, %swap3A_51] : memref<1000x64xf32, #tpu.memory_space<vmem>>, vector<1000x64xf32>
    tpu.vector_store %arg7[%swap3A, %swap3A_51], %sub3A_50 {strides = array<i32>} : memref<1000x64xf32, #tpu.memory_space<vmem>>, vector<1000x64xf32>,
    return
  }
  func.func @transform_0(%arg0: i32) -> (i32, i32, i32) {
    %c0_i32 = arith.constant 0 : i32
    %c0_i32_0 = arith.constant 0 : i32
    %c0_i32_1 = arith.constant 0 : i32
    return %c0_i32, %arg0, %c0_i32_0 : i32, i32, i32
  }
  func.func @transform_1(%arg0: i32) -> (i32, i32, i32) {
    %c0_i32 = arith.constant 0 : i32
    %c0_i32_0 = arith.constant 0 : i32
    %c0_i32_1 = arith.constant 0 : i32
    return %c0_i32, %arg0, %c0_i32_0 : i32, i32, i32
  }
  func.func @transform_2(%arg0: i32) -> (i32, i32) {
    %c0_i32 = arith.constant 0 : i32
    %c0_i32_0 = arith.constant 0 : i32
    return %arg0, %c0_i32 : i32, i32
  }
  func.func @transform_3(%arg0: i32) -> (i32, i32) {
    %c0_i32 = arith.constant 0 : i32
    %c0_i32_0 = arith.constant 0 : i32
    %c0_i32_1 = arith.constant 0 : i32
    return %c0_i32, %c0_i32_0 : i32, i32
  }
  func.func @transform_4(%arg0: i32) -> (i32, i32) {
    %c0_i32 = arith.constant 0 : i32
    %c0_i32_0 = arith.constant 0 : i32
    %c0_i32_1 = arith.constant 0 : i32
    return %c0_i32, %c0_i32_0 : i32, i32
  }
  func.func @transform_5(%arg0: i32) -> (i32, i32) {
    %c0_i32 = arith.constant 0 : i32
    %c0_i32_0 = arith.constant 0 : i32
    %c0_i32_1 = arith.constant 0 : i32
    return %c0_i32, %c0_i32_0 : i32, i32
  }
  func.func @transform_6(%arg0: i32) -> (i32, i32) {
    %c0_i32 = arith.constant 0 : i32
    %c0_i32_0 = arith.constant 0 : i32
    return %arg0, %c0_i32 : i32, i32
  }
}

</mosaic_0001>

<sc_bundles>
// kernel: kernel.12.cloned.1.call-start
scs
__scs_entry_jumppad:
0x0: {  	(pc) =	sbr.rel $0x88, $3  }
0x1: {  	(tag) =	ssettag $0x0;
	lr =	simm.s32 $0x1  }
0x2: {  	[smem:$0x3F8E] =	sst lr;
	_ =	strace $0xD0000000  }
0x3: {  	_ = 	snop  }
0x4: {  	_ = 	snop  }
0x5: {  	_ = 	snop  }
0x6: {  	_ = 	snop  }
0x7: {  	_ = 	snop  }
__scs_overlays_trampoline_lowered:
0x8: {  	[smem:$0x3F9D] =	sst s0  }
0x9: {  	[smem:$0x3F9E] =	sst s1  }
0xa: {  	[smem:$0x3F9F] =	sst s2  }
0xb: {  	[smem:$0x3FA0] =	sst s3  }
0xc: {  	[smem:$0x3FA1] =	sst s4  }
0xd: {  	[smem:$0x3FA2] =	sst s5  }
0xe: {  	[smem:$0x3FA3] =	sst s6  }
0xf: {  	[smem:$0x3FA4] =	sst s7  }
0x10: {  	[smem:$0x3FA5] =	sst s8  }
0x11: {  	[smem:$0x3FA6] =	sst s9;
	s0 =	simm.s32 @!p0 $0x0  }
0x12: {  	s1 =	sld [smem:$0x3F8C];
	s0 =	simm.s32 @p0 $0x1  }
0x13: {  	[smem:$0x3FA7] =	sst s0;
	s0 =	simm.s32 @!p1 $0x0  }
0x14: {  	s2 =	sld [smem:$0x3F8B];
	s0 =	simm.s32 @p1 $0x1  }
0x15: {  	[smem:$0x3FA8] =	sst s0;
	s0 =	simm.s32 @!p2 $0x0  }
0x16: {  	s3 =	sld [smem:$0x3FDB];
	s0 =	simm.s32 @p2 $0x1  }
0x17: {  	s4 =	simm.s32 $0x1BF5;
	[smem:$0x3FAA] =	sst s0  }
0x18: {  	s0 =	sld [smem:$0x3F8D];
	_ =	swait.ge [sflag:s4], $0x0  }
0x19: {  	s7 =	sld [smem:$0x3F8E]  }
0x1a: {  	s8 =	sadd.s32 $0xFFFFE003, lr  }
0x1b: {  	s9 =	sadd.s32 $0xFFFFFEF7, lr;
	s5 =	simm.s32 $0xFFFFFFFF;
	p2 =	slt.u32 s8, $0xFFFFF086  }
0x1c: {  	p1 =	slt.u32 s9, $0xF7A;
	s5 =	simm.s32 @!p2 $0x0  }
0x1d: {  	s5 =	simm.s32 @p1 $0x1;
	p0 =	seq.s32 s7, s2  }
0x1e: {  	s7 =	smul.u32 @!p0 $0xF7A, s2;
	p2 =	seq.s32 @!p0 s5, $0x0  }
0x1f: {  	s9 =	smul.u32 $0xF7A, s1;
	s8 =	simm.s32 @!p0 $0x1BF5;
	p2 =	por !p2, p0  }
0x20: {  	[sflag:s8] =	ssyncset.s32 @!p0 $0xFFFFF086;
	s6 =	sadd.s32 @!p0 s3, s7;
	s7 =	simm.s32 @!p0 $0x108  }
0x21: {  	s3 =	sadd.s32 s3, s9;
	s6 =	sadd.s32 @!p0 $0x88, s6;
	s7 =	simm.s32 @p2 $0x1082  }
0x22: {  	[simem:s7], [sflag:s8] =	dma.local @!p0 [hbm:s6], $0xF7A  }
0x23: {  	s9 =	sor.u32 $0xD0000000, s2;
	s6 =	simm.s32 $0x108;
	_ =	swait.ge @!p0 [sflag:s8], $0x0  }
0x24: {  	s3 =	sadd.s32 $0x88, s3;
	s6 =	simm.s32 @!p1 $0x1082;
	[sflag:s4] =	ssyncset.s32 $0xFFFFF086  }
0x25: {  	[simem:s6], [sflag:s4] =	dma.local [hbm:s3], $0xF7A  }
0x26: {  	[smem:$0x3F8E] =	sst s1;
	(tag) =	ssettag s2;
	_ =	strace s9  }
0x27: {  	s1 =	sld [smem:$0x3F9E]  }
0x28: {  	s2 =	sld [smem:$0x3F9F]  }
0x29: {  	s4 =	sld [smem:$0x3FA1]  }
0x2a: {  	p0 =	seq.s32 s5, $0x0;
	s5 =	sld [smem:$0x3FA2]  }
0x2b: {  	s6 =	sld [smem:$0x3FA3]  }
0x2c: {  	s7 =	sld [smem:$0x3FA4]  }
0x2d: {  	s3 =	simm.s32 $0x108;
	s8 =	sld [smem:$0x3FA5]  }
0x2e: {  	s3 =	simm.s32 @!p0 $0x1082;
	s9 =	sld [smem:$0x3FA6]  }
0x2f: {  	lr =	sadd.s32 s0, s3;
	s0 =	sld [smem:$0x3F9D]  }
0x30: {  	s3 =	sld [smem:$0x3FA0]  }
0x31: {  	[smem:$0x3FA9] =	sst s10  }
0x32: {  	s10 =	sld [smem:$0x3FA7];
	_ =	sdelay $0x3  }
0x33: {  	p0 =	seq.s32 s10, $0x1;
	s10 =	sld [smem:$0x3FA9];
	_ =	sdelay $0x3  }
0x34: {  	[smem:$0x3FA9] =	sst s10  }
0x35: {  	s10 =	sld [smem:$0x3FA8];
	_ =	sdelay $0x3  }
0x36: {  	p1 =	seq.s32 s10, $0x1;
	s10 =	sld [smem:$0x3FA9];
	_ =	sdelay $0x3  }
0x37: {  	[smem:$0x3FA9] =	sst s10  }
0x38: {  	s10 =	sld [smem:$0x3FAA]  }
0x39: {  	_ = 	snop;
	(pc) =	sbr.ind lr, $3  }
0x3a: {  	_ = 	snop  }
0x3b: {  	_ = 	snop  }
0x3c: {  	p2 =	seq.s32 s10, $0x1;
	s10 =	sld [smem:$0x3FA9]  }
0x3d: {  	_ =	shalt  }
0x3e: {  	_ =	shalt  }
0x3f: {  	_ =	shalt  }
0x40: {  	_ =	shalt  }
0x41: {  	_ =	shalt  }
0x42: {  	_ =	shalt  }
0x43: {  	_ =	shalt  }
0x44: {  	_ =	shalt  }
0x45: {  	_ =	shalt  }
0x46: {  	_ =	shalt  }
0x47: {  	_ =	shalt  }
0x48: {  	_ =	shalt  }
0x49: {  	_ =	shalt  }
0x4a: {  	_ =	shalt  }
0x4b: {  	_ =	shalt  }
0x4c: {  	_ =	shalt  }
0x4d: {  	_ =	shalt  }
0x4e: {  	_ =	shalt  }
0x4f: {  	_ =	shalt  }
0x50: {  	_ =	shalt  }
0x51: {  	_ =	shalt  }
0x52: {  	_ =	shalt  }
0x53: {  	_ =	shalt  }
0x54: {  	_ =	shalt  }
0x55: {  	_ =	shalt  }
0x56: {  	_ =	shalt  }
0x57: {  	_ =	shalt  }
0x58: {  	_ =	shalt  }
0x59: {  	_ =	shalt  }
0x5a: {  	_ =	shalt  }
0x5b: {  	_ =	shalt  }
0x5c: {  	_ =	shalt  }
0x5d: {  	_ =	shalt  }
0x5e: {  	_ =	shalt  }
0x5f: {  	_ =	shalt  }
0x60: {  	_ =	shalt  }
0x61: {  	_ =	shalt  }
0x62: {  	_ =	shalt  }
0x63: {  	_ =	shalt  }
0x64: {  	_ =	shalt  }
0x65: {  	_ =	shalt  }
0x66: {  	_ =	shalt  }
0x67: {  	_ =	shalt  }
0x68: {  	_ =	shalt  }
0x69: {  	_ =	shalt  }
0x6a: {  	_ =	shalt  }
0x6b: {  	_ =	shalt  }
0x6c: {  	_ =	shalt  }
0x6d: {  	_ =	shalt  }
0x6e: {  	_ =	shalt  }
0x6f: {  	_ =	shalt  }
0x70: {  	_ =	shalt  }
0x71: {  	_ =	shalt  }
0x72: {  	_ =	shalt  }
0x73: {  	_ =	shalt  }
0x74: {  	_ =	shalt  }
0x75: {  	_ =	shalt  }
0x76: {  	_ =	shalt  }
0x77: {  	_ =	shalt  }
0x78: {  	_ =	shalt  }
0x79: {  	_ =	shalt  }
0x7a: {  	_ =	shalt  }
0x7b: {  	_ =	shalt  }
0x7c: {  	_ =	shalt  }
0x7d: {  	_ =	shalt  }
0x7e: {  	_ =	shalt  }
0x7f: {  	_ =	shalt  }
0x80: {  	_ =	shalt  }
0x81: {  	_ =	shalt  }
0x82: {  	_ =	shalt  }
0x83: {  	_ =	shalt  }
0x84: {  	_ =	shalt  }
0x85: {  	_ =	shalt  }
0x86: {  	_ =	shalt  }
0x87: {  	_ =	shalt  }
.Lfunc_end0:
.L_simem_size_0:
called_computation.1_lowered:
.L_overlay_start_0:
0x88: {  	s2 =	sld [smem:$0x3FD9]  }
0x89: {  	s3 =	sld [smem:$0x3FFE];
	_ =	sdelay $0x1  }
0x8a: {  	s1 =	srdreg.scid  }
0x8b: {  	s0 =	sand.u32 $0x1, s1  }
0x8c: {  	s17 =	sshll.u32 s0, $0xA;
	s2 =	sadd.s32 s3, s2  }
0x8d: {  	s2 =	sadd.s32 s2, s17  }
0x8e: {  	[smem:$0x3FB5] =	sst s2  }
0x8f: {  	_ = 	snop  }
0x90: {  	s2 =	sld [smem:$0x3FD0];
	(tm) =	ssettm $0x1  }
0x91: {  	s18 =	sld [smem:$0x3FFB];
	_ =	sdelay $0x3  }
0x92: {  	_ =	strace s18  }
0x93: {  	s3 =	sld [smem:$0x3FFC];
	_ =	sdelay $0x3  }
0x94: {  	_ =	strace s3  }
0x95: {  	s3 =	sld [smem:$0x3FFD];
	_ =	sdelay $0x3  }
0x96: {  	_ =	strace s3  }
0x97: {  	_ =	strace $0x8FFFFFFF  }
0x98: {  	s19 =	sld [smem:$0x3FDB];
	_ =	sdelay $0x1  }
0x99: {  	s4 =	simm.s32 $_scs_section_size  }
0x9a: {  	s5 =	simm.s32 $_size__tile_overlayer_lowered;
	s6 =	simm.s32 $_tile_overlayer_lowered  }
0x9b: {  	s22 =	simm.s32 $0x1BFF;
	s21 =	sshll.u32 s6, $0x1;
	s3 =	sadd.s32 s4, s19  }
0x9c: {  	s7 =	simm.s32 $0x0;
	s20 =	sshll.u32 s5, $0x1;
	s5 =	sadd.s32 s21, s3  }
0x9d: {  	[timem:s7], [sflag:s22] =	dma.local [hbm:s5], s20  }
0x9e: {  	_ =	swait.ge [sflag:s22], s20  }
0x9f: {  	s4 =	ssub.s32 $0x0, s20;
	[sflag:s22] =	ssyncset.done $0x0  }
0xa0: {  	[sflag:s22] =	ssyncadd.s32 s4;
	_ =	sdelay $0x1  }
0xa1: {  	s23 =	simm.s32 $0x1B8B  }
0xa2: {  	_ =	swait.ge [sflag:s23], $0x1  }
0xa3: {  	[sflag:s23] =	ssyncset.done $0x0  }
0xa4: {  	s25 =	simm.s32 $0x1B8E;
	s24 =	sld [smem:$0x3FFE];
	[sflag:s23] =	ssyncadd.s32 $0xFFFFFFFF  }
0xa5: {  	s26 =	simm.s32 $execute0_lowered;
	[smem:$0x3FD2] =	sst s25  }
0xa6: {  	s5 =	sshll.u32 s26, $0x1;
	_ =	strace $0x8000004C;
	[dreg:$0x1] =	wrdreg $0xFFFFFFFF  }
0xa7: {  	s28 =	simm.s32 $_size_execute0_lowered;
	s3 =	sadd.s32 s3, s5;
	[dreg:$0x0] =	wrdreg $0x0  }
0xa8: {  	s5 =	sshll.u32 s28, $0x1;
	[dreg:$0x2] =	wrdreg s3  }
0xa9: {  	[dreg:$0x3] =	wrdreg s5  }
0xaa: {  	[dreg:$0x4] =	wrdreg $0xC0  }
0xab: {  	_ =	task [dreg:s7], $0x5FFFF  }
0xac: {  	[dreg:$0x1] =	wrdreg $0xFFFFFFFF  }
0xad: {  	[dreg:$0x0] =	wrdreg $0x60  }
0xae: {  	[dreg:$0x2] =	wrdreg s24  }
0xaf: {  	[dreg:$0x3] =	wrdreg s2  }
0xb0: {  	[dreg:$0x4] =	wrdreg $0x0  }
0xb1: {  	[dreg:$0x5] =	wrdreg $0x9  }
0xb2: {  	_ =	task.clear_ibuf [dreg:s7], $0x6FFFF;
	_ =	strace $0x9000004C  }
0xb3: {  	s29 =	simm.s32 $0x9;
	_ =	strace $0x80000051  }
0xb4: {  	_ =	swait.ge [sflag:s29], $0x1  }
0xb5: {  	[sflag:s29] =	ssyncadd.s32 $0xFFFFFFFF  }
0xb6: {  	_ =	strace $0x90000051  }
0xb7: {  	_ =	sfence  }
0xb8: {  	s30 =	sld [smem:$0x0];
	_ =	sdelay $0x2  }
0xb9: {  	s31 =	sshll.u32 s1, $0xD;
	s1 =	sshrl.u32 s1, $0x2  }
0xba: {  	s3 =	sand.u32 $0x4000, s31;
	s1 =	sadd.s32 s1, s30  }
0xbb: {  	s0 =	sor.u32 s3, s0;
	s1 =	sshll.u32 s1, $0x11  }
0xbc: {  	s0 =	sor.u32 s1, s0  }
0xbd: {  	s0 =	sadd.s32 $0x8F2B, s0  }
0xbe: {  	[sflag:s0] =	ssyncadd.remote.s32 $0x1  }
0xbf: {  	_ =	sfence.sel $0xFFFF  }
0xc0: {  	[dreg:$0x0] =	wrdreg $0xFFFFFFFF;
	(pc) =	sbr.abs _section_cstart, $3  }
0xc1: {  	[dreg:$0x1] =	wrdreg $0xFFFFFFFF  }
0xc2: {  	_ =	task.clear_ibuf [dreg:s7], $0x2FFFF;
	_ =	strace $0x9FFFFFFF  }
0xc3: {  	(tm) =	ssettm $0x7FFFFFFF  }
tec
execute0_lowered:
.L_overlay_start_1:
0x0: {  	(tag) =	ssettag $0x1  }
0x1: {  	s0 =	rddreg [dreg:$0x0]  }
0x2: {  	s2 =	rddreg [dreg:$0x1]  }
0x3: {  	s1 =	rddreg [dreg:$0x2]  }
0x4: {  	s3 =	srdreg.scid;
	s10 =	stileid.u32;
	s28 =	simm.s32 $0x2  }
0x5: {  	s29 =	simm.s32 $0x3;
	s30 =	simm.s32 $0x14100;
	s31 =	simm.s32 $0x15480  }
0x6: {  	s5 =	sand.u32 $0x1, s3;
	s3 =	simm.s32 $0x0;
	s7 =	smul.u32 $0x14000, s10  }
0x7: {  	s4 =	sadd.s32 $0xDA00, s0;
	s19 =	smul.u32 $0x50000, s10;
	s8 =	sadd.s32 $0x3A00, s0  }
0x8: {  	s6 =	smul.u32 $0x140000, s5;
	[smem:$0x7FF] =	sst s3;
	s9 =	ssub.s32 $0x2, s5  }
0x9: {  	s21 =	sshll.u32 s5, $0x4;
	_ =	strace $0x8000004D;
	s20 =	sshrl.u32 s9, $0x1  }
0xa: {  	s22 =	sor.u32 s10, s21;
	s21 =	simm.s32 $0x14000;
	s6 =	sadd.s32 s7, s6  }
0xb: {  	s7 =	sshrl.u32 s19, $0x2;
	s19 =	simm.s32 $0x16800;
	s6 =	sshrl.u32 s6, $0x3  }
0xc: {  	s5 =	sadd.s32 s7, s1;
	s7 =	smul.u32 $0x500, s22;
	s22 =	simm.s32 $0x15400  }
0xd: {  	s0 =	sadd.s32 s6, s0;
	s6 =	ssub.s32 s9, s20;
	s23 =	sadd.s32 $0x2800, s5  }
0xe: {  	s24 =	sadd.s32 $0x5000, s5;
	s25 =	sadd.s32 $0x7800, s5;
	s9 =	sadd.s32 $0xA000, s5  }
0xf: {  	s10 =	sadd.s32 $0xC800, s5;
	s11 =	sadd.s32 $0xF000, s5;
	[dreg:$0x4] =	wrdreg s23  }
0x10: {  	s12 =	sadd.s32 $0x11800, s5;
	s20 =	simm.s32 $0x5;
	[dreg:$0x5] =	wrdreg s24  }
.Ltmp0:
0x11: {  	[dreg:$0x6] =	wrdreg s25;
	s13 =	sadd.s32 $0x34C00, s0;
	(pc) =	sbr.rel .LBB2_1-.Ltmp0, $4  }
0x12: {  	s14 =	smax.u32 s6, $0x1;
	s26 =	sadd.s32 $0x280, s7;
	s15 =	sadd.s32 s2, s7  }
0x13: {  	s16 =	sadd.s32 s8, s7;
	s23 =	simm.s32 $0x7D;
	s24 =	simm.s32 $0x1  }
0x14: {  	s25 =	simm.s32 $0x14080;
	s0 =	simm.s32 $0x4;
	s17 =	sadd.s32 s2, s26  }
0x15: {  	v0 =	vimm.f32 $0.0e+00;
	s18 =	sadd.s32 s8, s26;
	s26 =	simm.s32 $0x1A800;
	s2 =	simm.s32 $0x0  }
.LBB2_9:
0x16: {  	[spmem:s1] =	stream.indirect.scatter.add.f32 [tilespmem:s26], [sflag:$0x4], $0x80, s8, s23, $0x2000b8;
	[tilespmem:$0x1E800] =	vst v63  }
0x17: {  	_ =	swait.ge [sflag:s0], $0x3E80  }
0x18: {  	[sflag:s0] =	ssyncset.done $0x0  }
0x19: {  	[sflag:s0] =	ssyncadd.s32 $0xFFFFC180  }
0x1a: {  	s6 =	stileid.u32;
	s7 =	sshrl.u32 s5, $0x3;
	_ =	strace $0x9000004F  }
0x1b: {  	s2 =	sadd.s32 $0x1, s2;
	s6 =	sshll.u32 s6, $0x6;
	_ =	strace $0x80000050  }
0x1c: {  	p0 =	sne.s32 s2, s14;
	s6 =	sor.u32 $0x1C05, s6;
	[bflag:$0x0] =	sbarrier.arrive $0xFFFF  }
0x1d: {  	[hbm:s13], [sflag:s6] =	dma.local [spmem:s7], $0x2800  }
.Ltmp1:
0x1e: {  	_ = 	snop;
	(pc) =	sbr.rel @!p0 .LBB2_10-.Ltmp1, $4  }
0x1f: {  	_ =	swait.ge [sflag:s20], $0x2800  }
0x20: {  	[sflag:s20] =	ssyncset.done $0x0  }
0x21: {  	[sflag:s20] =	ssyncadd.s32 $0xFFFFD800  }
0x22: {  	_ =	strace $0x90000050  }
.LBB2_1:
0x23: {  	_ =	strace $0x8000004E;
	s6 =	simm.s32 $0x0;
	s7 =	simm.s32 $0x200  }
.LBB2_2:
0x24: {  	p0 =	sne.s32 s7, $0xF800;
	[tilespmem:s6+$0x16870] =	vst v0  }
0x25: {  	[tilespmem:s6+$0x16800] =	vst v0  }
0x26: {  	[tilespmem:s6+$0x16810] =	vst v0  }
.Ltmp2:
0x27: {  	[tilespmem:s6+$0x16820] =	vst v0;
	(pc) =	sbr.rel @p0 .LBB2_2-.Ltmp2, $4  }
0x28: {  	[tilespmem:s6+$0x16830] =	vst v0  }
0x29: {  	[tilespmem:s6+$0x16840] =	vst v0  }
0x2a: {  	[tilespmem:s6+$0x16850] =	vst v0  }
0x2b: {  	[tilespmem:s6+$0x16860] =	vst v0;
	s6 =	sshra.s32 s7, $0x2;
	s7 =	sadd.s32 $0x200, s7  }
0x2c: {  	[tilespmem:s6+$0x16870] =	vst v0  }
0x2d: {  	[tilespmem:s6+$0x16800] =	vst v0  }
0x2e: {  	[tilespmem:s6+$0x16810] =	vst v0  }
0x2f: {  	[tilespmem:s6+$0x16820] =	vst v0  }
0x30: {  	[tilespmem:s6+$0x16830] =	vst v0  }
0x31: {  	[tilespmem:s6+$0x16840] =	vst v0  }
0x32: {  	[tilespmem:s6+$0x16850] =	vst v0  }
0x33: {  	[tilespmem:s6+$0x16860] =	vst v0  }
0x34: {  	[spmem:s5] =	stream.linear.scatter [tilespmem:s19], [sflag:$0x5], $0x2800, $0x200038;
	[tilespmem:$0x1E800] =	vst v63  }
0x35: {  	_ =	swait.ge [sflag:s20], $0x2800  }
0x36: {  	[sflag:s20] =	ssyncset.done $0x0  }
0x37: {  	s8 =	rddreg [dreg:$0x4];
	[sflag:s20] =	ssyncadd.s32 $0xFFFFD800  }
0x38: {  	[spmem:s8] =	stream.linear.scatter [tilespmem:s19], [sflag:$0x5], $0x2800, $0x200038;
	[tilespmem:$0x1E800] =	vst v63  }
0x39: {  	_ =	swait.ge [sflag:s20], $0x2800  }
0x3a: {  	[sflag:s20] =	ssyncset.done $0x0  }
0x3b: {  	s7 =	rddreg [dreg:$0x5];
	[sflag:s20] =	ssyncadd.s32 $0xFFFFD800  }
0x3c: {  	[spmem:s7] =	stream.linear.scatter [tilespmem:s19], [sflag:$0x5], $0x2800, $0x200038;
	[tilespmem:$0x1E800] =	vst v63  }
0x3d: {  	_ =	swait.ge [sflag:s20], $0x2800  }
0x3e: {  	[sflag:s20] =	ssyncset.done $0x0  }
0x3f: {  	s8 =	rddreg [dreg:$0x6];
	[sflag:s20] =	ssyncadd.s32 $0xFFFFD800  }
0x40: {  	[spmem:s8] =	stream.linear.scatter [tilespmem:s19], [sflag:$0x5], $0x2800, $0x200038;
	[tilespmem:$0x1E800] =	vst v63  }
0x41: {  	_ =	swait.ge [sflag:s20], $0x2800  }
0x42: {  	[sflag:s20] =	ssyncset.done $0x0  }
0x43: {  	[sflag:s20] =	ssyncadd.s32 $0xFFFFD800  }
0x44: {  	[spmem:s9] =	stream.linear.scatter [tilespmem:s19], [sflag:$0x5], $0x2800, $0x200038;
	[tilespmem:$0x1E800] =	vst v63  }
0x45: {  	_ =	swait.ge [sflag:s20], $0x2800  }
0x46: {  	[sflag:s20] =	ssyncset.done $0x0  }
0x47: {  	[sflag:s20] =	ssyncadd.s32 $0xFFFFD800  }
0x48: {  	[spmem:s10] =	stream.linear.scatter [tilespmem:s19], [sflag:$0x5], $0x2800, $0x200038;
	[tilespmem:$0x1E800] =	vst v63  }
0x49: {  	_ =	swait.ge [sflag:s20], $0x2800  }
0x4a: {  	[sflag:s20] =	ssyncset.done $0x0  }
0x4b: {  	[sflag:s20] =	ssyncadd.s32 $0xFFFFD800  }
0x4c: {  	[spmem:s11] =	stream.linear.scatter [tilespmem:s19], [sflag:$0x5], $0x2800, $0x200038;
	[tilespmem:$0x1E800] =	vst v63  }
0x4d: {  	_ =	swait.ge [sflag:s20], $0x2800  }
0x4e: {  	[sflag:s20] =	ssyncset.done $0x0  }
0x4f: {  	[sflag:s20] =	ssyncadd.s32 $0xFFFFD800  }
0x50: {  	[spmem:s12] =	stream.linear.scatter [tilespmem:s19], [sflag:$0x5], $0x2800, $0x200038;
	[tilespmem:$0x1E800] =	vst v63  }
0x51: {  	_ =	swait.ge [sflag:s20], $0x2800  }
0x52: {  	[sflag:s20] =	ssyncset.done $0x0  }
0x53: {  	[sflag:s20] =	ssyncadd.s32 $0xFFFFD800  }
0x54: {  	_ =	strace $0x9000004E  }
0x55: {  	[bflag:$0x0] =	sbarrier.arrive $0xFFFF  }
0x56: {  	_ =	strace $0x8000004F  }
0x57: {  	[tilespmem:s21], [sflag:$0x5] =	stream.linear.gather [hbm4b:s15+s3], $0x1400, $0x200038;
	[tilespmem:$0x1E800] =	vst v63  }
0x58: {  	_ =	swait.ge [sflag:s20], $0x1400  }
0x59: {  	[sflag:s20] =	ssyncset.done $0x0  }
0x5a: {  	[sflag:s20] =	ssyncadd.s32 $0xFFFFEC00  }
0x5b: {  	[tilespmem:s22], [sflag:$0x5] =	stream.linear.gather [hbm4b:s16+s3], $0x1400, $0x200038;
	[tilespmem:$0x1E800] =	vst v63  }
0x5c: {  	_ =	swait.ge [sflag:s20], $0x1400  }
0x5d: {  	[sflag:s20] =	ssyncset.done $0x0  }
0x5e: {  	[sflag:s20] =	ssyncadd.s32 $0xFFFFEC00  }
0x5f: {  	[tilespmem:s19], [sflag:$0x1] =	stream.indirect.gather [hbm4b:s4+s23], $0x80, s21, s23, $0x2000b8;
	[tilespmem:$0x1E800] =	vst v63  }
0x60: {  	_ =	swait.ge [sflag:s24], $0x3E80  }
0x61: {  	[sflag:s24] =	ssyncset.done $0x0  }
0x62: {  	[sflag:s24] =	ssyncadd.s32 $0xFFFFC180  }
0x63: {  	[tilespmem:s26], [sflag:$0x2] =	stream.indirect.gather [hbm4b:s4+s23], $0x80, s25, s23, $0x2000b8;
	[tilespmem:$0x1E800] =	vst v63  }
0x64: {  	_ = 	snop  }
0x65: {  	[spmem:s1] =	stream.indirect.scatter.add.f32 [tilespmem:s19], [sflag:$0x3], $0x80, s22, s23, $0x2000b8;
	[tilespmem:$0x1E800] =	vst v63  }
0x66: {  	_ =	swait.ge [sflag:s28], $0x3E80  }
0x67: {  	[sflag:s28] =	ssyncset.done $0x0  }
0x68: {  	[sflag:s28] =	ssyncadd.s32 $0xFFFFC180  }
0x69: {  	_ =	swait.ge [sflag:s29], $0x3E80  }
0x6a: {  	[sflag:s29] =	ssyncset.done $0x0  }
0x6b: {  	[sflag:s29] =	ssyncadd.s32 $0xFFFFC180  }
0x6c: {  	[tilespmem:s19], [sflag:$0x1] =	stream.indirect.gather [hbm4b:s4+s23], $0x80, s30, s23, $0x2000b8;
	[tilespmem:$0x1E800] =	vst v63  }
0x6d: {  	s6 =	simm.s32 $0xFFFFB800  }
0x6e: {  	[spmem:s1] =	stream.indirect.scatter.add.f32 [tilespmem:s26], [sflag:$0x4], $0x80, s31, s23, $0x2000b8;
	[tilespmem:$0x1E800] =	vst v63  }
.LBB2_4:
0x6f: {  	_ =	swait.ge [sflag:s24], $0x3E80  }
0x70: {  	[sflag:s24] =	ssyncset.done $0x0  }
0x71: {  	[sflag:s24] =	ssyncadd.s32 $0xFFFFC180  }
0x72: {  	_ =	swait.ge [sflag:s0], $0x3E80  }
0x73: {  	s7 =	sshra.s32 s6, $0x2;
	[sflag:s0] =	ssyncset.done $0x0  }
0x74: {  	s8 =	sadd.s32 $0x15380, s7;
	[sflag:s0] =	ssyncadd.s32 $0xFFFFC180  }
0x75: {  	[tilespmem:s26], [sflag:$0x2] =	stream.indirect.gather [hbm4b:s4+s23], $0x80, s8, s23, $0x2000b8;
	[tilespmem:$0x1E800] =	vst v63  }
0x76: {  	s8 =	sadd.s32 $0x16700, s7  }
0x77: {  	[spmem:s1] =	stream.indirect.scatter.add.f32 [tilespmem:s19], [sflag:$0x3], $0x80, s8, s23, $0x2000b8;
	[tilespmem:$0x1E800] =	vst v63  }
0x78: {  	p0 =	seq.s32 s6, $0x0;
	_ =	swait.ge [sflag:s28], $0x3E80  }
.Ltmp3:
0x79: {  	[sflag:s28] =	ssyncset.done $0x0;
	(pc) =	sbr.rel @p0 .LBB2_6-.Ltmp3, $4  }
0x7a: {  	[sflag:s28] =	ssyncadd.s32 $0xFFFFC180  }
0x7b: {  	_ =	swait.ge [sflag:s29], $0x3E80  }
0x7c: {  	[sflag:s29] =	ssyncset.done $0x0  }
0x7d: {  	s8 =	sadd.s32 $0x16780, s7;
	[sflag:s29] =	ssyncadd.s32 $0xFFFFC180  }
.Ltmp4:
0x7e: {  	(pc) =	sbr.rel .LBB2_4-.Ltmp4, $4  }
0x7f: {  	s7 =	sadd.s32 $0x15400, s7  }
0x80: {  	[tilespmem:s19], [sflag:$0x1] =	stream.indirect.gather [hbm4b:s4+s23], $0x80, s7, s23, $0x2000b8;
	[tilespmem:$0x1E800] =	vst v63  }
0x81: {  	s6 =	sadd.s32 $0x400, s6  }
0x82: {  	[spmem:s1] =	stream.indirect.scatter.add.f32 [tilespmem:s26], [sflag:$0x4], $0x80, s8, s23, $0x2000b8;
	[tilespmem:$0x1E800] =	vst v63  }
.LBB2_6:
0x83: {  	[spmem:s1] =	stream.indirect.scatter.add.f32 [tilespmem:s26], [sflag:$0x4], $0x80, s8, s23, $0x2000b8;
	[tilespmem:$0x1E800] =	vst v63  }
0x84: {  	_ =	swait.ge [sflag:s0], $0x3E80  }
0x85: {  	[sflag:s0] =	ssyncset.done $0x0  }
0x86: {  	[sflag:s0] =	ssyncadd.s32 $0xFFFFC180  }
0x87: {  	[tilespmem:s21], [sflag:$0x5] =	stream.linear.gather [hbm4b:s17+s3], $0x1400, $0x200038;
	[tilespmem:$0x1E800] =	vst v63  }
0x88: {  	_ =	swait.ge [sflag:s20], $0x1400  }
0x89: {  	[sflag:s20] =	ssyncset.done $0x0  }
0x8a: {  	[sflag:s20] =	ssyncadd.s32 $0xFFFFEC00  }
0x8b: {  	[tilespmem:s22], [sflag:$0x5] =	stream.linear.gather [hbm4b:s18+s3], $0x1400, $0x200038;
	[tilespmem:$0x1E800] =	vst v63  }
0x8c: {  	_ =	swait.ge [sflag:s20], $0x1400  }
0x8d: {  	[sflag:s20] =	ssyncset.done $0x0  }
0x8e: {  	[sflag:s20] =	ssyncadd.s32 $0xFFFFEC00  }
0x8f: {  	[tilespmem:s19], [sflag:$0x1] =	stream.indirect.gather [hbm4b:s4+s23], $0x80, s21, s23, $0x2000b8;
	[tilespmem:$0x1E800] =	vst v63  }
0x90: {  	_ =	swait.ge [sflag:s24], $0x3E80  }
0x91: {  	[sflag:s24] =	ssyncset.done $0x0  }
0x92: {  	[sflag:s24] =	ssyncadd.s32 $0xFFFFC180  }
0x93: {  	[tilespmem:s26], [sflag:$0x2] =	stream.indirect.gather [hbm4b:s4+s23], $0x80, s25, s23, $0x2000b8;
	[tilespmem:$0x1E800] =	vst v63  }
0x94: {  	_ = 	snop  }
0x95: {  	[spmem:s1] =	stream.indirect.scatter.add.f32 [tilespmem:s19], [sflag:$0x3], $0x80, s22, s23, $0x2000b8;
	[tilespmem:$0x1E800] =	vst v63  }
0x96: {  	_ =	swait.ge [sflag:s28], $0x3E80  }
0x97: {  	[sflag:s28] =	ssyncset.done $0x0  }
0x98: {  	[sflag:s28] =	ssyncadd.s32 $0xFFFFC180  }
0x99: {  	_ =	swait.ge [sflag:s29], $0x3E80  }
0x9a: {  	[sflag:s29] =	ssyncset.done $0x0  }
0x9b: {  	[sflag:s29] =	ssyncadd.s32 $0xFFFFC180  }
0x9c: {  	[tilespmem:s19], [sflag:$0x1] =	stream.indirect.gather [hbm4b:s4+s23], $0x80, s30, s23, $0x2000b8;
	[tilespmem:$0x1E800] =	vst v63  }
0x9d: {  	s6 =	simm.s32 $0xFFFFB800  }
0x9e: {  	[spmem:s1] =	stream.indirect.scatter.add.f32 [tilespmem:s26], [sflag:$0x4], $0x80, s31, s23, $0x2000b8;
	[tilespmem:$0x1E800] =	vst v63  }
.LBB2_7:
0x9f: {  	_ =	swait.ge [sflag:s24], $0x3E80  }
0xa0: {  	[sflag:s24] =	ssyncset.done $0x0  }
0xa1: {  	[sflag:s24] =	ssyncadd.s32 $0xFFFFC180  }
0xa2: {  	_ =	swait.ge [sflag:s0], $0x3E80  }
0xa3: {  	s7 =	sshra.s32 s6, $0x2;
	[sflag:s0] =	ssyncset.done $0x0  }
0xa4: {  	s8 =	sadd.s32 $0x15380, s7;
	[sflag:s0] =	ssyncadd.s32 $0xFFFFC180  }
0xa5: {  	[tilespmem:s26], [sflag:$0x2] =	stream.indirect.gather [hbm4b:s4+s23], $0x80, s8, s23, $0x2000b8;
	[tilespmem:$0x1E800] =	vst v63  }
0xa6: {  	s8 =	sadd.s32 $0x16700, s7  }
0xa7: {  	[spmem:s1] =	stream.indirect.scatter.add.f32 [tilespmem:s19], [sflag:$0x3], $0x80, s8, s23, $0x2000b8;
	[tilespmem:$0x1E800] =	vst v63  }
0xa8: {  	p0 =	seq.s32 s6, $0x0;
	_ =	swait.ge [sflag:s28], $0x3E80  }
.Ltmp5:
0xa9: {  	[sflag:s28] =	ssyncset.done $0x0;
	(pc) =	sbr.rel @p0 .LBB2_9-.Ltmp5, $4  }
0xaa: {  	[sflag:s28] =	ssyncadd.s32 $0xFFFFC180  }
0xab: {  	_ =	swait.ge [sflag:s29], $0x3E80  }
0xac: {  	[sflag:s29] =	ssyncset.done $0x0  }
0xad: {  	s8 =	sadd.s32 $0x16780, s7;
	[sflag:s29] =	ssyncadd.s32 $0xFFFFC180  }
.Ltmp6:
0xae: {  	(pc) =	sbr.rel .LBB2_7-.Ltmp6, $4  }
0xaf: {  	s7 =	sadd.s32 $0x15400, s7  }
0xb0: {  	[tilespmem:s19], [sflag:$0x1] =	stream.indirect.gather [hbm4b:s4+s23], $0x80, s7, s23, $0x2000b8;
	[tilespmem:$0x1E800] =	vst v63  }
0xb1: {  	s6 =	sadd.s32 $0x400, s6  }
0xb2: {  	[spmem:s1] =	stream.indirect.scatter.add.f32 [tilespmem:s26], [sflag:$0x4], $0x80, s8, s23, $0x2000b8;
	[tilespmem:$0x1E800] =	vst v63  }
.LBB2_10:
0xb3: {  	_ =	sfence.sel $0x180000  }
0xb4: {  	[bflag:$0x0] =	sbarrier.arrive $0xFFFF  }
0xb5: {  	_ =	strace $0x9000004D  }
0xb6: {  	s0 =	stileid.u32;
	[bflag:$0x2] =	sbarrier.arrive $0xFFFF  }
0xb7: {  	p0 =	sne.s32 s0, $0x0;
	s0 =	rddreg [dreg:$0x3]  }
0xb8: {  	s0 =	sadd.s32 @!p0 $0x100000, s0  }
0xb9: {  	[sflag:s0] =	ssyncadd.tile.s32 @!p0 $0x1;
	_ =	shalt  }
.Lfunc_end2:
_tile_overlayer_lowered:
.L_overlay_start_2:
0xba: {  	(tag) =	ssettag $0x2  }
0xbb: {  	s0 =	rddreg [dreg:$0x0];
	s2 =	stileid.u32  }
0xbc: {  	s1 =	rddreg [dreg:$0x1];
	p0 =	sne.s32 s2, $0x0  }
0xbd: {  	s3 =	rddreg [dreg:$0x2];
	[bflag:$0x3] =	sbarrier.arrive $0xFFFF;
	s2 =	simm.s32 @!p0 $0x1C05  }
0xbe: {  	[timem:s3], [sflag:s2] =	dma.local @!p0 [hbm:s0], s1  }
0xbf: {  	s0 =	simm.s32 @!p0 $0x5  }
0xc0: {  	_ =	swait.ge @!p0 [sflag:s0], s1  }
0xc1: {  	s1 =	ssub.s32 @!p0 $0x0, s1;
	[sflag:s0] =	ssyncset.done @!p0 $0x0  }
0xc2: {  	[sflag:s0] =	ssyncadd.s32 @!p0 s1  }
0xc3: {  	[bflag:$0x3] =	sbarrier.arrive $0xFFFF  }
0xc4: {  	_ =	shalt  }

// kernel: kernel.15.cloned.1.call-start
scs
__scs_entry_jumppad:
0x0: {  	(pc) =	sbr.rel $0x88, $3  }
0x1: {  	(tag) =	ssettag $0x0;
	lr =	simm.s32 $0x1  }
0x2: {  	[smem:$0x3F8E] =	sst lr;
	_ =	strace $0xD0000000  }
0x3: {  	_ = 	snop  }
0x4: {  	_ = 	snop  }
0x5: {  	_ = 	snop  }
0x6: {  	_ = 	snop  }
0x7: {  	_ = 	snop  }
__scs_overlays_trampoline_lowered:
0x8: {  	[smem:$0x3F9D] =	sst s0  }
0x9: {  	[smem:$0x3F9E] =	sst s1  }
0xa: {  	[smem:$0x3F9F] =	sst s2  }
0xb: {  	[smem:$0x3FA0] =	sst s3  }
0xc: {  	[smem:$0x3FA1] =	sst s4  }
0xd: {  	[smem:$0x3FA2] =	sst s5  }
0xe: {  	[smem:$0x3FA3] =	sst s6  }
0xf: {  	[smem:$0x3FA4] =	sst s7  }
0x10: {  	[smem:$0x3FA5] =	sst s8  }
0x11: {  	[smem:$0x3FA6] =	sst s9;
	s0 =	simm.s32 @!p0 $0x0  }
0x12: {  	s1 =	sld [smem:$0x3F8C];
	s0 =	simm.s32 @p0 $0x1  }
0x13: {  	[smem:$0x3FA7] =	sst s0;
	s0 =	simm.s32 @!p1 $0x0  }
0x14: {  	s2 =	sld [smem:$0x3F8B];
	s0 =	simm.s32 @p1 $0x1  }
0x15: {  	[smem:$0x3FA8] =	sst s0;
	s0 =	simm.s32 @!p2 $0x0  }
0x16: {  	s3 =	sld [smem:$0x3FDB];
	s0 =	simm.s32 @p2 $0x1  }
0x17: {  	s4 =	simm.s32 $0x1BF5;
	[smem:$0x3FAA] =	sst s0  }
0x18: {  	s0 =	sld [smem:$0x3F8D];
	_ =	swait.ge [sflag:s4], $0x0  }
0x19: {  	s7 =	sld [smem:$0x3F8E]  }
0x1a: {  	s8 =	sadd.s32 $0xFFFFE003, lr  }
0x1b: {  	s9 =	sadd.s32 $0xFFFFFEF7, lr;
	s5 =	simm.s32 $0xFFFFFFFF;
	p2 =	slt.u32 s8, $0xFFFFF086  }
0x1c: {  	p1 =	slt.u32 s9, $0xF7A;
	s5 =	simm.s32 @!p2 $0x0  }
0x1d: {  	s5 =	simm.s32 @p1 $0x1;
	p0 =	seq.s32 s7, s2  }
0x1e: {  	s7 =	smul.u32 @!p0 $0xF7A, s2;
	p2 =	seq.s32 @!p0 s5, $0x0  }
0x1f: {  	s9 =	smul.u32 $0xF7A, s1;
	s8 =	simm.s32 @!p0 $0x1BF5;
	p2 =	por !p2, p0  }
0x20: {  	[sflag:s8] =	ssyncset.s32 @!p0 $0xFFFFF086;
	s6 =	sadd.s32 @!p0 s3, s7;
	s7 =	simm.s32 @!p0 $0x108  }
0x21: {  	s3 =	sadd.s32 s3, s9;
	s6 =	sadd.s32 @!p0 $0x88, s6;
	s7 =	simm.s32 @p2 $0x1082  }
0x22: {  	[simem:s7], [sflag:s8] =	dma.local @!p0 [hbm:s6], $0xF7A  }
0x23: {  	s9 =	sor.u32 $0xD0000000, s2;
	s6 =	simm.s32 $0x108;
	_ =	swait.ge @!p0 [sflag:s8], $0x0  }
0x24: {  	s3 =	sadd.s32 $0x88, s3;
	s6 =	simm.s32 @!p1 $0x1082;
	[sflag:s4] =	ssyncset.s32 $0xFFFFF086  }
0x25: {  	[simem:s6], [sflag:s4] =	dma.local [hbm:s3], $0xF7A  }
0x26: {  	[smem:$0x3F8E] =	sst s1;
	(tag) =	ssettag s2;
	_ =	strace s9  }
0x27: {  	s1 =	sld [smem:$0x3F9E]  }
0x28: {  	s2 =	sld [smem:$0x3F9F]  }
0x29: {  	s4 =	sld [smem:$0x3FA1]  }
0x2a: {  	p0 =	seq.s32 s5, $0x0;
	s5 =	sld [smem:$0x3FA2]  }
0x2b: {  	s6 =	sld [smem:$0x3FA3]  }
0x2c: {  	s7 =	sld [smem:$0x3FA4]  }
0x2d: {  	s3 =	simm.s32 $0x108;
	s8 =	sld [smem:$0x3FA5]  }
0x2e: {  	s3 =	simm.s32 @!p0 $0x1082;
	s9 =	sld [smem:$0x3FA6]  }
0x2f: {  	lr =	sadd.s32 s0, s3;
	s0 =	sld [smem:$0x3F9D]  }
0x30: {  	s3 =	sld [smem:$0x3FA0]  }
0x31: {  	[smem:$0x3FA9] =	sst s10  }
0x32: {  	s10 =	sld [smem:$0x3FA7];
	_ =	sdelay $0x3  }
0x33: {  	p0 =	seq.s32 s10, $0x1;
	s10 =	sld [smem:$0x3FA9];
	_ =	sdelay $0x3  }
0x34: {  	[smem:$0x3FA9] =	sst s10  }
0x35: {  	s10 =	sld [smem:$0x3FA8];
	_ =	sdelay $0x3  }
0x36: {  	p1 =	seq.s32 s10, $0x1;
	s10 =	sld [smem:$0x3FA9];
	_ =	sdelay $0x3  }
0x37: {  	[smem:$0x3FA9] =	sst s10  }
0x38: {  	s10 =	sld [smem:$0x3FAA]  }
0x39: {  	_ = 	snop;
	(pc) =	sbr.ind lr, $3  }
0x3a: {  	_ = 	snop  }
0x3b: {  	_ = 	snop  }
0x3c: {  	p2 =	seq.s32 s10, $0x1;
	s10 =	sld [smem:$0x3FA9]  }
0x3d: {  	_ =	shalt  }
0x3e: {  	_ =	shalt  }
0x3f: {  	_ =	shalt  }
0x40: {  	_ =	shalt  }
0x41: {  	_ =	shalt  }
0x42: {  	_ =	shalt  }
0x43: {  	_ =	shalt  }
0x44: {  	_ =	shalt  }
0x45: {  	_ =	shalt  }
0x46: {  	_ =	shalt  }
0x47: {  	_ =	shalt  }
0x48: {  	_ =	shalt  }
0x49: {  	_ =	shalt  }
0x4a: {  	_ =	shalt  }
0x4b: {  	_ =	shalt  }
0x4c: {  	_ =	shalt  }
0x4d: {  	_ =	shalt  }
0x4e: {  	_ =	shalt  }
0x4f: {  	_ =	shalt  }
0x50: {  	_ =	shalt  }
0x51: {  	_ =	shalt  }
0x52: {  	_ =	shalt  }
0x53: {  	_ =	shalt  }
0x54: {  	_ =	shalt  }
0x55: {  	_ =	shalt  }
0x56: {  	_ =	shalt  }
0x57: {  	_ =	shalt  }
0x58: {  	_ =	shalt  }
0x59: {  	_ =	shalt  }
0x5a: {  	_ =	shalt  }
0x5b: {  	_ =	shalt  }
0x5c: {  	_ =	shalt  }
0x5d: {  	_ =	shalt  }
0x5e: {  	_ =	shalt  }
0x5f: {  	_ =	shalt  }
0x60: {  	_ =	shalt  }
0x61: {  	_ =	shalt  }
0x62: {  	_ =	shalt  }
0x63: {  	_ =	shalt  }
0x64: {  	_ =	shalt  }
0x65: {  	_ =	shalt  }
0x66: {  	_ =	shalt  }
0x67: {  	_ =	shalt  }
0x68: {  	_ =	shalt  }
0x69: {  	_ =	shalt  }
0x6a: {  	_ =	shalt  }
0x6b: {  	_ =	shalt  }
0x6c: {  	_ =	shalt  }
0x6d: {  	_ =	shalt  }
0x6e: {  	_ =	shalt  }
0x6f: {  	_ =	shalt  }
0x70: {  	_ =	shalt  }
0x71: {  	_ =	shalt  }
0x72: {  	_ =	shalt  }
0x73: {  	_ =	shalt  }
0x74: {  	_ =	shalt  }
0x75: {  	_ =	shalt  }
0x76: {  	_ =	shalt  }
0x77: {  	_ =	shalt  }
0x78: {  	_ =	shalt  }
0x79: {  	_ =	shalt  }
0x7a: {  	_ =	shalt  }
0x7b: {  	_ =	shalt  }
0x7c: {  	_ =	shalt  }
0x7d: {  	_ =	shalt  }
0x7e: {  	_ =	shalt  }
0x7f: {  	_ =	shalt  }
0x80: {  	_ =	shalt  }
0x81: {  	_ =	shalt  }
0x82: {  	_ =	shalt  }
0x83: {  	_ =	shalt  }
0x84: {  	_ =	shalt  }
0x85: {  	_ =	shalt  }
0x86: {  	_ =	shalt  }
0x87: {  	_ =	shalt  }
.Lfunc_end0:
.L_simem_size_0:
called_computation.2_lowered:
.L_overlay_start_0:
0x88: {  	s2 =	sld [smem:$0x3FD9]  }
0x89: {  	s3 =	sld [smem:$0x3FFE];
	_ =	sdelay $0x1  }
0x8a: {  	s1 =	srdreg.scid  }
0x8b: {  	s0 =	sand.u32 $0x1, s1  }
0x8c: {  	s17 =	sshll.u32 s0, $0xA;
	s2 =	sadd.s32 s3, s2  }
0x8d: {  	s2 =	sadd.s32 s2, s17  }
0x8e: {  	[smem:$0x3FB5] =	sst s2  }
0x8f: {  	_ = 	snop  }
0x90: {  	s2 =	sld [smem:$0x3FD0];
	(tm) =	ssettm $0x1  }
0x91: {  	s18 =	sld [smem:$0x3FFB];
	_ =	sdelay $0x3  }
0x92: {  	_ =	strace s18  }
0x93: {  	s3 =	sld [smem:$0x3FFC];
	_ =	sdelay $0x3  }
0x94: {  	_ =	strace s3  }
0x95: {  	s3 =	sld [smem:$0x3FFD];
	_ =	sdelay $0x3  }
0x96: {  	_ =	strace s3  }
0x97: {  	_ =	strace $0x8FFFFFFF  }
0x98: {  	s19 =	sld [smem:$0x3FDB];
	_ =	sdelay $0x1  }
0x99: {  	s4 =	simm.s32 $_scs_section_size  }
0x9a: {  	s5 =	simm.s32 $_size__tile_overlayer_lowered;
	s6 =	simm.s32 $_tile_overlayer_lowered  }
0x9b: {  	s22 =	simm.s32 $0x1BFF;
	s21 =	sshll.u32 s6, $0x1;
	s3 =	sadd.s32 s4, s19  }
0x9c: {  	s7 =	simm.s32 $0x0;
	s20 =	sshll.u32 s5, $0x1;
	s5 =	sadd.s32 s21, s3  }
0x9d: {  	[timem:s7], [sflag:s22] =	dma.local [hbm:s5], s20  }
0x9e: {  	_ =	swait.ge [sflag:s22], s20  }
0x9f: {  	s4 =	ssub.s32 $0x0, s20;
	[sflag:s22] =	ssyncset.done $0x0  }
0xa0: {  	[sflag:s22] =	ssyncadd.s32 s4;
	_ =	sdelay $0x1  }
0xa1: {  	s23 =	simm.s32 $0x1B8B  }
0xa2: {  	_ =	swait.ge [sflag:s23], $0x1  }
0xa3: {  	[sflag:s23] =	ssyncset.done $0x0  }
0xa4: {  	s25 =	simm.s32 $0x1B8E;
	s24 =	sld [smem:$0x3FFE];
	[sflag:s23] =	ssyncadd.s32 $0xFFFFFFFF  }
0xa5: {  	s26 =	simm.s32 $execute0_lowered;
	[smem:$0x3FD2] =	sst s25  }
0xa6: {  	s5 =	sshll.u32 s26, $0x1;
	_ =	strace $0x80000052;
	[dreg:$0x1] =	wrdreg $0xFFFFFFFF  }
0xa7: {  	s28 =	simm.s32 $_size_execute0_lowered;
	s3 =	sadd.s32 s3, s5;
	[dreg:$0x0] =	wrdreg $0x0  }
0xa8: {  	s5 =	sshll.u32 s28, $0x1;
	[dreg:$0x2] =	wrdreg s3  }
0xa9: {  	[dreg:$0x3] =	wrdreg s5  }
0xaa: {  	[dreg:$0x4] =	wrdreg $0xC0  }
0xab: {  	_ =	task [dreg:s7], $0x5FFFF  }
0xac: {  	[dreg:$0x1] =	wrdreg $0xFFFFFFFF  }
0xad: {  	[dreg:$0x0] =	wrdreg $0x60  }
0xae: {  	[dreg:$0x2] =	wrdreg s24  }
0xaf: {  	[dreg:$0x3] =	wrdreg s2  }
0xb0: {  	[dreg:$0x4] =	wrdreg $0x0  }
0xb1: {  	[dreg:$0x5] =	wrdreg $0x9  }
0xb2: {  	_ =	task.clear_ibuf [dreg:s7], $0x6FFFF;
	_ =	strace $0x90000052  }
0xb3: {  	s29 =	simm.s32 $0x9;
	_ =	strace $0x80000057  }
0xb4: {  	_ =	swait.ge [sflag:s29], $0x1  }
0xb5: {  	[sflag:s29] =	ssyncadd.s32 $0xFFFFFFFF  }
0xb6: {  	_ =	strace $0x90000057  }
0xb7: {  	_ =	sfence  }
0xb8: {  	s30 =	sld [smem:$0x0];
	_ =	sdelay $0x2  }
0xb9: {  	s31 =	sshll.u32 s1, $0xD;
	s1 =	sshrl.u32 s1, $0x2  }
0xba: {  	s3 =	sand.u32 $0x4000, s31;
	s1 =	sadd.s32 s1, s30  }
0xbb: {  	s0 =	sor.u32 s3, s0;
	s1 =	sshll.u32 s1, $0x11  }
0xbc: {  	s0 =	sor.u32 s1, s0  }
0xbd: {  	s0 =	sadd.s32 $0x8F2B, s0  }
0xbe: {  	[sflag:s0] =	ssyncadd.remote.s32 $0x1  }
0xbf: {  	_ =	sfence.sel $0xFFFF  }
0xc0: {  	[dreg:$0x0] =	wrdreg $0xFFFFFFFF;
	(pc) =	sbr.abs _section_cstart, $3  }
0xc1: {  	[dreg:$0x1] =	wrdreg $0xFFFFFFFF  }
0xc2: {  	_ =	task.clear_ibuf [dreg:s7], $0x2FFFF;
	_ =	strace $0x9FFFFFFF  }
0xc3: {  	(tm) =	ssettm $0x7FFFFFFF  }
tec
execute0_lowered:
.L_overlay_start_1:
0x0: {  	(tag) =	ssettag $0x1  }
0x1: {  	s0 =	rddreg [dreg:$0x0]  }
0x2: {  	s2 =	rddreg [dreg:$0x1]  }
0x3: {  	s1 =	rddreg [dreg:$0x2]  }
0x4: {  	s3 =	srdreg.scid;
	s10 =	stileid.u32;
	s28 =	simm.s32 $0x2  }
0x5: {  	s29 =	simm.s32 $0x3;
	s30 =	simm.s32 $0x14100;
	s31 =	simm.s32 $0x15480  }
0x6: {  	s5 =	sand.u32 $0x1, s3;
	s3 =	simm.s32 $0x0;
	s7 =	smul.u32 $0x14000, s10  }
0x7: {  	s4 =	sadd.s32 $0xDA00, s0;
	s19 =	smul.u32 $0x50000, s10;
	s8 =	sadd.s32 $0x3A00, s0  }
0x8: {  	s6 =	smul.u32 $0x140000, s5;
	[smem:$0x7FF] =	sst s3;
	s9 =	ssub.s32 $0x2, s5  }
0x9: {  	s21 =	sshll.u32 s5, $0x4;
	_ =	strace $0x80000053;
	s20 =	sshrl.u32 s9, $0x1  }
0xa: {  	s22 =	sor.u32 s10, s21;
	s21 =	simm.s32 $0x14000;
	s6 =	sadd.s32 s7, s6  }
0xb: {  	s7 =	sshrl.u32 s19, $0x2;
	s19 =	simm.s32 $0x16800;
	s6 =	sshrl.u32 s6, $0x3  }
0xc: {  	s5 =	sadd.s32 s7, s1;
	s7 =	smul.u32 $0x500, s22;
	s22 =	simm.s32 $0x15400  }
0xd: {  	s0 =	sadd.s32 s6, s0;
	s6 =	ssub.s32 s9, s20;
	s23 =	sadd.s32 $0x2800, s5  }
0xe: {  	s24 =	sadd.s32 $0x5000, s5;
	s25 =	sadd.s32 $0x7800, s5;
	s9 =	sadd.s32 $0xA000, s5  }
0xf: {  	s10 =	sadd.s32 $0xC800, s5;
	s11 =	sadd.s32 $0xF000, s5;
	[dreg:$0x4] =	wrdreg s23  }
0x10: {  	s12 =	sadd.s32 $0x11800, s5;
	s20 =	simm.s32 $0x5;
	[dreg:$0x5] =	wrdreg s24  }
.Ltmp0:
0x11: {  	[dreg:$0x6] =	wrdreg s25;
	s13 =	sadd.s32 $0x34C00, s0;
	(pc) =	sbr.rel .LBB2_1-.Ltmp0, $4  }
0x12: {  	s14 =	smax.u32 s6, $0x1;
	s26 =	sadd.s32 $0x280, s7;
	s15 =	sadd.s32 s2, s7  }
0x13: {  	s16 =	sadd.s32 s8, s7;
	s23 =	simm.s32 $0x7D;
	s24 =	simm.s32 $0x1  }
0x14: {  	s25 =	simm.s32 $0x14080;
	s0 =	simm.s32 $0x4;
	s17 =	sadd.s32 s2, s26  }
0x15: {  	v0 =	vimm.f32 $0.0e+00;
	s18 =	sadd.s32 s8, s26;
	s26 =	simm.s32 $0x1A800;
	s2 =	simm.s32 $0x0  }
.LBB2_9:
0x16: {  	[spmem:s1] =	stream.indirect.scatter.add.f32 [tilespmem:s26], [sflag:$0x4], $0x80, s8, s23, $0x2000b8;
	[tilespmem:$0x1E800] =	vst v63  }
0x17: {  	_ =	swait.ge [sflag:s0], $0x3E80  }
0x18: {  	[sflag:s0] =	ssyncset.done $0x0  }
0x19: {  	[sflag:s0] =	ssyncadd.s32 $0xFFFFC180  }
0x1a: {  	s6 =	stileid.u32;
	s7 =	sshrl.u32 s5, $0x3;
	_ =	strace $0x90000055  }
0x1b: {  	s2 =	sadd.s32 $0x1, s2;
	s6 =	sshll.u32 s6, $0x6;
	_ =	strace $0x80000056  }
0x1c: {  	p0 =	sne.s32 s2, s14;
	s6 =	sor.u32 $0x1C05, s6;
	[bflag:$0x0] =	sbarrier.arrive $0xFFFF  }
0x1d: {  	[hbm:s13], [sflag:s6] =	dma.local [spmem:s7], $0x2800  }
.Ltmp1:
0x1e: {  	_ = 	snop;
	(pc) =	sbr.rel @!p0 .LBB2_10-.Ltmp1, $4  }
0x1f: {  	_ =	swait.ge [sflag:s20], $0x2800  }
0x20: {  	[sflag:s20] =	ssyncset.done $0x0  }
0x21: {  	[sflag:s20] =	ssyncadd.s32 $0xFFFFD800  }
0x22: {  	_ =	strace $0x90000056  }
.LBB2_1:
0x23: {  	_ =	strace $0x80000054;
	s6 =	simm.s32 $0x0;
	s7 =	simm.s32 $0x200  }
.LBB2_2:
0x24: {  	p0 =	sne.s32 s7, $0xF800;
	[tilespmem:s6+$0x16870] =	vst v0  }
0x25: {  	[tilespmem:s6+$0x16800] =	vst v0  }
0x26: {  	[tilespmem:s6+$0x16810] =	vst v0  }
.Ltmp2:
0x27: {  	[tilespmem:s6+$0x16820] =	vst v0;
	(pc) =	sbr.rel @p0 .LBB2_2-.Ltmp2, $4  }
0x28: {  	[tilespmem:s6+$0x16830] =	vst v0  }
0x29: {  	[tilespmem:s6+$0x16840] =	vst v0  }
0x2a: {  	[tilespmem:s6+$0x16850] =	vst v0  }
0x2b: {  	[tilespmem:s6+$0x16860] =	vst v0;
	s6 =	sshra.s32 s7, $0x2;
	s7 =	sadd.s32 $0x200, s7  }
0x2c: {  	[tilespmem:s6+$0x16870] =	vst v0  }
0x2d: {  	[tilespmem:s6+$0x16800] =	vst v0  }
0x2e: {  	[tilespmem:s6+$0x16810] =	vst v0  }
0x2f: {  	[tilespmem:s6+$0x16820] =	vst v0  }
0x30: {  	[tilespmem:s6+$0x16830] =	vst v0  }
0x31: {  	[tilespmem:s6+$0x16840] =	vst v0  }
0x32: {  	[tilespmem:s6+$0x16850] =	vst v0  }
0x33: {  	[tilespmem:s6+$0x16860] =	vst v0  }
0x34: {  	[spmem:s5] =	stream.linear.scatter [tilespmem:s19], [sflag:$0x5], $0x2800, $0x200038;
	[tilespmem:$0x1E800] =	vst v63  }
0x35: {  	_ =	swait.ge [sflag:s20], $0x2800  }
0x36: {  	[sflag:s20] =	ssyncset.done $0x0  }
0x37: {  	s8 =	rddreg [dreg:$0x4];
	[sflag:s20] =	ssyncadd.s32 $0xFFFFD800  }
0x38: {  	[spmem:s8] =	stream.linear.scatter [tilespmem:s19], [sflag:$0x5], $0x2800, $0x200038;
	[tilespmem:$0x1E800] =	vst v63  }
0x39: {  	_ =	swait.ge [sflag:s20], $0x2800  }
0x3a: {  	[sflag:s20] =	ssyncset.done $0x0  }
0x3b: {  	s7 =	rddreg [dreg:$0x5];
	[sflag:s20] =	ssyncadd.s32 $0xFFFFD800  }
0x3c: {  	[spmem:s7] =	stream.linear.scatter [tilespmem:s19], [sflag:$0x5], $0x2800, $0x200038;
	[tilespmem:$0x1E800] =	vst v63  }
0x3d: {  	_ =	swait.ge [sflag:s20], $0x2800  }
0x3e: {  	[sflag:s20] =	ssyncset.done $0x0  }
0x3f: {  	s8 =	rddreg [dreg:$0x6];
	[sflag:s20] =	ssyncadd.s32 $0xFFFFD800  }
0x40: {  	[spmem:s8] =	stream.linear.scatter [tilespmem:s19], [sflag:$0x5], $0x2800, $0x200038;
	[tilespmem:$0x1E800] =	vst v63  }
0x41: {  	_ =	swait.ge [sflag:s20], $0x2800  }
0x42: {  	[sflag:s20] =	ssyncset.done $0x0  }
0x43: {  	[sflag:s20] =	ssyncadd.s32 $0xFFFFD800  }
0x44: {  	[spmem:s9] =	stream.linear.scatter [tilespmem:s19], [sflag:$0x5], $0x2800, $0x200038;
	[tilespmem:$0x1E800] =	vst v63  }
0x45: {  	_ =	swait.ge [sflag:s20], $0x2800  }
0x46: {  	[sflag:s20] =	ssyncset.done $0x0  }
0x47: {  	[sflag:s20] =	ssyncadd.s32 $0xFFFFD800  }
0x48: {  	[spmem:s10] =	stream.linear.scatter [tilespmem:s19], [sflag:$0x5], $0x2800, $0x200038;
	[tilespmem:$0x1E800] =	vst v63  }
0x49: {  	_ =	swait.ge [sflag:s20], $0x2800  }
0x4a: {  	[sflag:s20] =	ssyncset.done $0x0  }
0x4b: {  	[sflag:s20] =	ssyncadd.s32 $0xFFFFD800  }
0x4c: {  	[spmem:s11] =	stream.linear.scatter [tilespmem:s19], [sflag:$0x5], $0x2800, $0x200038;
	[tilespmem:$0x1E800] =	vst v63  }
0x4d: {  	_ =	swait.ge [sflag:s20], $0x2800  }
0x4e: {  	[sflag:s20] =	ssyncset.done $0x0  }
0x4f: {  	[sflag:s20] =	ssyncadd.s32 $0xFFFFD800  }
0x50: {  	[spmem:s12] =	stream.linear.scatter [tilespmem:s19], [sflag:$0x5], $0x2800, $0x200038;
	[tilespmem:$0x1E800] =	vst v63  }
0x51: {  	_ =	swait.ge [sflag:s20], $0x2800  }
0x52: {  	[sflag:s20] =	ssyncset.done $0x0  }
0x53: {  	[sflag:s20] =	ssyncadd.s32 $0xFFFFD800  }
0x54: {  	_ =	strace $0x90000054  }
0x55: {  	[bflag:$0x0] =	sbarrier.arrive $0xFFFF  }
0x56: {  	_ =	strace $0x80000055  }
0x57: {  	[tilespmem:s21], [sflag:$0x5] =	stream.linear.gather [hbm4b:s15+s3], $0x1400, $0x200038;
	[tilespmem:$0x1E800] =	vst v63  }
0x58: {  	_ =	swait.ge [sflag:s20], $0x1400  }
0x59: {  	[sflag:s20] =	ssyncset.done $0x0  }
0x5a: {  	[sflag:s20] =	ssyncadd.s32 $0xFFFFEC00  }
0x5b: {  	[tilespmem:s22], [sflag:$0x5] =	stream.linear.gather [hbm4b:s16+s3], $0x1400, $0x200038;
	[tilespmem:$0x1E800] =	vst v63  }
0x5c: {  	_ =	swait.ge [sflag:s20], $0x1400  }
0x5d: {  	[sflag:s20] =	ssyncset.done $0x0  }
0x5e: {  	[sflag:s20] =	ssyncadd.s32 $0xFFFFEC00  }
0x5f: {  	[tilespmem:s19], [sflag:$0x1] =	stream.indirect.gather [hbm4b:s4+s23], $0x80, s21, s23, $0x2000b8;
	[tilespmem:$0x1E800] =	vst v63  }
0x60: {  	_ =	swait.ge [sflag:s24], $0x3E80  }
0x61: {  	[sflag:s24] =	ssyncset.done $0x0  }
0x62: {  	[sflag:s24] =	ssyncadd.s32 $0xFFFFC180  }
0x63: {  	[tilespmem:s26], [sflag:$0x2] =	stream.indirect.gather [hbm4b:s4+s23], $0x80, s25, s23, $0x2000b8;
	[tilespmem:$0x1E800] =	vst v63  }
0x64: {  	_ = 	snop  }
0x65: {  	[spmem:s1] =	stream.indirect.scatter.add.f32 [tilespmem:s19], [sflag:$0x3], $0x80, s22, s23, $0x2000b8;
	[tilespmem:$0x1E800] =	vst v63  }
0x66: {  	_ =	swait.ge [sflag:s28], $0x3E80  }
0x67: {  	[sflag:s28] =	ssyncset.done $0x0  }
0x68: {  	[sflag:s28] =	ssyncadd.s32 $0xFFFFC180  }
0x69: {  	_ =	swait.ge [sflag:s29], $0x3E80  }
0x6a: {  	[sflag:s29] =	ssyncset.done $0x0  }
0x6b: {  	[sflag:s29] =	ssyncadd.s32 $0xFFFFC180  }
0x6c: {  	[tilespmem:s19], [sflag:$0x1] =	stream.indirect.gather [hbm4b:s4+s23], $0x80, s30, s23, $0x2000b8;
	[tilespmem:$0x1E800] =	vst v63  }
0x6d: {  	s6 =	simm.s32 $0xFFFFB800  }
0x6e: {  	[spmem:s1] =	stream.indirect.scatter.add.f32 [tilespmem:s26], [sflag:$0x4], $0x80, s31, s23, $0x2000b8;
	[tilespmem:$0x1E800] =	vst v63  }
.LBB2_4:
0x6f: {  	_ =	swait.ge [sflag:s24], $0x3E80  }
0x70: {  	[sflag:s24] =	ssyncset.done $0x0  }
0x71: {  	[sflag:s24] =	ssyncadd.s32 $0xFFFFC180  }
0x72: {  	_ =	swait.ge [sflag:s0], $0x3E80  }
0x73: {  	s7 =	sshra.s32 s6, $0x2;
	[sflag:s0] =	ssyncset.done $0x0  }
0x74: {  	s8 =	sadd.s32 $0x15380, s7;
	[sflag:s0] =	ssyncadd.s32 $0xFFFFC180  }
0x75: {  	[tilespmem:s26], [sflag:$0x2] =	stream.indirect.gather [hbm4b:s4+s23], $0x80, s8, s23, $0x2000b8;
	[tilespmem:$0x1E800] =	vst v63  }
0x76: {  	s8 =	sadd.s32 $0x16700, s7  }
0x77: {  	[spmem:s1] =	stream.indirect.scatter.add.f32 [tilespmem:s19], [sflag:$0x3], $0x80, s8, s23, $0x2000b8;
	[tilespmem:$0x1E800] =	vst v63  }
0x78: {  	p0 =	seq.s32 s6, $0x0;
	_ =	swait.ge [sflag:s28], $0x3E80  }
.Ltmp3:
0x79: {  	[sflag:s28] =	ssyncset.done $0x0;
	(pc) =	sbr.rel @p0 .LBB2_6-.Ltmp3, $4  }
0x7a: {  	[sflag:s28] =	ssyncadd.s32 $0xFFFFC180  }
0x7b: {  	_ =	swait.ge [sflag:s29], $0x3E80  }
0x7c: {  	[sflag:s29] =	ssyncset.done $0x0  }
0x7d: {  	s8 =	sadd.s32 $0x16780, s7;
	[sflag:s29] =	ssyncadd.s32 $0xFFFFC180  }
.Ltmp4:
0x7e: {  	(pc) =	sbr.rel .LBB2_4-.Ltmp4, $4  }
0x7f: {  	s7 =	sadd.s32 $0x15400, s7  }
0x80: {  	[tilespmem:s19], [sflag:$0x1] =	stream.indirect.gather [hbm4b:s4+s23], $0x80, s7, s23, $0x2000b8;
	[tilespmem:$0x1E800] =	vst v63  }
0x81: {  	s6 =	sadd.s32 $0x400, s6  }
0x82: {  	[spmem:s1] =	stream.indirect.scatter.add.f32 [tilespmem:s26], [sflag:$0x4], $0x80, s8, s23, $0x2000b8;
	[tilespmem:$0x1E800] =	vst v63  }
.LBB2_6:
0x83: {  	[spmem:s1] =	stream.indirect.scatter.add.f32 [tilespmem:s26], [sflag:$0x4], $0x80, s8, s23, $0x2000b8;
	[tilespmem:$0x1E800] =	vst v63  }
0x84: {  	_ =	swait.ge [sflag:s0], $0x3E80  }
0x85: {  	[sflag:s0] =	ssyncset.done $0x0  }
0x86: {  	[sflag:s0] =	ssyncadd.s32 $0xFFFFC180  }
0x87: {  	[tilespmem:s21], [sflag:$0x5] =	stream.linear.gather [hbm4b:s17+s3], $0x1400, $0x200038;
	[tilespmem:$0x1E800] =	vst v63  }
0x88: {  	_ =	swait.ge [sflag:s20], $0x1400  }
0x89: {  	[sflag:s20] =	ssyncset.done $0x0  }
0x8a: {  	[sflag:s20] =	ssyncadd.s32 $0xFFFFEC00  }
0x8b: {  	[tilespmem:s22], [sflag:$0x5] =	stream.linear.gather [hbm4b:s18+s3], $0x1400, $0x200038;
	[tilespmem:$0x1E800] =	vst v63  }
0x8c: {  	_ =	swait.ge [sflag:s20], $0x1400  }
0x8d: {  	[sflag:s20] =	ssyncset.done $0x0  }
0x8e: {  	[sflag:s20] =	ssyncadd.s32 $0xFFFFEC00  }
0x8f: {  	[tilespmem:s19], [sflag:$0x1] =	stream.indirect.gather [hbm4b:s4+s23], $0x80, s21, s23, $0x2000b8;
	[tilespmem:$0x1E800] =	vst v63  }
0x90: {  	_ =	swait.ge [sflag:s24], $0x3E80  }
0x91: {  	[sflag:s24] =	ssyncset.done $0x0  }
0x92: {  	[sflag:s24] =	ssyncadd.s32 $0xFFFFC180  }
0x93: {  	[tilespmem:s26], [sflag:$0x2] =	stream.indirect.gather [hbm4b:s4+s23], $0x80, s25, s23, $0x2000b8;
	[tilespmem:$0x1E800] =	vst v63  }
0x94: {  	_ = 	snop  }
0x95: {  	[spmem:s1] =	stream.indirect.scatter.add.f32 [tilespmem:s19], [sflag:$0x3], $0x80, s22, s23, $0x2000b8;
	[tilespmem:$0x1E800] =	vst v63  }
0x96: {  	_ =	swait.ge [sflag:s28], $0x3E80  }
0x97: {  	[sflag:s28] =	ssyncset.done $0x0  }
0x98: {  	[sflag:s28] =	ssyncadd.s32 $0xFFFFC180  }
0x99: {  	_ =	swait.ge [sflag:s29], $0x3E80  }
0x9a: {  	[sflag:s29] =	ssyncset.done $0x0  }
0x9b: {  	[sflag:s29] =	ssyncadd.s32 $0xFFFFC180  }
0x9c: {  	[tilespmem:s19], [sflag:$0x1] =	stream.indirect.gather [hbm4b:s4+s23], $0x80, s30, s23, $0x2000b8;
	[tilespmem:$0x1E800] =	vst v63  }
0x9d: {  	s6 =	simm.s32 $0xFFFFB800  }
0x9e: {  	[spmem:s1] =	stream.indirect.scatter.add.f32 [tilespmem:s26], [sflag:$0x4], $0x80, s31, s23, $0x2000b8;
	[tilespmem:$0x1E800] =	vst v63  }
.LBB2_7:
0x9f: {  	_ =	swait.ge [sflag:s24], $0x3E80  }
0xa0: {  	[sflag:s24] =	ssyncset.done $0x0  }
0xa1: {  	[sflag:s24] =	ssyncadd.s32 $0xFFFFC180  }
0xa2: {  	_ =	swait.ge [sflag:s0], $0x3E80  }
0xa3: {  	s7 =	sshra.s32 s6, $0x2;
	[sflag:s0] =	ssyncset.done $0x0  }
0xa4: {  	s8 =	sadd.s32 $0x15380, s7;
	[sflag:s0] =	ssyncadd.s32 $0xFFFFC180  }
0xa5: {  	[tilespmem:s26], [sflag:$0x2] =	stream.indirect.gather [hbm4b:s4+s23], $0x80, s8, s23, $0x2000b8;
	[tilespmem:$0x1E800] =	vst v63  }
0xa6: {  	s8 =	sadd.s32 $0x16700, s7  }
0xa7: {  	[spmem:s1] =	stream.indirect.scatter.add.f32 [tilespmem:s19], [sflag:$0x3], $0x80, s8, s23, $0x2000b8;
	[tilespmem:$0x1E800] =	vst v63  }
0xa8: {  	p0 =	seq.s32 s6, $0x0;
	_ =	swait.ge [sflag:s28], $0x3E80  }
.Ltmp5:
0xa9: {  	[sflag:s28] =	ssyncset.done $0x0;
	(pc) =	sbr.rel @p0 .LBB2_9-.Ltmp5, $4  }
0xaa: {  	[sflag:s28] =	ssyncadd.s32 $0xFFFFC180  }
0xab: {  	_ =	swait.ge [sflag:s29], $0x3E80  }
0xac: {  	[sflag:s29] =	ssyncset.done $0x0  }
0xad: {  	s8 =	sadd.s32 $0x16780, s7;
	[sflag:s29] =	ssyncadd.s32 $0xFFFFC180  }
.Ltmp6:
0xae: {  	(pc) =	sbr.rel .LBB2_7-.Ltmp6, $4  }
0xaf: {  	s7 =	sadd.s32 $0x15400, s7  }
0xb0: {  	[tilespmem:s19], [sflag:$0x1] =	stream.indirect.gather [hbm4b:s4+s23], $0x80, s7, s23, $0x2000b8;
	[tilespmem:$0x1E800] =	vst v63  }
0xb1: {  	s6 =	sadd.s32 $0x400, s6  }
0xb2: {  	[spmem:s1] =	stream.indirect.scatter.add.f32 [tilespmem:s26], [sflag:$0x4], $0x80, s8, s23, $0x2000b8;
	[tilespmem:$0x1E800] =	vst v63  }
.LBB2_10:
0xb3: {  	_ =	sfence.sel $0x180000  }
0xb4: {  	[bflag:$0x0] =	sbarrier.arrive $0xFFFF  }
0xb5: {  	_ =	strace $0x90000053  }
0xb6: {  	s0 =	stileid.u32;
	[bflag:$0x2] =	sbarrier.arrive $0xFFFF  }
0xb7: {  	p0 =	sne.s32 s0, $0x0;
	s0 =	rddreg [dreg:$0x3]  }
0xb8: {  	s0 =	sadd.s32 @!p0 $0x100000, s0  }
0xb9: {  	[sflag:s0] =	ssyncadd.tile.s32 @!p0 $0x1;
	_ =	shalt  }
.Lfunc_end2:
_tile_overlayer_lowered:
.L_overlay_start_2:
0xba: {  	(tag) =	ssettag $0x2  }
0xbb: {  	s0 =	rddreg [dreg:$0x0];
	s2 =	stileid.u32  }
0xbc: {  	s1 =	rddreg [dreg:$0x1];
	p0 =	sne.s32 s2, $0x0  }
0xbd: {  	s3 =	rddreg [dreg:$0x2];
	[bflag:$0x3] =	sbarrier.arrive $0xFFFF;
	s2 =	simm.s32 @!p0 $0x1C05  }
0xbe: {  	[timem:s3], [sflag:s2] =	dma.local @!p0 [hbm:s0], s1  }
0xbf: {  	s0 =	simm.s32 @!p0 $0x5  }
0xc0: {  	_ =	swait.ge @!p0 [sflag:s0], s1  }
0xc1: {  	s1 =	ssub.s32 @!p0 $0x0, s1;
	[sflag:s0] =	ssyncset.done @!p0 $0x0  }
0xc2: {  	[sflag:s0] =	ssyncadd.s32 @!p0 s1  }
0xc3: {  	[bflag:$0x3] =	sbarrier.arrive $0xFFFF  }
0xc4: {  	_ =	shalt  }

// kernel: kernel.9.cloned.1.call-start
scs
__scs_entry_jumppad:
0x0: {  	(pc) =	sbr.rel $0x88, $3  }
0x1: {  	(tag) =	ssettag $0x0;
	lr =	simm.s32 $0x1  }
0x2: {  	[smem:$0x3F8E] =	sst lr;
	_ =	strace $0xD0000000  }
0x3: {  	_ = 	snop  }
0x4: {  	_ = 	snop  }
0x5: {  	_ = 	snop  }
0x6: {  	_ = 	snop  }
0x7: {  	_ = 	snop  }
__scs_overlays_trampoline_lowered:
0x8: {  	[smem:$0x3F9D] =	sst s0  }
0x9: {  	[smem:$0x3F9E] =	sst s1  }
0xa: {  	[smem:$0x3F9F] =	sst s2  }
0xb: {  	[smem:$0x3FA0] =	sst s3  }
0xc: {  	[smem:$0x3FA1] =	sst s4  }
0xd: {  	[smem:$0x3FA2] =	sst s5  }
0xe: {  	[smem:$0x3FA3] =	sst s6  }
0xf: {  	[smem:$0x3FA4] =	sst s7  }
0x10: {  	[smem:$0x3FA5] =	sst s8  }
0x11: {  	[smem:$0x3FA6] =	sst s9;
	s0 =	simm.s32 @!p0 $0x0  }
0x12: {  	s1 =	sld [smem:$0x3F8C];
	s0 =	simm.s32 @p0 $0x1  }
0x13: {  	[smem:$0x3FA7] =	sst s0;
	s0 =	simm.s32 @!p1 $0x0  }
0x14: {  	s2 =	sld [smem:$0x3F8B];
	s0 =	simm.s32 @p1 $0x1  }
0x15: {  	[smem:$0x3FA8] =	sst s0;
	s0 =	simm.s32 @!p2 $0x0  }
0x16: {  	s3 =	sld [smem:$0x3FDB];
	s0 =	simm.s32 @p2 $0x1  }
0x17: {  	s4 =	simm.s32 $0x1BF5;
	[smem:$0x3FAA] =	sst s0  }
0x18: {  	s0 =	sld [smem:$0x3F8D];
	_ =	swait.ge [sflag:s4], $0x0  }
0x19: {  	s7 =	sld [smem:$0x3F8E]  }
0x1a: {  	s8 =	sadd.s32 $0xFFFFE003, lr  }
0x1b: {  	s9 =	sadd.s32 $0xFFFFFEF7, lr;
	s5 =	simm.s32 $0xFFFFFFFF;
	p2 =	slt.u32 s8, $0xFFFFF086  }
0x1c: {  	p1 =	slt.u32 s9, $0xF7A;
	s5 =	simm.s32 @!p2 $0x0  }
0x1d: {  	s5 =	simm.s32 @p1 $0x1;
	p0 =	seq.s32 s7, s2  }
0x1e: {  	s7 =	smul.u32 @!p0 $0xF7A, s2;
	p2 =	seq.s32 @!p0 s5, $0x0  }
0x1f: {  	s9 =	smul.u32 $0xF7A, s1;
	s8 =	simm.s32 @!p0 $0x1BF5;
	p2 =	por !p2, p0  }
0x20: {  	[sflag:s8] =	ssyncset.s32 @!p0 $0xFFFFF086;
	s6 =	sadd.s32 @!p0 s3, s7;
	s7 =	simm.s32 @!p0 $0x108  }
0x21: {  	s3 =	sadd.s32 s3, s9;
	s6 =	sadd.s32 @!p0 $0x88, s6;
	s7 =	simm.s32 @p2 $0x1082  }
0x22: {  	[simem:s7], [sflag:s8] =	dma.local @!p0 [hbm:s6], $0xF7A  }
0x23: {  	s9 =	sor.u32 $0xD0000000, s2;
	s6 =	simm.s32 $0x108;
	_ =	swait.ge @!p0 [sflag:s8], $0x0  }
0x24: {  	s3 =	sadd.s32 $0x88, s3;
	s6 =	simm.s32 @!p1 $0x1082;
	[sflag:s4] =	ssyncset.s32 $0xFFFFF086  }
0x25: {  	[simem:s6], [sflag:s4] =	dma.local [hbm:s3], $0xF7A  }
0x26: {  	[smem:$0x3F8E] =	sst s1;
	(tag) =	ssettag s2;
	_ =	strace s9  }
0x27: {  	s1 =	sld [smem:$0x3F9E]  }
0x28: {  	s2 =	sld [smem:$0x3F9F]  }
0x29: {  	s4 =	sld [smem:$0x3FA1]  }
0x2a: {  	p0 =	seq.s32 s5, $0x0;
	s5 =	sld [smem:$0x3FA2]  }
0x2b: {  	s6 =	sld [smem:$0x3FA3]  }
0x2c: {  	s7 =	sld [smem:$0x3FA4]  }
0x2d: {  	s3 =	simm.s32 $0x108;
	s8 =	sld [smem:$0x3FA5]  }
0x2e: {  	s3 =	simm.s32 @!p0 $0x1082;
	s9 =	sld [smem:$0x3FA6]  }
0x2f: {  	lr =	sadd.s32 s0, s3;
	s0 =	sld [smem:$0x3F9D]  }
0x30: {  	s3 =	sld [smem:$0x3FA0]  }
0x31: {  	[smem:$0x3FA9] =	sst s10  }
0x32: {  	s10 =	sld [smem:$0x3FA7];
	_ =	sdelay $0x3  }
0x33: {  	p0 =	seq.s32 s10, $0x1;
	s10 =	sld [smem:$0x3FA9];
	_ =	sdelay $0x3  }
0x34: {  	[smem:$0x3FA9] =	sst s10  }
0x35: {  	s10 =	sld [smem:$0x3FA8];
	_ =	sdelay $0x3  }
0x36: {  	p1 =	seq.s32 s10, $0x1;
	s10 =	sld [smem:$0x3FA9];
	_ =	sdelay $0x3  }
0x37: {  	[smem:$0x3FA9] =	sst s10  }
0x38: {  	s10 =	sld [smem:$0x3FAA]  }
0x39: {  	_ = 	snop;
	(pc) =	sbr.ind lr, $3  }
0x3a: {  	_ = 	snop  }
0x3b: {  	_ = 	snop  }
0x3c: {  	p2 =	seq.s32 s10, $0x1;
	s10 =	sld [smem:$0x3FA9]  }
0x3d: {  	_ =	shalt  }
0x3e: {  	_ =	shalt  }
0x3f: {  	_ =	shalt  }
0x40: {  	_ =	shalt  }
0x41: {  	_ =	shalt  }
0x42: {  	_ =	shalt  }
0x43: {  	_ =	shalt  }
0x44: {  	_ =	shalt  }
0x45: {  	_ =	shalt  }
0x46: {  	_ =	shalt  }
0x47: {  	_ =	shalt  }
0x48: {  	_ =	shalt  }
0x49: {  	_ =	shalt  }
0x4a: {  	_ =	shalt  }
0x4b: {  	_ =	shalt  }
0x4c: {  	_ =	shalt  }
0x4d: {  	_ =	shalt  }
0x4e: {  	_ =	shalt  }
0x4f: {  	_ =	shalt  }
0x50: {  	_ =	shalt  }
0x51: {  	_ =	shalt  }
0x52: {  	_ =	shalt  }
0x53: {  	_ =	shalt  }
0x54: {  	_ =	shalt  }
0x55: {  	_ =	shalt  }
0x56: {  	_ =	shalt  }
0x57: {  	_ =	shalt  }
0x58: {  	_ =	shalt  }
0x59: {  	_ =	shalt  }
0x5a: {  	_ =	shalt  }
0x5b: {  	_ =	shalt  }
0x5c: {  	_ =	shalt  }
0x5d: {  	_ =	shalt  }
0x5e: {  	_ =	shalt  }
0x5f: {  	_ =	shalt  }
0x60: {  	_ =	shalt  }
0x61: {  	_ =	shalt  }
0x62: {  	_ =	shalt  }
0x63: {  	_ =	shalt  }
0x64: {  	_ =	shalt  }
0x65: {  	_ =	shalt  }
0x66: {  	_ =	shalt  }
0x67: {  	_ =	shalt  }
0x68: {  	_ =	shalt  }
0x69: {  	_ =	shalt  }
0x6a: {  	_ =	shalt  }
0x6b: {  	_ =	shalt  }
0x6c: {  	_ =	shalt  }
0x6d: {  	_ =	shalt  }
0x6e: {  	_ =	shalt  }
0x6f: {  	_ =	shalt  }
0x70: {  	_ =	shalt  }
0x71: {  	_ =	shalt  }
0x72: {  	_ =	shalt  }
0x73: {  	_ =	shalt  }
0x74: {  	_ =	shalt  }
0x75: {  	_ =	shalt  }
0x76: {  	_ =	shalt  }
0x77: {  	_ =	shalt  }
0x78: {  	_ =	shalt  }
0x79: {  	_ =	shalt  }
0x7a: {  	_ =	shalt  }
0x7b: {  	_ =	shalt  }
0x7c: {  	_ =	shalt  }
0x7d: {  	_ =	shalt  }
0x7e: {  	_ =	shalt  }
0x7f: {  	_ =	shalt  }
0x80: {  	_ =	shalt  }
0x81: {  	_ =	shalt  }
0x82: {  	_ =	shalt  }
0x83: {  	_ =	shalt  }
0x84: {  	_ =	shalt  }
0x85: {  	_ =	shalt  }
0x86: {  	_ =	shalt  }
0x87: {  	_ =	shalt  }
.Lfunc_end0:
.L_simem_size_0:
called_computation_lowered:
.L_overlay_start_0:
0x88: {  	s2 =	sld [smem:$0x3FD9]  }
0x89: {  	s3 =	sld [smem:$0x3FFE];
	_ =	sdelay $0x1  }
0x8a: {  	s1 =	srdreg.scid  }
0x8b: {  	s0 =	sand.u32 $0x1, s1  }
0x8c: {  	s17 =	sshll.u32 s0, $0xA;
	s2 =	sadd.s32 s3, s2  }
0x8d: {  	s2 =	sadd.s32 s2, s17  }
0x8e: {  	[smem:$0x3FB5] =	sst s2  }
0x8f: {  	_ = 	snop  }
0x90: {  	s2 =	sld [smem:$0x3FD0];
	(tm) =	ssettm $0x1  }
0x91: {  	s18 =	sld [smem:$0x3FFB];
	_ =	sdelay $0x3  }
0x92: {  	_ =	strace s18  }
0x93: {  	s3 =	sld [smem:$0x3FFC];
	_ =	sdelay $0x3  }
0x94: {  	_ =	strace s3  }
0x95: {  	s3 =	sld [smem:$0x3FFD];
	_ =	sdelay $0x3  }
0x96: {  	_ =	strace s3  }
0x97: {  	_ =	strace $0x8FFFFFFF  }
0x98: {  	s19 =	sld [smem:$0x3FDB];
	_ =	sdelay $0x1  }
0x99: {  	s4 =	simm.s32 $_scs_section_size  }
0x9a: {  	s5 =	simm.s32 $_size__tile_overlayer_lowered;
	s6 =	simm.s32 $_tile_overlayer_lowered  }
0x9b: {  	s22 =	simm.s32 $0x1BFF;
	s21 =	sshll.u32 s6, $0x1;
	s3 =	sadd.s32 s4, s19  }
0x9c: {  	s7 =	simm.s32 $0x0;
	s20 =	sshll.u32 s5, $0x1;
	s5 =	sadd.s32 s21, s3  }
0x9d: {  	[timem:s7], [sflag:s22] =	dma.local [hbm:s5], s20  }
0x9e: {  	_ =	swait.ge [sflag:s22], s20  }
0x9f: {  	s4 =	ssub.s32 $0x0, s20;
	[sflag:s22] =	ssyncset.done $0x0  }
0xa0: {  	[sflag:s22] =	ssyncadd.s32 s4;
	_ =	sdelay $0x1  }
0xa1: {  	s23 =	simm.s32 $0x1B8B  }
0xa2: {  	_ =	swait.ge [sflag:s23], $0x1  }
0xa3: {  	[sflag:s23] =	ssyncset.done $0x0  }
0xa4: {  	s25 =	simm.s32 $0x1B8E;
	s24 =	sld [smem:$0x3FFE];
	[sflag:s23] =	ssyncadd.s32 $0xFFFFFFFF  }
0xa5: {  	s26 =	simm.s32 $execute0_lowered;
	[smem:$0x3FD2] =	sst s25  }
0xa6: {  	s5 =	sshll.u32 s26, $0x1;
	_ =	strace $0x80000046;
	[dreg:$0x1] =	wrdreg $0xFFFFFFFF  }
0xa7: {  	s28 =	simm.s32 $_size_execute0_lowered;
	s3 =	sadd.s32 s3, s5;
	[dreg:$0x0] =	wrdreg $0x0  }
0xa8: {  	s5 =	sshll.u32 s28, $0x1;
	[dreg:$0x2] =	wrdreg s3  }
0xa9: {  	[dreg:$0x3] =	wrdreg s5  }
0xaa: {  	[dreg:$0x4] =	wrdreg $0xC0  }
0xab: {  	_ =	task [dreg:s7], $0x5FFFF  }
0xac: {  	[dreg:$0x1] =	wrdreg $0xFFFFFFFF  }
0xad: {  	[dreg:$0x0] =	wrdreg $0x60  }
0xae: {  	[dreg:$0x2] =	wrdreg s24  }
0xaf: {  	[dreg:$0x3] =	wrdreg s2  }
0xb0: {  	[dreg:$0x4] =	wrdreg $0x0  }
0xb1: {  	[dreg:$0x5] =	wrdreg $0x1E8000  }
0xb2: {  	[dreg:$0x6] =	wrdreg $0x9  }
0xb3: {  	_ =	task.clear_ibuf [dreg:s7], $0x7FFFF;
	_ =	strace $0x90000046  }
0xb4: {  	s29 =	simm.s32 $0x9;
	_ =	strace $0x8000004B  }
0xb5: {  	_ =	swait.ge [sflag:s29], $0x1  }
0xb6: {  	[sflag:s29] =	ssyncadd.s32 $0xFFFFFFFF  }
0xb7: {  	_ =	strace $0x9000004B  }
0xb8: {  	_ =	sfence  }
0xb9: {  	s30 =	sld [smem:$0x0];
	_ =	sdelay $0x2  }
0xba: {  	s31 =	sshll.u32 s1, $0xD;
	s1 =	sshrl.u32 s1, $0x2  }
0xbb: {  	s3 =	sand.u32 $0x4000, s31;
	s1 =	sadd.s32 s1, s30  }
0xbc: {  	s0 =	sor.u32 s3, s0;
	s1 =	sshll.u32 s1, $0x11  }
0xbd: {  	s0 =	sor.u32 s1, s0  }
0xbe: {  	s0 =	sadd.s32 $0x8F2B, s0  }
0xbf: {  	[sflag:s0] =	ssyncadd.remote.s32 $0x1  }
0xc0: {  	_ =	sfence.sel $0xFFFF  }
0xc1: {  	[dreg:$0x0] =	wrdreg $0xFFFFFFFF;
	(pc) =	sbr.abs _section_cstart, $3  }
0xc2: {  	[dreg:$0x1] =	wrdreg $0xFFFFFFFF  }
0xc3: {  	_ =	task.clear_ibuf [dreg:s7], $0x2FFFF;
	_ =	strace $0x9FFFFFFF  }
0xc4: {  	(tm) =	ssettm $0x7FFFFFFF  }
0xc5: {  	_ =	shalt  }
tec
execute0_lowered:
.L_overlay_start_1:
0x0: {  	(tag) =	ssettag $0x1  }
0x1: {  	s0 =	rddreg [dreg:$0x0]  }
0x2: {  	s1 =	rddreg [dreg:$0x1]  }
0x3: {  	s2 =	rddreg [dreg:$0x2]  }
0x4: {  	s3 =	rddreg [dreg:$0x3];
	s15 =	stileid.u32  }
0x5: {  	s4 =	srdreg.scid;
	s5 =	simm.s32 $0x0;
	s8 =	smul.u32 $0x14000, s15  }
0x6: {  	s29 =	simm.s32 $0x16800;
	s30 =	simm.s32 $0x5;
	s9 =	smul.u32 $0x500, s15  }
0x7: {  	s31 =	simm.s32 $0x1EA80;
	s28 =	simm.s32 $0x20;
	s11 =	smul.u32 $0x280, s15  }
0x8: {  	s4 =	sand.u32 $0x1, s4;
	[smem:$0x7FF] =	sst s5;
	s13 =	smul.u32 $0x50000, s15  }
0x9: {  	s6 =	sadd.s32 $0xDA00, s0;
	s7 =	smul.u32 $0x140000, s4;
	_ =	strace $0x80000047  }
0xa: {  	s10 =	sshll.u32 s4, $0x7;
	s18 =	ssub.s32 $0x2, s4;
	s4 =	sshll.u32 s4, $0x4  }
0xb: {  	s9 =	sor.u32 s10, s9;
	s12 =	sshrl.u32 s18, $0x1;
	s19 =	sshrl.u32 s13, $0x2  }
0xc: {  	s10 =	sor.u32 $0x50, s11;
	s4 =	sor.u32 s15, s4;
	s13 =	sadd.s32 $0xF0, s11  }
0xd: {  	s17 =	sadd.s32 $0x140, s11;
	s24 =	sadd.s32 $0x190, s11;
	s8 =	sadd.s32 s8, s7  }
0xe: {  	s7 =	sadd.s32 $0x3A00, s0;
	s9 =	sshrl.u32 s9, $0x3;
	s20 =	sshll.u32 s10, $0x7  }
0xf: {  	s16 =	sshll.u32 s13, $0x7;
	s23 =	sshll.u32 s17, $0x7;
	s25 =	sshll.u32 s24, $0x7  }
0x10: {  	s10 =	sadd.s32 s10, s3;
	s8 =	sshrl.u32 s8, $0x3;
	s22 =	sadd.s32 s16, s2  }
0x11: {  	s16 =	sadd.s32 s25, s2;
	[dreg:$0xc] =	wrdreg s10;
	s10 =	simm.s32 $0x1  }
0x12: {  	s14 =	sadd.s32 s8, s0;
	s0 =	sadd.s32 s9, s0;
	[dreg:$0x7] =	wrdreg s22  }
0x13: {  	s9 =	ssub.s32 s18, s12;
	s8 =	sadd.s32 s19, s2;
	[dreg:$0x9] =	wrdreg s16  }
0x14: {  	s12 =	sadd.s32 s20, s2;
	s18 =	sadd.s32 $0x1E0, s11;
	[dreg:$0x16] =	wrdreg s8  }
0x15: {  	s20 =	sadd.s32 $0x230, s11;
	s22 =	sadd.s32 s24, s3;
	[dreg:$0x5] =	wrdreg s12  }
0x16: {  	s12 =	sadd.s32 $0xA0, s11;
	s19 =	sshll.u32 s18, $0x7;
	s8 =	sshll.u32 s20, $0x7  }
0x17: {  	[dreg:$0x10] =	wrdreg s22;
	s24 =	sadd.s32 s20, s3;
	s25 =	sadd.s32 $0x35600, s14  }
0x18: {  	s0 =	sadd.s32 $0x34C00, s0;
	s14 =	simm.s32 $0x3;
	s20 =	simm.s32 $0x16700  }
0x19: {  	s22 =	simm.s32 $0x0;
	s21 =	sshll.u32 s12, $0x7;
	[dreg:$0x12] =	wrdreg s24  }
0x1a: {  	s26 =	sadd.s32 s19, s2;
	s16 =	sadd.s32 s8, s2;
	[dreg:$0x13] =	wrdreg s25  }
0x1b: {  	s12 =	sadd.s32 s12, s3;
	s19 =	sadd.s32 s13, s3;
	[dreg:$0x14] =	wrdreg s0  }
0x1c: {  	s24 =	smul.u32 $0x50, s4;
	s0 =	simm.s32 $0x14000;
	[dreg:$0xa] =	wrdreg s26  }
0x1d: {  	s4 =	simm.s32 $0x15400;
	s13 =	simm.s32 $0x2;
	[dreg:$0xb] =	wrdreg s16  }
0x1e: {  	s15 =	sadd.s32 s21, s2;
	s16 =	sadd.s32 s11, s3;
	[dreg:$0xd] =	wrdreg s12  }
0x1f: {  	[dreg:$0xe] =	wrdreg s19;
	s21 =	sadd.s32 s17, s3;
	s26 =	smax.u32 s9, $0x1  }
0x20: {  	s9 =	simm.s32 $0x7D;
	s11 =	simm.s32 $0x14080;
	[dreg:$0x6] =	wrdreg s15  }
0x21: {  	s12 =	simm.s32 $0x1A800;
	s17 =	simm.s32 $0x15480;
	[dreg:$0xf] =	wrdreg s21  }
0x22: {  	s19 =	simm.s32 $0x15380;
	s15 =	sadd.s32 s23, s2;
	[dreg:$0x15] =	wrdreg s26  }
0x23: {  	s23 =	sadd.s32 s18, s3;
	s18 =	simm.s32 $0x4;
	[dreg:$0x8] =	wrdreg s15  }
0x24: {  	v0 =	vimm.f32 $0.0e+00;
	v1 =	vimm.f32 $1.000000000e+00;
	s21 =	simm.s32 $0x16780;
	[dreg:$0x11] =	wrdreg s23;
	s15 =	simm.s32 $0x14100  }
.LBB2_1:
0x25: {  	_ =	strace $0x80000048;
	s23 =	simm.s32 $0x0;
	s25 =	simm.s32 $0x200  }
.LBB2_2:
0x26: {  	p0 =	sne.s32 s25, $0xF800;
	[tilespmem:s23+$0x16870] =	vst v0  }
0x27: {  	[tilespmem:s23+$0x16800] =	vst v0  }
0x28: {  	[tilespmem:s23+$0x16810] =	vst v0  }
.Ltmp0:
0x29: {  	[tilespmem:s23+$0x16820] =	vst v0;
	(pc) =	sbr.rel @p0 .LBB2_2-.Ltmp0, $4  }
0x2a: {  	[tilespmem:s23+$0x16830] =	vst v0  }
0x2b: {  	[tilespmem:s23+$0x16840] =	vst v0  }
0x2c: {  	[tilespmem:s23+$0x16850] =	vst v0  }
0x2d: {  	[tilespmem:s23+$0x16860] =	vst v0;
	s23 =	sshra.s32 s25, $0x2;
	s25 =	sadd.s32 $0x200, s25  }
0x2e: {  	[tilespmem:s23+$0x16870] =	vst v0  }
0x2f: {  	[tilespmem:s23+$0x16800] =	vst v0  }
0x30: {  	[tilespmem:s23+$0x16810] =	vst v0  }
0x31: {  	[tilespmem:s23+$0x16820] =	vst v0  }
0x32: {  	[tilespmem:s23+$0x16830] =	vst v0  }
0x33: {  	[tilespmem:s23+$0x16840] =	vst v0  }
0x34: {  	[tilespmem:s23+$0x16850] =	vst v0  }
0x35: {  	[tilespmem:s23+$0x16860] =	vst v0;
	s8 =	rddreg [dreg:$0x16]  }
0x36: {  	[spmem:s8] =	stream.linear.scatter [tilespmem:s29], [sflag:$0x5], $0x2800, $0x200038;
	[tilespmem:$0x1EB00] =	vst v63  }
0x37: {  	_ =	swait.ge [sflag:s30], $0x2800  }
0x38: {  	[sflag:s30] =	ssyncset.done $0x0  }
0x39: {  	s25 =	rddreg [dreg:$0x5];
	[sflag:s30] =	ssyncadd.s32 $0xFFFFD800  }
0x3a: {  	[spmem:s25] =	stream.linear.scatter [tilespmem:s29], [sflag:$0x5], $0x2800, $0x200038;
	[tilespmem:$0x1EB00] =	vst v63  }
0x3b: {  	_ =	swait.ge [sflag:s30], $0x2800  }
0x3c: {  	[sflag:s30] =	ssyncset.done $0x0  }
0x3d: {  	s26 =	rddreg [dreg:$0x6];
	[sflag:s30] =	ssyncadd.s32 $0xFFFFD800  }
0x3e: {  	[spmem:s26] =	stream.linear.scatter [tilespmem:s29], [sflag:$0x5], $0x2800, $0x200038;
	[tilespmem:$0x1EB00] =	vst v63  }
0x3f: {  	_ =	swait.ge [sflag:s30], $0x2800  }
0x40: {  	[sflag:s30] =	ssyncset.done $0x0  }
0x41: {  	s8 =	rddreg [dreg:$0x7];
	[sflag:s30] =	ssyncadd.s32 $0xFFFFD800  }
0x42: {  	[spmem:s8] =	stream.linear.scatter [tilespmem:s29], [sflag:$0x5], $0x2800, $0x200038;
	[tilespmem:$0x1EB00] =	vst v63  }
0x43: {  	_ =	swait.ge [sflag:s30], $0x2800  }
0x44: {  	[sflag:s30] =	ssyncset.done $0x0  }
0x45: {  	s25 =	rddreg [dreg:$0x8];
	[sflag:s30] =	ssyncadd.s32 $0xFFFFD800  }
0x46: {  	[spmem:s25] =	stream.linear.scatter [tilespmem:s29], [sflag:$0x5], $0x2800, $0x200038;
	[tilespmem:$0x1EB00] =	vst v63  }
0x47: {  	_ =	swait.ge [sflag:s30], $0x2800  }
0x48: {  	[sflag:s30] =	ssyncset.done $0x0  }
0x49: {  	s26 =	rddreg [dreg:$0x9];
	[sflag:s30] =	ssyncadd.s32 $0xFFFFD800  }
0x4a: {  	[spmem:s26] =	stream.linear.scatter [tilespmem:s29], [sflag:$0x5], $0x2800, $0x200038;
	[tilespmem:$0x1EB00] =	vst v63  }
0x4b: {  	_ =	swait.ge [sflag:s30], $0x2800  }
0x4c: {  	[sflag:s30] =	ssyncset.done $0x0  }
0x4d: {  	s8 =	rddreg [dreg:$0xa];
	[sflag:s30] =	ssyncadd.s32 $0xFFFFD800  }
0x4e: {  	[spmem:s8] =	stream.linear.scatter [tilespmem:s29], [sflag:$0x5], $0x2800, $0x200038;
	[tilespmem:$0x1EB00] =	vst v63  }
0x4f: {  	_ =	swait.ge [sflag:s30], $0x2800  }
0x50: {  	[sflag:s30] =	ssyncset.done $0x0  }
0x51: {  	s25 =	rddreg [dreg:$0xb];
	[sflag:s30] =	ssyncadd.s32 $0xFFFFD800  }
0x52: {  	[spmem:s25] =	stream.linear.scatter [tilespmem:s29], [sflag:$0x5], $0x2800, $0x200038;
	[tilespmem:$0x1EB00] =	vst v63  }
0x53: {  	_ =	swait.ge [sflag:s30], $0x2800  }
0x54: {  	[sflag:s30] =	ssyncset.done $0x0  }
0x55: {  	[sflag:s30] =	ssyncadd.s32 $0xFFFFD800  }
0x56: {  	_ =	strace $0x90000048;
	[tilespmem:$0x1EA80] =	vst v0  }
0x57: {  	[tilespmem:$0x1EA90] =	vst v0  }
0x58: {  	[tilespmem:$0x1EAA0] =	vst v0  }
0x59: {  	[tilespmem:$0x1EAB0] =	vst v0  }
0x5a: {  	[tilespmem:$0x1EAC0] =	vst v0  }
0x5b: {  	[tilespmem:$0x1EAD0] =	vst v0  }
0x5c: {  	[tilespmem:$0x1EAE0] =	vst v0  }
0x5d: {  	[tilespmem:$0x1EAF0] =	vst v0  }
0x5e: {  	[spmem:s16] =	stream.linear.scatter [tilespmem:s31], [sflag:$0x5], $0x50, $0x38;
	[tilespmem:$0x1EB00] =	vst v63  }
0x5f: {  	_ =	swait.ge [sflag:s30], $0x50  }
0x60: {  	[sflag:s30] =	ssyncset.done $0x0  }
0x61: {  	s26 =	rddreg [dreg:$0xc];
	[sflag:s30] =	ssyncadd.s32 $0xFFFFFFB0  }
0x62: {  	[spmem:s26] =	stream.linear.scatter [tilespmem:s31], [sflag:$0x5], $0x50, $0x38;
	[tilespmem:$0x1EB00] =	vst v63  }
0x63: {  	_ =	swait.ge [sflag:s30], $0x50  }
0x64: {  	[sflag:s30] =	ssyncset.done $0x0  }
0x65: {  	s8 =	rddreg [dreg:$0xd];
	[sflag:s30] =	ssyncadd.s32 $0xFFFFFFB0  }
0x66: {  	[spmem:s8] =	stream.linear.scatter [tilespmem:s31], [sflag:$0x5], $0x50, $0x38;
	[tilespmem:$0x1EB00] =	vst v63  }
0x67: {  	_ =	swait.ge [sflag:s30], $0x50  }
0x68: {  	[sflag:s30] =	ssyncset.done $0x0  }
0x69: {  	s25 =	rddreg [dreg:$0xe];
	[sflag:s30] =	ssyncadd.s32 $0xFFFFFFB0  }
0x6a: {  	[spmem:s25] =	stream.linear.scatter [tilespmem:s31], [sflag:$0x5], $0x50, $0x38;
	[tilespmem:$0x1EB00] =	vst v63  }
0x6b: {  	_ =	swait.ge [sflag:s30], $0x50  }
0x6c: {  	[sflag:s30] =	ssyncset.done $0x0  }
0x6d: {  	s26 =	rddreg [dreg:$0xf];
	[sflag:s30] =	ssyncadd.s32 $0xFFFFFFB0  }
0x6e: {  	[spmem:s26] =	stream.linear.scatter [tilespmem:s31], [sflag:$0x5], $0x50, $0x38;
	[tilespmem:$0x1EB00] =	vst v63  }
0x6f: {  	_ =	swait.ge [sflag:s30], $0x50  }
0x70: {  	[sflag:s30] =	ssyncset.done $0x0  }
0x71: {  	s8 =	rddreg [dreg:$0x10];
	[sflag:s30] =	ssyncadd.s32 $0xFFFFFFB0  }
0x72: {  	[spmem:s8] =	stream.linear.scatter [tilespmem:s31], [sflag:$0x5], $0x50, $0x38;
	[tilespmem:$0x1EB00] =	vst v63  }
0x73: {  	_ =	swait.ge [sflag:s30], $0x50  }
0x74: {  	[sflag:s30] =	ssyncset.done $0x0  }
0x75: {  	s25 =	rddreg [dreg:$0x11];
	[sflag:s30] =	ssyncadd.s32 $0xFFFFFFB0  }
0x76: {  	[spmem:s25] =	stream.linear.scatter [tilespmem:s31], [sflag:$0x5], $0x50, $0x38;
	[tilespmem:$0x1EB00] =	vst v63  }
0x77: {  	_ =	swait.ge [sflag:s30], $0x50  }
0x78: {  	[sflag:s30] =	ssyncset.done $0x0  }
0x79: {  	s26 =	rddreg [dreg:$0x12];
	[sflag:s30] =	ssyncadd.s32 $0xFFFFFFB0  }
0x7a: {  	[spmem:s26] =	stream.linear.scatter [tilespmem:s31], [sflag:$0x5], $0x50, $0x38;
	[tilespmem:$0x1EB00] =	vst v63  }
0x7b: {  	_ =	swait.ge [sflag:s30], $0x50  }
0x7c: {  	[sflag:s30] =	ssyncset.done $0x0  }
0x7d: {  	[sflag:s30] =	ssyncadd.s32 $0xFFFFFFB0  }
0x7e: {  	[tilespmem:$0x1EA80] =	vst v1  }
0x7f: {  	[tilespmem:$0x1EA90] =	vst v1  }
0x80: {  	[tilespmem:$0x1EAA0] =	vst v1  }
0x81: {  	[tilespmem:$0x1EAB0] =	vst v1  }
0x82: {  	[tilespmem:$0x1EAC0] =	vst v1  }
0x83: {  	[tilespmem:$0x1EAD0] =	vst v1  }
0x84: {  	[tilespmem:$0x1EAE0] =	vst v1  }
0x85: {  	[tilespmem:$0x1EAF0] =	vst v1  }
0x86: {  	[bflag:$0x0] =	sbarrier.arrive $0xFFFF  }
0x87: {  	s23 =	simm.s32 $0x0;
	p1 =	por $0x1, $0x1;
	_ =	strace $0x80000049  }
.LBB2_4:
0x88: {  	s23 =	sadd.s32 s24, s23  }
0x89: {  	s23 =	sshll.u32 s23, $0x4  }
0x8a: {  	s25 =	sadd.s32 s1, s23  }
0x8b: {  	[tilespmem:s0], [sflag:$0x5] =	stream.linear.gather [hbm4b:s25+s5], $0x1400, $0x200038;
	[tilespmem:$0x1EB00] =	vst v63  }
0x8c: {  	_ =	swait.ge [sflag:s30], $0x1400  }
0x8d: {  	[sflag:s30] =	ssyncset.done $0x0  }
0x8e: {  	s23 =	sadd.s32 s7, s23;
	[sflag:s30] =	ssyncadd.s32 $0xFFFFEC00  }
0x8f: {  	[tilespmem:s4], [sflag:$0x5] =	stream.linear.gather [hbm4b:s23+s5], $0x1400, $0x200038;
	[tilespmem:$0x1EB00] =	vst v63  }
0x90: {  	_ =	swait.ge [sflag:s30], $0x1400  }
0x91: {  	[sflag:s30] =	ssyncset.done $0x0  }
0x92: {  	[sflag:s30] =	ssyncadd.s32 $0xFFFFEC00  }
0x93: {  	[tilespmem:s29], [sflag:$0x1] =	stream.indirect.gather [hbm4b:s6+s9], $0x80, s0, s9, $0x2000b8;
	[tilespmem:$0x1EB00] =	vst v63  }
0x94: {  	_ =	swait.ge [sflag:s10], $0x3E80  }
0x95: {  	[sflag:s10] =	ssyncset.done $0x0  }
0x96: {  	[sflag:s10] =	ssyncadd.s32 $0xFFFFC180  }
0x97: {  	[tilespmem:s12], [sflag:$0x2] =	stream.indirect.gather [hbm4b:s6+s9], $0x80, s11, s9, $0x2000b8;
	[tilespmem:$0x1EB00] =	vst v63  }
0x98: {  	_ = 	snop  }
0x99: {  	[spmem:s2] =	stream.indirect.scatter.add.f32 [tilespmem:s29], [sflag:$0x3], $0x80, s4, s9, $0x2000b8;
	[tilespmem:$0x1EB00] =	vst v63  }
0x9a: {  	_ = 	snop  }
0x9b: {  	[spmem:s3] =	stream.indirect.scatter.add.f32 [tilespmem:s31], [sflag:$0x5], $0x1, s4, s9, $0x2000b8;
	[tilespmem:$0x1EB00] =	vst v63  }
0x9c: {  	_ =	swait.ge [sflag:s30], $0x7D  }
0x9d: {  	[sflag:s30] =	ssyncset.done $0x0  }
0x9e: {  	[sflag:s30] =	ssyncadd.s32 $0xFFFFFF83  }
0x9f: {  	_ =	swait.ge [sflag:s13], $0x3E80  }
0xa0: {  	[sflag:s13] =	ssyncset.done $0x0  }
0xa1: {  	[sflag:s13] =	ssyncadd.s32 $0xFFFFC180  }
0xa2: {  	_ =	swait.ge [sflag:s14], $0x3E80  }
0xa3: {  	[sflag:s14] =	ssyncset.done $0x0  }
0xa4: {  	[sflag:s14] =	ssyncadd.s32 $0xFFFFC180  }
0xa5: {  	[tilespmem:s29], [sflag:$0x1] =	stream.indirect.gather [hbm4b:s6+s9], $0x80, s15, s9, $0x2000b8;
	[tilespmem:$0x1EB00] =	vst v63  }
0xa6: {  	_ = 	snop  }
0xa7: {  	[spmem:s2] =	stream.indirect.scatter.add.f32 [tilespmem:s12], [sflag:$0x4], $0x80, s17, s9, $0x2000b8;
	[tilespmem:$0x1EB00] =	vst v63  }
0xa8: {  	_ = 	snop  }
0xa9: {  	[spmem:s3] =	stream.indirect.scatter.add.f32 [tilespmem:s31], [sflag:$0x5], $0x1, s17, s9, $0x2000b8;
	[tilespmem:$0x1EB00] =	vst v63  }
0xaa: {  	_ =	swait.ge [sflag:s30], $0x7D  }
0xab: {  	[sflag:s30] =	ssyncset.done $0x0  }
0xac: {  	[sflag:s30] =	ssyncadd.s32 $0xFFFFFF83  }
0xad: {  	_ =	swait.ge [sflag:s10], $0x3E80  }
0xae: {  	[sflag:s10] =	ssyncset.done $0x0  }
0xaf: {  	[sflag:s10] =	ssyncadd.s32 $0xFFFFC180  }
0xb0: {  	_ =	swait.ge [sflag:s18], $0x3E80  }
0xb1: {  	[sflag:s18] =	ssyncset.done $0x0  }
0xb2: {  	s26 =	simm.s32 $0x14180;
	[sflag:s18] =	ssyncadd.s32 $0xFFFFC180  }
0xb3: {  	[tilespmem:s12], [sflag:$0x2] =	stream.indirect.gather [hbm4b:s6+s9], $0x80, s26, s9, $0x2000b8;
	[tilespmem:$0x1EB00] =	vst v63  }
0xb4: {  	s8 =	simm.s32 $0x15500  }
0xb5: {  	[spmem:s2] =	stream.indirect.scatter.add.f32 [tilespmem:s29], [sflag:$0x3], $0x80, s8, s9, $0x2000b8;
	[tilespmem:$0x1EB00] =	vst v63  }
0xb6: {  	_ = 	snop  }
0xb7: {  	[spmem:s3] =	stream.indirect.scatter.add.f32 [tilespmem:s31], [sflag:$0x5], $0x1, s8, s9, $0x2000b8;
	[tilespmem:$0x1EB00] =	vst v63  }
0xb8: {  	_ =	swait.ge [sflag:s30], $0x7D  }
0xb9: {  	[sflag:s30] =	ssyncset.done $0x0  }
0xba: {  	[sflag:s30] =	ssyncadd.s32 $0xFFFFFF83  }
0xbb: {  	_ =	swait.ge [sflag:s13], $0x3E80  }
0xbc: {  	[sflag:s13] =	ssyncset.done $0x0  }
0xbd: {  	[sflag:s13] =	ssyncadd.s32 $0xFFFFC180  }
0xbe: {  	_ =	swait.ge [sflag:s14], $0x3E80  }
0xbf: {  	[sflag:s14] =	ssyncset.done $0x0  }
0xc0: {  	s25 =	simm.s32 $0x14200;
	[sflag:s14] =	ssyncadd.s32 $0xFFFFC180  }
0xc1: {  	[tilespmem:s29], [sflag:$0x1] =	stream.indirect.gather [hbm4b:s6+s9], $0x80, s25, s9, $0x2000b8;
	[tilespmem:$0x1EB00] =	vst v63  }
0xc2: {  	s26 =	simm.s32 $0x15580  }
0xc3: {  	[spmem:s2] =	stream.indirect.scatter.add.f32 [tilespmem:s12], [sflag:$0x4], $0x80, s26, s9, $0x2000b8;
	[tilespmem:$0x1EB00] =	vst v63  }
0xc4: {  	_ = 	snop  }
0xc5: {  	[spmem:s3] =	stream.indirect.scatter.add.f32 [tilespmem:s31], [sflag:$0x5], $0x1, s26, s9, $0x2000b8;
	[tilespmem:$0x1EB00] =	vst v63  }
0xc6: {  	_ =	swait.ge [sflag:s30], $0x7D  }
0xc7: {  	p0 =	por p1, p1;
	s23 =	simm.s32 $0xFFFFBC00;
	[sflag:s30] =	ssyncset.done $0x0  }
.LBB2_5:
0xc8: {  	p1 =	sne.s32 s23, $0xFFFFFC00  }
0xc9: {  	[sflag:s30] =	ssyncadd.s32 $0xFFFFFF83;
	s25 =	smov.u32 s23;
	s23 =	sadd.s32 $0x400, s23  }
0xca: {  	_ = 	snop  }
0xcb: {  	_ =	swait.ge [sflag:s10], $0x3E80  }
0xcc: {  	[sflag:s10] =	ssyncset.done $0x0  }
0xcd: {  	[sflag:s10] =	ssyncadd.s32 $0xFFFFC180  }
0xce: {  	_ =	swait.ge [sflag:s18], $0x3E80  }
0xcf: {  	s25 =	sshra.s32 s25, $0x2;
	[sflag:s18] =	ssyncset.done $0x0  }
0xd0: {  	s26 =	sadd.s32 $0x15380, s25;
	[sflag:s18] =	ssyncadd.s32 $0xFFFFC180  }
0xd1: {  	[tilespmem:s12], [sflag:$0x2] =	stream.indirect.gather [hbm4b:s6+s9], $0x80, s26, s9, $0x2000b8;
	[tilespmem:$0x1EB00] =	vst v63  }
0xd2: {  	s26 =	sadd.s32 $0x16700, s25  }
0xd3: {  	[spmem:s2] =	stream.indirect.scatter.add.f32 [tilespmem:s29], [sflag:$0x3], $0x80, s26, s9, $0x2000b8;
	[tilespmem:$0x1EB00] =	vst v63  }
0xd4: {  	_ = 	snop  }
0xd5: {  	[spmem:s3] =	stream.indirect.scatter.add.f32 [tilespmem:s31], [sflag:$0x5], $0x1, s26, s9, $0x2000b8;
	[tilespmem:$0x1EB00] =	vst v63  }
0xd6: {  	_ =	swait.ge [sflag:s30], $0x7D  }
0xd7: {  	[sflag:s30] =	ssyncset.done $0x0  }
0xd8: {  	[sflag:s30] =	ssyncadd.s32 $0xFFFFFF83  }
0xd9: {  	_ =	swait.ge [sflag:s13], $0x3E80  }
0xda: {  	[sflag:s13] =	ssyncset.done $0x0  }
0xdb: {  	[sflag:s13] =	ssyncadd.s32 $0xFFFFC180  }
0xdc: {  	_ =	swait.ge [sflag:s14], $0x3E80  }
0xdd: {  	[sflag:s14] =	ssyncset.done $0x0  }
0xde: {  	s26 =	sadd.s32 $0x15400, s25;
	[sflag:s14] =	ssyncadd.s32 $0xFFFFC180  }
0xdf: {  	[tilespmem:s29], [sflag:$0x1] =	stream.indirect.gather [hbm4b:s6+s9], $0x80, s26, s9, $0x2000b8;
	[tilespmem:$0x1EB00] =	vst v63  }
0xe0: {  	s25 =	sadd.s32 $0x16780, s25  }
0xe1: {  	[spmem:s2] =	stream.indirect.scatter.add.f32 [tilespmem:s12], [sflag:$0x4], $0x80, s25, s9, $0x2000b8;
	[tilespmem:$0x1EB00] =	vst v63  }
.Ltmp1:
0xe2: {  	_ = 	snop;
	(pc) =	sbr.rel @p1 .LBB2_5-.Ltmp1, $4  }
0xe3: {  	_ = 	snop  }
0xe4: {  	[spmem:s3] =	stream.indirect.scatter.add.f32 [tilespmem:s31], [sflag:$0x5], $0x1, s25, s9, $0x2000b8;
	[tilespmem:$0x1EB00] =	vst v63  }
0xe5: {  	_ =	swait.ge [sflag:s30], $0x7D  }
0xe6: {  	[sflag:s30] =	ssyncset.done $0x0  }
0xe7: {  	[sflag:s30] =	ssyncadd.s32 $0xFFFFFF83  }
0xe8: {  	_ =	swait.ge [sflag:s10], $0x3E80  }
0xe9: {  	[sflag:s10] =	ssyncset.done $0x0  }
0xea: {  	[sflag:s10] =	ssyncadd.s32 $0xFFFFC180  }
0xeb: {  	_ =	swait.ge [sflag:s18], $0x3E80  }
0xec: {  	[sflag:s18] =	ssyncset.done $0x0  }
0xed: {  	[sflag:s18] =	ssyncadd.s32 $0xFFFFC180  }
0xee: {  	[tilespmem:s12], [sflag:$0x2] =	stream.indirect.gather [hbm4b:s6+s9], $0x80, s19, s9, $0x2000b8;
	[tilespmem:$0x1EB00] =	vst v63  }
0xef: {  	_ = 	snop  }
0xf0: {  	[spmem:s2] =	stream.indirect.scatter.add.f32 [tilespmem:s29], [sflag:$0x3], $0x80, s20, s9, $0x2000b8;
	[tilespmem:$0x1EB00] =	vst v63  }
0xf1: {  	_ = 	snop  }
0xf2: {  	[spmem:s3] =	stream.indirect.scatter.add.f32 [tilespmem:s31], [sflag:$0x5], $0x1, s20, s9, $0x2000b8;
	[tilespmem:$0x1EB00] =	vst v63  }
0xf3: {  	_ =	swait.ge [sflag:s30], $0x7D  }
0xf4: {  	[sflag:s30] =	ssyncset.done $0x0  }
0xf5: {  	[sflag:s30] =	ssyncadd.s32 $0xFFFFFF83  }
0xf6: {  	_ =	swait.ge [sflag:s13], $0x3E80  }
0xf7: {  	[sflag:s13] =	ssyncset.done $0x0  }
0xf8: {  	[sflag:s13] =	ssyncadd.s32 $0xFFFFC180  }
0xf9: {  	_ =	swait.ge [sflag:s14], $0x3E80  }
0xfa: {  	[sflag:s14] =	ssyncset.done $0x0  }
0xfb: {  	[sflag:s14] =	ssyncadd.s32 $0xFFFFC180  }
0xfc: {  	[spmem:s2] =	stream.indirect.scatter.add.f32 [tilespmem:s12], [sflag:$0x4], $0x80, s21, s9, $0x2000b8;
	[tilespmem:$0x1EB00] =	vst v63  }
0xfd: {  	_ = 	snop  }
0xfe: {  	[spmem:s3] =	stream.indirect.scatter.add.f32 [tilespmem:s31], [sflag:$0x5], $0x1, s21, s9, $0x2000b8;
	[tilespmem:$0x1EB00] =	vst v63  }
0xff: {  	_ =	swait.ge [sflag:s30], $0x7D  }
.Ltmp2:
0x100: {  	[sflag:s30] =	ssyncset.done $0x0;
	(pc) =	sbr.rel @p0 .LBB2_4-.Ltmp2, $4  }
0x101: {  	[sflag:s30] =	ssyncadd.s32 $0xFFFFFF83  }
0x102: {  	_ =	swait.ge [sflag:s18], $0x3E80  }
0x103: {  	[sflag:s18] =	ssyncset.done $0x0  }
0x104: {  	s23 =	simm.s32 $0x28;
	p1 =	por $0x0, $0x0;
	[sflag:s18] =	ssyncadd.s32 $0xFFFFC180  }
0x105: {  	_ =	strace $0x90000049  }
0x106: {  	_ =	strace $0x8000004A  }
0x107: {  	s23 =	stileid.u32;
	[bflag:$0x0] =	sbarrier.arrive $0xFFFF  }
0x108: {  	s23 =	sshll.u32 s23, $0x6;
	s8 =	rddreg [dreg:$0x16]  }
0x109: {  	s23 =	sor.u32 $0x1C05, s23;
	s26 =	rddreg [dreg:$0x13];
	s25 =	sshrl.u32 s8, $0x3  }
0x10a: {  	[hbm:s26], [sflag:s23] =	dma.local [spmem:s25], $0x2800  }
0x10b: {  	_ =	swait.ge [sflag:s30], $0x2800  }
0x10c: {  	s8 =	simm.s32 $0x10;
	[sflag:s30] =	ssyncset.done $0x0  }
0x10d: {  	s25 =	sshrl.u32 s16, $0x3;
	s26 =	rddreg [dreg:$0x14];
	[sflag:s30] =	ssyncadd.s32 $0xFFFFD800  }
0x10e: {  	[hbm:s26@s28], [sflag:s23] =	dma.strided [spmem:s25@s8], $0x50, s10, $0x10   }
0x10f: {  	_ =	swait.ge [sflag:s30], $0x50  }
0x110: {  	s22 =	sadd.s32 $0x1, s22;
	s26 =	rddreg [dreg:$0x15]  }
0x111: {  	p0 =	sne.s32 s22, s26  }
.Ltmp3:
0x112: {  	_ = 	snop;
	(pc) =	sbr.rel @p0 .LBB2_1-.Ltmp3, $4  }
0x113: {  	_ = 	snop  }
0x114: {  	[sflag:s30] =	ssyncset.done $0x0  }
0x115: {  	[sflag:s30] =	ssyncadd.s32 $0xFFFFFFB0  }
0x116: {  	_ =	strace $0x9000004A  }
0x117: {  	_ =	sfence.sel $0x180000  }
0x118: {  	[bflag:$0x0] =	sbarrier.arrive $0xFFFF  }
0x119: {  	_ =	strace $0x90000047  }
0x11a: {  	s0 =	stileid.u32;
	[bflag:$0x2] =	sbarrier.arrive $0xFFFF  }
0x11b: {  	p0 =	sne.s32 s0, $0x0;
	s0 =	rddreg [dreg:$0x4]  }
0x11c: {  	s0 =	sadd.s32 @!p0 $0x100000, s0  }
0x11d: {  	[sflag:s0] =	ssyncadd.tile.s32 @!p0 $0x1;
	_ =	shalt  }
.Lfunc_end2:
_tile_overlayer_lowered:
.L_overlay_start_2:
0x11e: {  	(tag) =	ssettag $0x2  }
0x11f: {  	s0 =	rddreg [dreg:$0x0];
	s2 =	stileid.u32  }
0x120: {  	s1 =	rddreg [dreg:$0x1];
	p0 =	sne.s32 s2, $0x0  }
0x121: {  	s3 =	rddreg [dreg:$0x2];
	[bflag:$0x3] =	sbarrier.arrive $0xFFFF;
	s2 =	simm.s32 @!p0 $0x1C05  }
0x122: {  	[timem:s3], [sflag:s2] =	dma.local @!p0 [hbm:s0], s1  }
0x123: {  	s0 =	simm.s32 @!p0 $0x5  }
0x124: {  	_ =	swait.ge @!p0 [sflag:s0], s1  }
0x125: {  	s1 =	ssub.s32 @!p0 $0x0, s1;
	[sflag:s0] =	ssyncset.done @!p0 $0x0  }
0x126: {  	[sflag:s0] =	ssyncadd.s32 @!p0 s1  }
0x127: {  	[bflag:$0x3] =	sbarrier.arrive $0xFFFF  }
0x128: {  	_ =	shalt  }

</sc_bundles>
